<compile_context>
chip_gen: v7x
topology: tpu7x:2x2x1
jax: 0.10.2.dev20260603
libtpu: 0.0.44.dev20260713+nightly
codegen_flags: <defaults>
</compile_context>

<pallas_src>
import functools

import jax
import jax.numpy as jnp
from jax import lax
from jax.experimental import pallas as pl
from jax.experimental.pallas import tpu as pltpu
from jax.experimental.pallas import tpu_sc as plsc

F32 = jnp.float32

RBF_DMAX = 15.0
RBF_DIM = 16
MSG_NORM = 10.0

NUM_CORES = 2
NUM_SUBCORES = 16
NW = NUM_CORES * NUM_SUBCORES
CH = 128

_EDGE_BLOCK = 1024
_NODE_BLOCK = 2048



def _sc_gather(table, aux, coordt, src_w, dst_w):
    nch = src_w.shape[1]
    d = table.shape[1]
    da = aux.shape[1]
    e_pad = NW * nch * CH
    mesh = plsc.VectorSubcoreMesh(core_axis_name="c", subcore_axis_name="s")

    @functools.partial(
        pl.kernel,
        mesh=mesh,
        out_type=[
            jax.ShapeDtypeStruct((e_pad, d), F32),
            jax.ShapeDtypeStruct((e_pad, da), F32),
            jax.ShapeDtypeStruct((e_pad, 16), F32),
        ],
        scratch_types=[
            pltpu.VMEM((nch, CH), jnp.int32),
            pltpu.VMEM((nch, CH), jnp.int32),
            pltpu.VMEM((4, CH, d), F32),
            pltpu.VMEM((4, CH, da), F32),
            pltpu.VMEM((4, CH, 16), F32),
            pltpu.SemaphoreType.DMA,
            pltpu.SemaphoreType.DMA,
            pltpu.SemaphoreType.DMA,
            pltpu.SemaphoreType.DMA,
            pltpu.SemaphoreType.DMA,
            pltpu.SemaphoreType.DMA,
        ],
        compiler_params=pltpu.CompilerParams(use_tc_tiling_on_sc=False),
    )
    def gk(table_hbm, aux_hbm, coord_hbm, src_hbm, dst_hbm,
           rows_out, aux_out, cd_out,
           idx_s, idx_d, rows_v, aux_v, cd_v,
           sem0, sem1, sem2, sem3, sem4, sem5):
        wid = lax.axis_index("s") * NUM_CORES + lax.axis_index("c")
        base = wid * (nch * CH)
        pltpu.sync_copy(src_hbm.at[wid], idx_s)
        pltpu.sync_copy(dst_hbm.at[wid], idx_d)
        gsem = [sem0, sem1, sem4, sem5]

        def gstart(slot, j):
            pltpu.async_copy(table_hbm.at[idx_s.at[j]], rows_v.at[slot],
                             gsem[slot])
            pltpu.async_copy(aux_hbm.at[idx_s.at[j]], aux_v.at[slot],
                             gsem[slot])
            pltpu.async_copy(coord_hbm.at[idx_d.at[j]], cd_v.at[slot],
                             gsem[slot])

        def gwait(slot, j):
            pltpu.make_async_copy(table_hbm.at[idx_s.at[j]],
                                  rows_v.at[slot], gsem[slot]).wait()
            pltpu.make_async_copy(aux_hbm.at[idx_s.at[j]],
                                  aux_v.at[slot], gsem[slot]).wait()
            pltpu.make_async_copy(coord_hbm.at[idx_d.at[j]],
                                  cd_v.at[slot], gsem[slot]).wait()

        def store(slot, j):
            off = base + j * CH
            c1 = pltpu.async_copy(rows_v.at[slot],
                                  rows_out.at[pl.ds(off, CH)], sem2)
            c2 = pltpu.async_copy(aux_v.at[slot],
                                  aux_out.at[pl.ds(off, CH)], sem2)
            c3 = pltpu.async_copy(cd_v.at[slot],
                                  cd_out.at[pl.ds(off, CH)], sem3)
            c1.wait()
            c2.wait()
            c3.wait()

        nslots = 4
        for k in range(nslots):
            gstart(k, k)

        def body(jj, carry):
            jbase = jj * nslots
            for k in range(nslots):
                j = jbase + k
                gwait(k, j)
                store(k, j)

                @pl.when(j + nslots < nch)
                def _():
                    gstart(k, j + nslots)

            return carry

        lax.fori_loop(0, nch // nslots, body, 0)

    return gk(table, aux, coordt, src_w, dst_w)



def _sc_scatter(msg2, dst_t, zeros_hbm):
    nch2 = dst_t.shape[1]
    dm = msg2.shape[2]
    node_pad = zeros_hbm.shape[0]
    rows_per = node_pad // NUM_SUBCORES
    mesh = plsc.VectorSubcoreMesh(core_axis_name="c", subcore_axis_name="s")

    @functools.partial(
        pl.kernel,
        mesh=mesh,
        out_type=jax.ShapeDtypeStruct((NUM_CORES, node_pad, dm), F32),
        scratch_types=[
            pltpu.VMEM((nch2, CH), jnp.int32),
            pltpu.VMEM((2, CH, dm), F32),
            pltpu.VMEM_SHARED((node_pad, dm), F32),
            pltpu.SemaphoreType.DMA,
            pltpu.SemaphoreType.DMA,
        ],
    )
    def sk(msg_hbm, dst_hbm, zero_hbm, out_hbm, idx_d, msg_v, acc,
           sem0, sem1):
        cid = lax.axis_index("c")
        sid = lax.axis_index("s")
        lsem = [sem0, sem1]

        pltpu.sync_copy(zero_hbm.at[pl.ds(sid * rows_per, rows_per)],
                        acc.at[pl.ds(sid * rows_per, rows_per)])
        plsc.subcore_barrier()

        pltpu.sync_copy(dst_hbm.at[sid], idx_d)

        def lstart(slot, j):
            off = (sid * nch2 + j) * CH
            pltpu.async_copy(msg_hbm.at[cid].at[pl.ds(off, CH)],
                             msg_v.at[slot], lsem[slot])

        def lwait(slot, j):
            off = (sid * nch2 + j) * CH
            pltpu.make_async_copy(msg_hbm.at[cid].at[pl.ds(off, CH)],
                                  msg_v.at[slot], lsem[slot]).wait()

        def accum(slot, j):
            pltpu.sync_copy(msg_v.at[slot], acc.at[idx_d.at[j]], add=True)

        lstart(0, 0)

        def body(jj, carry):
            j0 = jj * 2
            j1 = j0 + 1
            lstart(1, j1)
            lwait(0, j0)
            accum(0, j0)

            @pl.when(jj + 1 < nch2 // 2)
            def _():
                lstart(0, j0 + 2)

            lwait(1, j1)
            accum(1, j1)
            return carry

        lax.fori_loop(0, nch2 // 2, body, 0)
        plsc.subcore_barrier()

        pltpu.sync_copy(acc.at[pl.ds(sid * rows_per, rows_per)],
                        out_hbm.at[cid].at[pl.ds(sid * rows_per, rows_per)])

    return sk(msg2, dst_t, zeros_hbm)



def _edge_tc(rows, aux, coordd, msg_params, s, v):
    e_pad, d = rows.shape
    da = aux.shape[1]
    wh, wu, wm, bm, wg, bg = msg_params
    h = wh.shape[1]
    wh0 = wh[0:1]
    wh1 = wh[1:]
    wms = wm[:s]
    wmd = wm[s:s + RBF_DIM]
    wmh = wm[s + RBF_DIM:]
    bm2 = bm.reshape(1, -1)
    bg2 = bg.reshape(1, -1)

    def body(rows_ref, aux_ref, cd_ref, wh0_ref, wh1_ref, wu_ref,
             wms_ref, wmd_ref, wmh_ref, bm_ref, wg_ref, bg_ref, out_ref):
        dot = functools.partial(jnp.dot, preferred_element_type=F32)
        sca = rows_ref[...]
        aux_b = aux_ref[...]
        xs = aux_b[:, 3 * v:]
        xd = cd_ref[...]
        diff = xs - xd
        d2 = jnp.sum(diff * diff, axis=1, keepdims=True)
        dij = jnp.sqrt(jnp.maximum(d2, 1e-8)) + 1e-8
        diffn = diff / dij
        sigma = RBF_DMAX / RBF_DIM
        mu = lax.broadcasted_iota(jnp.int32, (1, RBF_DIM), 1).astype(F32) * (
            RBF_DMAX / (RBF_DIM - 1))
        z = (dij - mu) / sigma
        d_rbf = jnp.exp(-(z * z))

        wh0_b = wh0_ref[...]
        wh1_b = wh1_ref[...]
        wu_b = wu_ref[...]
        vu = []
        sh2 = None
        for c in range(3):
            xc = diffn[:, c:c + 1]
            vc = aux_b[:, v * c:v * (c + 1)]
            vh_c = xc * wh0_b + dot(vc, wh1_b)
            vu.append(dot(vh_c, wu_b))
            sq = vh_c * vh_c
            sh2 = sq if sh2 is None else sh2 + sq
        sh = jnp.sqrt(jnp.maximum(sh2, 1e-8))
        pre = (dot(sca, wms_ref[...]) + dot(d_rbf, wmd_ref[...])
               + dot(sh, wmh_ref[...]) + bm_ref[...])
        feats = pre * jax.nn.sigmoid(pre)
        gate = jax.nn.sigmoid(dot(feats, wg_ref[...]) + bg_ref[...])
        out_ref[0] = feats
        out_ref[1] = jnp.concatenate(
            [gate * vu[c] for c in range(3)]
            + [jnp.zeros((gate.shape[0], 80), F32)], axis=1)

    b = _EDGE_BLOCK
    grid = (e_pad // b,)
    full = lambda a: pl.BlockSpec(a.shape, lambda i: (0,) * a.ndim)
    consts = (wh0, wh1, wu, wms, wmd, wmh, bm2, wg, bg2)
    return pl.pallas_call(
        body,
        grid=grid,
        in_specs=[
            pl.BlockSpec((b, d), lambda i: (i, 0)),
            pl.BlockSpec((b, da), lambda i: (i, 0)),
            pl.BlockSpec((b, 16), lambda i: (i, 0)),
        ] + [full(c) for c in consts],
        out_specs=pl.BlockSpec((2, b, 128), lambda i: (0, i, 0)),
        out_shape=jax.ShapeDtypeStruct((2, e_pad, 128), F32),
    )(rows, aux, coordd, *consts)



def _node_tc(sca_pad, vec_pad, parts, upd_params, ln1_g, ln1_b, ln2_g, ln2_b,
             s, v):
    node_pad = sca_pad.shape[0]
    dm = parts.shape[2]
    wh, wu, wm, bm, wg, bg = upd_params
    wms = wm[:s]
    wmh = wm[s:]
    bm2 = bm.reshape(1, -1)
    bg2 = bg.reshape(1, -1)
    g1 = ln1_g.reshape(1, -1)
    b1 = ln1_b.reshape(1, -1)
    g2 = ln2_g.reshape(1, -1)
    b2 = ln2_b.reshape(1, -1)

    def layernorm(sx, v3, g_ref, b_ref):
        mu = jnp.mean(sx, axis=1, keepdims=True)
        xc = sx - mu
        var = jnp.mean(xc * xc, axis=1, keepdims=True)
        s_out = xc / jnp.sqrt(var + 1e-5) * g_ref[...] + b_ref[...]
        vn = jnp.maximum(v3[0] * v3[0] + v3[1] * v3[1] + v3[2] * v3[2], 1e-8)
        vnm = jnp.sqrt(jnp.mean(vn, axis=1, keepdims=True))
        return s_out, [vc / vnm for vc in v3]

    def body(sca_ref, vec_ref, parts_ref, g1_ref, b1_ref, wh_ref, wu_ref,
             wms_ref, wmh_ref, bm_ref, wg_ref, bg_ref, g2_ref, b2_ref,
             s_out_ref, v_out_ref):
        a0 = parts_ref[0]
        a1 = parts_ref[1]
        inv = 1.0 / MSG_NORM
        sx = sca_ref[...] + a0 * inv
        v3 = [vec_ref[:, v * c:v * (c + 1)]
              + a1[:, v * c:v * (c + 1)] * inv for c in range(3)]
        s1, v1 = layernorm(sx, v3, g1_ref, b1_ref)

        wh_b = wh_ref[...]
        wu_b = wu_ref[...]
        vu = []
        sh2 = None
        for c in range(3):
            vh_c = jnp.dot(v1[c], wh_b, preferred_element_type=F32)
            vu.append(jnp.dot(vh_c, wu_b, preferred_element_type=F32))
            sq = vh_c * vh_c
            sh2 = sq if sh2 is None else sh2 + sq
        sh = jnp.sqrt(jnp.maximum(sh2, 1e-8))
        pre = (jnp.dot(s1, wms_ref[...], preferred_element_type=F32)
               + jnp.dot(sh, wmh_ref[...], preferred_element_type=F32)
               + bm_ref[...])
        feats = pre * jax.nn.sigmoid(pre)
        gate = jax.nn.sigmoid(
            jnp.dot(feats, wg_ref[...], preferred_element_type=F32)
            + bg_ref[...])
        s2 = s1 + feats
        v2 = [v1[c] + gate * vu[c] for c in range(3)]
        s3, v3o = layernorm(s2, v2, g2_ref, b2_ref)
        s_out_ref[...] = s3
        for c in range(3):
            v_out_ref[:, v * c:v * (c + 1)] = v3o[c]

    bn = _NODE_BLOCK
    grid = (node_pad // bn,)
    full = lambda a: pl.BlockSpec(a.shape, lambda i: (0,) * a.ndim)
    return pl.pallas_call(
        body,
        grid=grid,
        in_specs=[
            pl.BlockSpec((bn, s), lambda i: (i, 0)),
            pl.BlockSpec((bn, 3 * v), lambda i: (i, 0)),
            pl.BlockSpec((2, bn, dm), lambda i: (0, i, 0)),
            full(g1), full(b1), full(wh), full(wu), full(wms), full(wmh),
            full(bm2), full(wg), full(bg2), full(g2), full(b2),
        ],
        out_specs=[
            pl.BlockSpec((bn, s), lambda i: (i, 0)),
            pl.BlockSpec((bn, 3 * v), lambda i: (i, 0)),
        ],
        out_shape=[
            jax.ShapeDtypeStruct((node_pad, s), F32),
            jax.ShapeDtypeStruct((node_pad, 3 * v), F32),
        ],
    )(sca_pad, vec_pad, parts, g1, b1, wh, wu, wms, wmh, bm2, wg, bg2, g2,
      b2)



def kernel(scalar_feat, coord_feat, vec_feat, edge_index, msg_params,
           upd_params, ln1_g, ln1_b, ln2_g, ln2_b):
    n, s = scalar_feat.shape
    v = vec_feat.shape[1]
    e = edge_index.shape[1]

    nch = -(-e // (NW * CH))
    e_pad = NW * nch * CH
    node_pad = -(-(n + 1) // _NODE_BLOCK) * _NODE_BLOCK

    src = edge_index[0].astype(jnp.int32)
    dst = edge_index[1].astype(jnp.int32)
    src_w = jnp.concatenate(
        [src, jnp.zeros((e_pad - e,), jnp.int32)]).reshape(NW, nch, CH)
    dst_p = jnp.concatenate(
        [dst, jnp.full((e_pad - e,), node_pad - 1, jnp.int32)])
    dst_w = dst_p.reshape(NW, nch, CH)

    vec_cm = vec_feat.transpose(0, 2, 1).reshape(n, 3 * v)
    coordt = jnp.pad(coord_feat, ((0, node_pad - n), (0, 13)))
    aux = jnp.concatenate(
        [vec_cm, jnp.pad(coord_feat, ((0, 0), (0, 13)))], axis=1)

    rows, aux_g, coordd = _sc_gather(scalar_feat, aux, coordt, src_w, dst_w)
    msg = _edge_tc(rows, aux_g, coordd, msg_params, s, v)

    nch2 = e_pad // (NUM_SUBCORES * CH)
    dst_t = dst_p.reshape(NUM_SUBCORES, nch2, CH)
    zeros_hbm = jnp.zeros((node_pad, 128), F32)
    parts = _sc_scatter(msg, dst_t, zeros_hbm)

    sca_pad = jnp.pad(scalar_feat, ((0, node_pad - n), (0, 0)))
    vec_pad = jnp.pad(vec_cm, ((0, node_pad - n), (0, 0)))
    s_full, v_full = _node_tc(sca_pad, vec_pad, parts, upd_params,
                              ln1_g, ln1_b, ln2_g, ln2_b, s, v)

    s_out = s_full[:n]
    v_out = v_full[:n].reshape(n, 3, v).transpose(0, 2, 1)
    return (s_out, v_out)

# --- scband reference (transcript-rebuilt; emitter-appended) ---
"""Pipeline reference for scband-gvpedge-conv-2585570312763 (READ-ONLY COPY).

The authoritative reference and input builder live on the scoring server;
editing this copy changes nothing except your own understanding.
"""

import jax, jax.numpy as jnp
import numpy as np

N = 10000
E = 160000
S = 128
V = 16
RBF_DIM = 16
RBF_DMAX = 15.0
MSG_NORM = 10.0


def _norm_no_nan(x, axis=-1, keepdims=False, eps=1e-8, sqrt=True):
    out = jnp.maximum(jnp.sum(jnp.square(x), axis=axis, keepdims=keepdims), eps)
    return jnp.sqrt(out) if sqrt else out


def _rbf(D, D_min=0.0, D_max=RBF_DMAX, D_count=RBF_DIM):
    D_mu = jnp.linspace(D_min, D_max, D_count).reshape(1, -1)
    D_sigma = (D_max - D_min) / D_count
    return jnp.exp(-((D[..., None] - D_mu) / D_sigma) ** 2)


def _gvp_params(key, v_in, v_out, f_in, f_out):
    ks = jax.random.split(key, 6)
    h = max(v_in, v_out)
    wh_k = 1.0 / np.sqrt(v_in)
    wu_k = 1.0 / np.sqrt(h)
    Wh = jax.random.uniform(ks[0], (v_in, h), minval=-wh_k, maxval=wh_k, dtype=jnp.float32)
    Wu = jax.random.uniform(ks[1], (h, v_out), minval=-wu_k, maxval=wu_k, dtype=jnp.float32)
    lk = 1.0 / np.sqrt(h + f_in)
    Wm = jax.random.uniform(ks[2], (h + f_in, f_out), minval=-lk, maxval=lk, dtype=jnp.float32)
    bm = jax.random.uniform(ks[3], (f_out,), minval=-lk, maxval=lk, dtype=jnp.float32)
    gk = 1.0 / np.sqrt(f_out)
    Wg = jax.random.uniform(ks[4], (f_out, v_out), minval=-gk, maxval=gk, dtype=jnp.float32)
    bg = jax.random.uniform(ks[5], (v_out,), minval=-gk, maxval=gk, dtype=jnp.float32)
    return (Wh, Wu, Wm, bm, Wg, bg)


def _gvp_apply(params, feats, vectors):
    Wh, Wu, Wm, bm, Wg, bg = params
    Vh = jnp.einsum('bvc,vh->bhc', vectors, Wh)
    Vu = jnp.einsum('bhc,hu->buc', Vh, Wu)
    sh = _norm_no_nan(Vh, axis=-1)
    s = jnp.concatenate([feats, sh], axis=1)
    feats_out = jax.nn.silu(s @ Wm + bm)
    gating = (feats_out @ Wg + bg)[..., None]
    vectors_out = jax.nn.sigmoid(gating) * Vu
    return feats_out, vectors_out


def _gvp_layernorm(gamma, beta, feats, vectors):
    mu = jnp.mean(feats, axis=-1, keepdims=True)
    var = jnp.var(feats, axis=-1, keepdims=True)
    normed_feats = (feats - mu) / jnp.sqrt(var + 1e-5) * gamma + beta
    vn = _norm_no_nan(vectors, axis=-1, keepdims=True, sqrt=False)
    vn = jnp.sqrt(jnp.mean(vn, axis=-2, keepdims=True))
    return normed_feats, vectors / vn


def setup_inputs(seed: int = 0) -> dict:
    key = jax.random.key(seed)
    k = jax.random.split(key, 6)
    scalar_feat = jax.random.normal(k[0], (N, S), dtype=jnp.float32)
    coord_feat = jax.random.normal(k[1], (N, 3), dtype=jnp.float32) * 10.0
    vec_feat = jax.random.normal(k[2], (N, V, 3), dtype=jnp.float32)
    edge_index = jax.random.randint(k[3], (2, E), 0, N)
    msg_params = _gvp_params(k[4], V + 1, V, S + RBF_DIM, S)
    upd_params = _gvp_params(k[5], V, V, S, S)
    ln1_g = jnp.ones((S,), dtype=jnp.float32)
    ln1_b = jnp.zeros((S,), dtype=jnp.float32)
    ln2_g = jnp.ones((S,), dtype=jnp.float32)
    ln2_b = jnp.zeros((S,), dtype=jnp.float32)
    return {"scalar_feat": scalar_feat, "coord_feat": coord_feat, "vec_feat": vec_feat,
            "edge_index": edge_index, "msg_params": msg_params, "upd_params": upd_params,
            "ln1_g": ln1_g, "ln1_b": ln1_b, "ln2_g": ln2_g, "ln2_b": ln2_b}


def reference(scalar_feat, coord_feat, vec_feat, edge_index, msg_params, upd_params, ln1_g, ln1_b, ln2_g, ln2_b):
    src, dst = edge_index[0], edge_index[1]
    # edge geometry: u_sub_v, normalize, RBF embed distance
    x_diff = coord_feat[src] - coord_feat[dst]
    dij = _norm_no_nan(x_diff, axis=-1, keepdims=True) + 1e-8
    x_diff = x_diff / dij
    d = _rbf(dij[:, 0])
    # message GVP on each edge
    vec_in = jnp.concatenate([x_diff[:, None, :], vec_feat[src]], axis=1)
    sca_in = jnp.concatenate([scalar_feat[src], d], axis=1)
    s_msg, v_msg = _gvp_apply(msg_params, sca_in, vec_in)
    # sum aggregation to dst nodes, normalized by message_norm
    s_agg = jax.ops.segment_sum(s_msg, dst, num_segments=N) / MSG_NORM
    v_agg = jax.ops.segment_sum(v_msg, dst, num_segments=N) / MSG_NORM
    # residual + layer norm (dropout rate is 0 -> identity)
    s_feat = scalar_feat + s_agg
    v_feat = vec_feat + v_agg
    s_feat, v_feat = _gvp_layernorm(ln1_g, ln1_b, s_feat, v_feat)
    # node update GVP + residual + layer norm
    s_out, v_out = _gvp_apply(upd_params, s_feat, v_feat)
    s_feat = s_feat + s_out
    v_feat = v_feat + v_out
    s_feat, v_feat = _gvp_layernorm(ln2_g, ln2_b, s_feat, v_feat)
    return (s_feat, v_feat)

if __name__ == "__main__":
    import jax
    _d = setup_inputs()
    print(jax.jit(kernel)(*tuple(_d.values())))

</pallas_src>

<mosaic_0001>
#map = affine_map<(d0, d1) -> (0, 0, 0)>
#map1 = affine_map<(d0, d1) -> (0, 0)>
module attributes {stable_mosaic.version = 14 : i64} {
  func.func @sk(%arg0: i32, %arg1: i32, %arg2: memref<2x163840x128xf32, #tpu.memory_space<hbm>>, %arg3: memref<16x80x128xi32, #tpu.memory_space<hbm>>, %arg4: memref<10240x128xf32, #tpu.memory_space<hbm>>, %arg5: memref<2x10240x128xf32, #tpu.memory_space<hbm>>, %arg6: memref<80x128xi32, #tpu.memory_space<vmem>>, %arg7: memref<2x128x128xf32, #tpu.memory_space<vmem>>, %arg8: memref<10240x128xf32, #tpu.memory_space<vmem_shared>>, %arg9: memref<!tpu.dma_semaphore, #tpu.memory_space<semaphore_mem>>, %arg10: memref<!tpu.dma_semaphore, #tpu.memory_space<semaphore_mem>>) attributes {dimension_semantics = [#tpu.dimension_semantics<core_parallel>, #tpu.dimension_semantics<subcore_parallel>], iteration_bounds = array<i64: 2, 16>, scalar_prefetch = 0 : i64, scratch_operands = 5 : i64, tpu.core_type = #tpu.core_type<sc_vector_subcore>, window_params = [{transform_indices = #map}, {transform_indices = #map}, {transform_indices = #map1}, {transform_indices = #map}]} {
    %mul3A = arith.constant 640 : i32
    %mul3A_0 = arith.muli %arg1, %mul3A : i32
    %mul3A_1 = arith.constant 640 : i32
    %mul3A_2 = arith.muli %arg1, %mul3A_1 : i32
    "tpu.region"() ({
      %run_scoped3A = tpu.sem_alloc : memref<!tpu.dma_semaphore, #tpu.memory_space<semaphore_mem>>
      %dma_start3A_38 = arith.constant 0 : i32
      %dma_start3A_39 = tpu.memref_slice %arg8[%mul3A_2, %dma_start3A_38] : memref<10240x128xf32, #tpu.memory_space<vmem_shared>> -> memref<640x128xf32, #tpu.memory_space<vmem_shared>>
      %dma_start3A_40 = arith.constant 0 : i32
      %dma_start3A_41 = tpu.memref_slice %arg4[%mul3A_0, %dma_start3A_40] : memref<10240x128xf32, #tpu.memory_space<hbm>> -> memref<640x128xf32, #tpu.memory_space<hbm>>
      tpu.enqueue_dma source(%dma_start3A_41 : memref<640x128xf32, #tpu.memory_space<hbm>>) target(%dma_start3A_39 : memref<640x128xf32, #tpu.memory_space<vmem_shared>>) target_semaphore(%run_scoped3A : memref<!tpu.dma_semaphore, #tpu.memory_space<semaphore_mem>>)
      %dma_wait3A = arith.constant 0 : i32
      %dma_wait3A_42 = tpu.memref_slice %arg8[%mul3A_2, %dma_wait3A] : memref<10240x128xf32, #tpu.memory_space<vmem_shared>> -> memref<640x128xf32, #tpu.memory_space<vmem_shared>>
      %dma_wait3A_43 = arith.constant 0 : i32
      %dma_wait3A_44 = tpu.memref_slice %arg4[%mul3A_0, %dma_wait3A_43] : memref<10240x128xf32, #tpu.memory_space<hbm>> -> memref<640x128xf32, #tpu.memory_space<hbm>>
      tpu.wait_dma2 semaphore(%run_scoped3A : memref<!tpu.dma_semaphore, #tpu.memory_space<semaphore_mem>>) src(%dma_wait3A_44 : memref<640x128xf32, #tpu.memory_space<hbm>>) dst(%dma_wait3A_42 : memref<640x128xf32, #tpu.memory_space<vmem_shared>>)
      tpu.yield
    }) : () -> ()
    %barrier3A = arith.constant 0 : index
    tpu.barrier barrier_id(%barrier3A)
    "tpu.region"() ({
      %run_scoped3A = tpu.sem_alloc : memref<!tpu.dma_semaphore, #tpu.memory_space<semaphore_mem>>
      %dma_start3A_38 = arith.constant 0 : i32
      %dma_start3A_39 = arith.constant 0 : i32
      %dma_start3A_40 = tpu.memref_slice %arg3[%arg1, %dma_start3A_38, %dma_start3A_39] : memref<16x80x128xi32, #tpu.memory_space<hbm>> -> memref<1x80x128xi32, #tpu.memory_space<hbm>>
      %dma_start3A_41 = tpu.memref_squeeze %dma_start3A_40 : memref<1x80x128xi32, #tpu.memory_space<hbm>> -> memref<80x128xi32, #tpu.memory_space<hbm>>
      %dma_start3A_42 = arith.constant 0 : i32
      %dma_start3A_43 = arith.constant 0 : i32
      %dma_start3A_44 = tpu.memref_slice %arg3[%arg1, %dma_start3A_42, %dma_start3A_43] : memref<16x80x128xi32, #tpu.memory_space<hbm>> -> memref<1x80x128xi32, #tpu.memory_space<hbm>>
      %dma_start3A_45 = tpu.memref_squeeze %dma_start3A_44 : memref<1x80x128xi32, #tpu.memory_space<hbm>> -> memref<80x128xi32, #tpu.memory_space<hbm>>
      tpu.enqueue_dma source(%dma_start3A_45 : memref<80x128xi32, #tpu.memory_space<hbm>>) target(%arg6 : memref<80x128xi32, #tpu.memory_space<vmem>>) target_semaphore(%run_scoped3A : memref<!tpu.dma_semaphore, #tpu.memory_space<semaphore_mem>>)
      %dma_wait3A = arith.constant 0 : i32
      %dma_wait3A_46 = arith.constant 0 : i32
      %dma_wait3A_47 = tpu.memref_slice %arg3[%arg1, %dma_wait3A, %dma_wait3A_46] : memref<16x80x128xi32, #tpu.memory_space<hbm>> -> memref<1x80x128xi32, #tpu.memory_space<hbm>>
      %dma_wait3A_48 = tpu.memref_squeeze %dma_wait3A_47 : memref<1x80x128xi32, #tpu.memory_space<hbm>> -> memref<80x128xi32, #tpu.memory_space<hbm>>
      %dma_wait3A_49 = arith.constant 0 : i32
      %dma_wait3A_50 = arith.constant 0 : i32
      %dma_wait3A_51 = tpu.memref_slice %arg3[%arg1, %dma_wait3A_49, %dma_wait3A_50] : memref<16x80x128xi32, #tpu.memory_space<hbm>> -> memref<1x80x128xi32, #tpu.memory_space<hbm>>
      %dma_wait3A_52 = tpu.memref_squeeze %dma_wait3A_51 : memref<1x80x128xi32, #tpu.memory_space<hbm>> -> memref<80x128xi32, #tpu.memory_space<hbm>>
      tpu.wait_dma2 semaphore(%run_scoped3A : memref<!tpu.dma_semaphore, #tpu.memory_space<semaphore_mem>>) src(%dma_wait3A_52 : memref<80x128xi32, #tpu.memory_space<hbm>>) dst(%arg6 : memref<80x128xi32, #tpu.memory_space<vmem>>)
      tpu.yield
    }) : () -> ()
    %mul3A_3 = arith.constant 80 : i32
    %mul3A_4 = arith.muli %arg1, %mul3A_3 : i32
    %add3A = arith.constant 0 : i32
    %add3A_5 = arith.addi %mul3A_4, %add3A : i32
    %mul3A_6 = arith.constant 128 : i32
    %mul3A_7 = arith.muli %add3A_5, %mul3A_6 : i32
    %dma_start3A = arith.constant 0 : i32
    %dma_start3A_8 = arith.constant 0 : i32
    %dma_start3A_9 = arith.constant 0 : i32
    %dma_start3A_10 = tpu.memref_slice %arg7[%dma_start3A, %dma_start3A_8, %dma_start3A_9] : memref<2x128x128xf32, #tpu.memory_space<vmem>> -> memref<1x128x128xf32, #tpu.memory_space<vmem>>
    %dma_start3A_11 = tpu.memref_squeeze %dma_start3A_10 : memref<1x128x128xf32, #tpu.memory_space<vmem>> -> memref<128x128xf32, #tpu.memory_space<vmem>>
    %dma_start3A_12 = arith.constant 0 : i32
    %dma_start3A_13 = arith.constant 0 : i32
    %dma_start3A_14 = tpu.memref_slice %arg2[%arg0, %dma_start3A_12, %dma_start3A_13] : memref<2x163840x128xf32, #tpu.memory_space<hbm>> -> memref<1x163840x128xf32, #tpu.memory_space<hbm>>
    %dma_start3A_15 = tpu.memref_squeeze %dma_start3A_14 : memref<1x163840x128xf32, #tpu.memory_space<hbm>> -> memref<163840x128xf32, #tpu.memory_space<hbm>>
    %dma_start3A_16 = arith.constant 0 : i32
    %dma_start3A_17 = tpu.memref_slice %dma_start3A_15[%mul3A_7, %dma_start3A_16] : memref<163840x128xf32, #tpu.memory_space<hbm>> -> memref<128x128xf32, #tpu.memory_space<hbm>>
    %dma_start3A_18 = arith.constant 0 : i32
    %dma_start3A_19 = arith.constant 0 : i32
    %dma_start3A_20 = tpu.memref_slice %arg7[%dma_start3A, %dma_start3A_18, %dma_start3A_19] : memref<2x128x128xf32, #tpu.memory_space<vmem>> -> memref<1x128x128xf32, #tpu.memory_space<vmem>>
    %dma_start3A_21 = tpu.memref_squeeze %dma_start3A_20 : memref<1x128x128xf32, #tpu.memory_space<vmem>> -> memref<128x128xf32, #tpu.memory_space<vmem>>
    %dma_start3A_22 = arith.constant 0 : i32
    %dma_start3A_23 = arith.constant 0 : i32
    %dma_start3A_24 = tpu.memref_slice %arg2[%arg0, %dma_start3A_22, %dma_start3A_23] : memref<2x163840x128xf32, #tpu.memory_space<hbm>> -> memref<1x163840x128xf32, #tpu.memory_space<hbm>>
    %dma_start3A_25 = tpu.memref_squeeze %dma_start3A_24 : memref<1x163840x128xf32, #tpu.memory_space<hbm>> -> memref<163840x128xf32, #tpu.memory_space<hbm>>
    %dma_start3A_26 = arith.constant 0 : i32
    %dma_start3A_27 = tpu.memref_slice %dma_start3A_25[%mul3A_7, %dma_start3A_26] : memref<163840x128xf32, #tpu.memory_space<hbm>> -> memref<128x128xf32, #tpu.memory_space<hbm>>
    tpu.enqueue_dma source(%dma_start3A_27 : memref<128x128xf32, #tpu.memory_space<hbm>>) target(%dma_start3A_21 : memref<128x128xf32, #tpu.memory_space<vmem>>) target_semaphore(%arg9 : memref<!tpu.dma_semaphore, #tpu.memory_space<semaphore_mem>>)
    %scan3A = arith.constant 0 : i32
    %scan3A_28 = arith.constant 0 : i32
    %scan3A_29 = arith.constant 40 : i32
    %scan3A_30 = arith.addi %scan3A_28, %scan3A_29 : i32
    %scan3A_31 = arith.constant 1 : i32
    scf.for %scan3A_38 = %scan3A_28 to %scan3A_30 step %scan3A_31  : i32 {
      %mul3A_39 = arith.constant 2 : i32
      %mul3A_40 = arith.muli %scan3A_38, %mul3A_39 : i32
      %add3A_41 = arith.constant 1 : i32
      %add3A_42 = arith.addi %mul3A_40, %add3A_41 : i32
      %mul3A_43 = arith.constant 80 : i32
      %mul3A_44 = arith.muli %arg1, %mul3A_43 : i32
      %add3A_45 = arith.addi %mul3A_44, %add3A_42 : i32
      %mul3A_46 = arith.constant 128 : i32
      %mul3A_47 = arith.muli %add3A_45, %mul3A_46 : i32
      %dma_start3A_48 = arith.constant 1 : i32
      %dma_start3A_49 = arith.constant 0 : i32
      %dma_start3A_50 = arith.constant 0 : i32
      %dma_start3A_51 = tpu.memref_slice %arg7[%dma_start3A_48, %dma_start3A_49, %dma_start3A_50] : memref<2x128x128xf32, #tpu.memory_space<vmem>> -> memref<1x128x128xf32, #tpu.memory_space<vmem>>
      %dma_start3A_52 = tpu.memref_squeeze %dma_start3A_51 : memref<1x128x128xf32, #tpu.memory_space<vmem>> -> memref<128x128xf32, #tpu.memory_space<vmem>>
      %dma_start3A_53 = arith.constant 0 : i32
      %dma_start3A_54 = arith.constant 0 : i32
      %dma_start3A_55 = tpu.memref_slice %arg2[%arg0, %dma_start3A_53, %dma_start3A_54] : memref<2x163840x128xf32, #tpu.memory_space<hbm>> -> memref<1x163840x128xf32, #tpu.memory_space<hbm>>
      %dma_start3A_56 = tpu.memref_squeeze %dma_start3A_55 : memref<1x163840x128xf32, #tpu.memory_space<hbm>> -> memref<163840x128xf32, #tpu.memory_space<hbm>>
      %dma_start3A_57 = arith.constant 0 : i32
      %dma_start3A_58 = tpu.memref_slice %dma_start3A_56[%mul3A_47, %dma_start3A_57] : memref<163840x128xf32, #tpu.memory_space<hbm>> -> memref<128x128xf32, #tpu.memory_space<hbm>>
      %dma_start3A_59 = arith.constant 0 : i32
      %dma_start3A_60 = arith.constant 0 : i32
      %dma_start3A_61 = tpu.memref_slice %arg7[%dma_start3A_48, %dma_start3A_59, %dma_start3A_60] : memref<2x128x128xf32, #tpu.memory_space<vmem>> -> memref<1x128x128xf32, #tpu.memory_space<vmem>>
      %dma_start3A_62 = tpu.memref_squeeze %dma_start3A_61 : memref<1x128x128xf32, #tpu.memory_space<vmem>> -> memref<128x128xf32, #tpu.memory_space<vmem>>
      %dma_start3A_63 = arith.constant 0 : i32
      %dma_start3A_64 = arith.constant 0 : i32
      %dma_start3A_65 = tpu.memref_slice %arg2[%arg0, %dma_start3A_63, %dma_start3A_64] : memref<2x163840x128xf32, #tpu.memory_space<hbm>> -> memref<1x163840x128xf32, #tpu.memory_space<hbm>>
      %dma_start3A_66 = tpu.memref_squeeze %dma_start3A_65 : memref<1x163840x128xf32, #tpu.memory_space<hbm>> -> memref<163840x128xf32, #tpu.memory_space<hbm>>
      %dma_start3A_67 = arith.constant 0 : i32
      %dma_start3A_68 = tpu.memref_slice %dma_start3A_66[%mul3A_47, %dma_start3A_67] : memref<163840x128xf32, #tpu.memory_space<hbm>> -> memref<128x128xf32, #tpu.memory_space<hbm>>
      tpu.enqueue_dma source(%dma_start3A_68 : memref<128x128xf32, #tpu.memory_space<hbm>>) target(%dma_start3A_62 : memref<128x128xf32, #tpu.memory_space<vmem>>) target_semaphore(%arg10 : memref<!tpu.dma_semaphore, #tpu.memory_space<semaphore_mem>>)
      %mul3A_69 = arith.constant 80 : i32
      %mul3A_70 = arith.muli %arg1, %mul3A_69 : i32
      %add3A_71 = arith.addi %mul3A_70, %mul3A_40 : i32
      %mul3A_72 = arith.constant 128 : i32
      %mul3A_73 = arith.muli %add3A_71, %mul3A_72 : i32
      %dma_wait3A = arith.constant 0 : i32
      %dma_wait3A_74 = arith.constant 0 : i32
      %dma_wait3A_75 = arith.constant 0 : i32
      %dma_wait3A_76 = tpu.memref_slice %arg7[%dma_wait3A, %dma_wait3A_74, %dma_wait3A_75] : memref<2x128x128xf32, #tpu.memory_space<vmem>> -> memref<1x128x128xf32, #tpu.memory_space<vmem>>
      %dma_wait3A_77 = tpu.memref_squeeze %dma_wait3A_76 : memref<1x128x128xf32, #tpu.memory_space<vmem>> -> memref<128x128xf32, #tpu.memory_space<vmem>>
      %dma_wait3A_78 = arith.constant 0 : i32
      %dma_wait3A_79 = arith.constant 0 : i32
      %dma_wait3A_80 = tpu.memref_slice %arg2[%arg0, %dma_wait3A_78, %dma_wait3A_79] : memref<2x163840x128xf32, #tpu.memory_space<hbm>> -> memref<1x163840x128xf32, #tpu.memory_space<hbm>>
      %dma_wait3A_81 = tpu.memref_squeeze %dma_wait3A_80 : memref<1x163840x128xf32, #tpu.memory_space<hbm>> -> memref<163840x128xf32, #tpu.memory_space<hbm>>
      %dma_wait3A_82 = arith.constant 0 : i32
      %dma_wait3A_83 = tpu.memref_slice %dma_wait3A_81[%mul3A_73, %dma_wait3A_82] : memref<163840x128xf32, #tpu.memory_space<hbm>> -> memref<128x128xf32, #tpu.memory_space<hbm>>
      %dma_wait3A_84 = arith.constant 0 : i32
      %dma_wait3A_85 = arith.constant 0 : i32
      %dma_wait3A_86 = tpu.memref_slice %arg7[%dma_wait3A, %dma_wait3A_84, %dma_wait3A_85] : memref<2x128x128xf32, #tpu.memory_space<vmem>> -> memref<1x128x128xf32, #tpu.memory_space<vmem>>
      %dma_wait3A_87 = tpu.memref_squeeze %dma_wait3A_86 : memref<1x128x128xf32, #tpu.memory_space<vmem>> -> memref<128x128xf32, #tpu.memory_space<vmem>>
      %dma_wait3A_88 = arith.constant 0 : i32
      %dma_wait3A_89 = arith.constant 0 : i32
      %dma_wait3A_90 = tpu.memref_slice %arg2[%arg0, %dma_wait3A_88, %dma_wait3A_89] : memref<2x163840x128xf32, #tpu.memory_space<hbm>> -> memref<1x163840x128xf32, #tpu.memory_space<hbm>>
      %dma_wait3A_91 = tpu.memref_squeeze %dma_wait3A_90 : memref<1x163840x128xf32, #tpu.memory_space<hbm>> -> memref<163840x128xf32, #tpu.memory_space<hbm>>
      %dma_wait3A_92 = arith.constant 0 : i32
      %dma_wait3A_93 = tpu.memref_slice %dma_wait3A_91[%mul3A_73, %dma_wait3A_92] : memref<163840x128xf32, #tpu.memory_space<hbm>> -> memref<128x128xf32, #tpu.memory_space<hbm>>
      tpu.wait_dma2 semaphore(%arg9 : memref<!tpu.dma_semaphore, #tpu.memory_space<semaphore_mem>>) src(%dma_wait3A_93 : memref<128x128xf32, #tpu.memory_space<hbm>>) dst(%dma_wait3A_87 : memref<128x128xf32, #tpu.memory_space<vmem>>)
      %run_scoped3A = arith.constant 0 : i32
      "tpu.region"() ({
        %run_scoped3A_125 = tpu.sem_alloc : memref<!tpu.dma_semaphore, #tpu.memory_space<semaphore_mem>>
        %dma_start3A_126 = arith.constant 0 : i32
        %dma_start3A_127 = arith.constant 0 : i32
        %dma_start3A_128 = tpu.memref_slice %arg7[%run_scoped3A, %dma_start3A_126, %dma_start3A_127] : memref<2x128x128xf32, #tpu.memory_space<vmem>> -> memref<1x128x128xf32, #tpu.memory_space<vmem>>
        %dma_start3A_129 = tpu.memref_squeeze %dma_start3A_128 : memref<1x128x128xf32, #tpu.memory_space<vmem>> -> memref<128x128xf32, #tpu.memory_space<vmem>>
        %dma_start3A_130 = arith.constant 0 : i32
        %dma_start3A_131 = tpu.memref_slice %arg6[%mul3A_40, %dma_start3A_130] : memref<80x128xi32, #tpu.memory_space<vmem>> -> memref<1x128xi32, #tpu.memory_space<vmem>>
        %dma_start3A_132 = tpu.memref_squeeze %dma_start3A_131 : memref<1x128xi32, #tpu.memory_space<vmem>> -> memref<128xi32, #tpu.memory_space<vmem>>
        %dma_start3A_133 = arith.constant 0 : i32
        %dma_start3A_134 = arith.constant 0 : i32
        %dma_start3A_135 = tpu.memref_slice %arg8[%dma_start3A_133, %dma_start3A_134] : memref<10240x128xf32, #tpu.memory_space<vmem_shared>> -> memref<10240x128xf32, #tpu.memory_space<vmem_shared>>
        tpu.enqueue_indirect_dma source(%dma_start3A_129 : memref<128x128xf32, #tpu.memory_space<vmem>>) target(%dma_start3A_135 : memref<10240x128xf32, #tpu.memory_space<vmem_shared>>) offsets(%dma_start3A_132 : memref<128xi32, #tpu.memory_space<vmem>>) semaphore(%run_scoped3A_125 : memref<!tpu.dma_semaphore, #tpu.memory_space<semaphore_mem>>) {add = true}
        %dma_wait3A_136 = arith.constant 0 : i32
        %dma_wait3A_137 = arith.constant 0 : i32
        %dma_wait3A_138 = tpu.memref_slice %arg7[%run_scoped3A, %dma_wait3A_136, %dma_wait3A_137] : memref<2x128x128xf32, #tpu.memory_space<vmem>> -> memref<1x128x128xf32, #tpu.memory_space<vmem>>
        %dma_wait3A_139 = tpu.memref_squeeze %dma_wait3A_138 : memref<1x128x128xf32, #tpu.memory_space<vmem>> -> memref<128x128xf32, #tpu.memory_space<vmem>>
        %dma_wait3A_140 = arith.constant 0 : i32
        %dma_wait3A_141 = tpu.memref_slice %arg6[%mul3A_40, %dma_wait3A_140] : memref<80x128xi32, #tpu.memory_space<vmem>> -> memref<1x128xi32, #tpu.memory_space<vmem>>
        %dma_wait3A_142 = tpu.memref_squeeze %dma_wait3A_141 : memref<1x128xi32, #tpu.memory_space<vmem>> -> memref<128xi32, #tpu.memory_space<vmem>>
        %dma_wait3A_143 = arith.constant 0 : i32
        %dma_wait3A_144 = arith.constant 0 : i32
        %dma_wait3A_145 = tpu.memref_slice %arg8[%dma_wait3A_143, %dma_wait3A_144] : memref<10240x128xf32, #tpu.memory_space<vmem_shared>> -> memref<10240x128xf32, #tpu.memory_space<vmem_shared>>
        tpu.wait_indirect_dma semaphore(%run_scoped3A_125 : memref<!tpu.dma_semaphore, #tpu.memory_space<semaphore_mem>>) src(%dma_wait3A_139 : memref<128x128xf32, #tpu.memory_space<vmem>>) dst(%dma_wait3A_145 : memref<10240x128xf32, #tpu.memory_space<vmem_shared>>)
        tpu.yield
      }) : () -> ()
      %add3A_94 = arith.constant 1 : i32
      %add3A_95 = arith.addi %scan3A_38, %add3A_94 : i32
      %lt3A = arith.constant 40 : i32
      %lt3A_96 = arith.cmpi slt, %add3A_95, %lt3A : i32
      %convert_element_type3A = arith.extui %lt3A_96 : i1 to i32
      %cond3A = arith.constant 0 : i32
      %cond3A_97 = arith.cmpi ne, %convert_element_type3A, %cond3A : i32
      scf.if %cond3A_97 {
        %add3A_125 = arith.constant 2 : i32
        %add3A_126 = arith.addi %mul3A_40, %add3A_125 : i32
        %mul3A_127 = arith.constant 80 : i32
        %mul3A_128 = arith.muli %arg1, %mul3A_127 : i32
        %add3A_129 = arith.addi %mul3A_128, %add3A_126 : i32
        %mul3A_130 = arith.constant 128 : i32
        %mul3A_131 = arith.muli %add3A_129, %mul3A_130 : i32
        %dma_start3A_132 = arith.constant 0 : i32
        %dma_start3A_133 = arith.constant 0 : i32
        %dma_start3A_134 = arith.constant 0 : i32
        %dma_start3A_135 = tpu.memref_slice %arg7[%dma_start3A_132, %dma_start3A_133, %dma_start3A_134] : memref<2x128x128xf32, #tpu.memory_space<vmem>> -> memref<1x128x128xf32, #tpu.memory_space<vmem>>
        %dma_start3A_136 = tpu.memref_squeeze %dma_start3A_135 : memref<1x128x128xf32, #tpu.memory_space<vmem>> -> memref<128x128xf32, #tpu.memory_space<vmem>>
        %dma_start3A_137 = arith.constant 0 : i32
        %dma_start3A_138 = arith.constant 0 : i32
        %dma_start3A_139 = tpu.memref_slice %arg2[%arg0, %dma_start3A_137, %dma_start3A_138] : memref<2x163840x128xf32, #tpu.memory_space<hbm>> -> memref<1x163840x128xf32, #tpu.memory_space<hbm>>
        %dma_start3A_140 = tpu.memref_squeeze %dma_start3A_139 : memref<1x163840x128xf32, #tpu.memory_space<hbm>> -> memref<163840x128xf32, #tpu.memory_space<hbm>>
        %dma_start3A_141 = arith.constant 0 : i32
        %dma_start3A_142 = tpu.memref_slice %dma_start3A_140[%mul3A_131, %dma_start3A_141] : memref<163840x128xf32, #tpu.memory_space<hbm>> -> memref<128x128xf32, #tpu.memory_space<hbm>>
        %dma_start3A_143 = arith.constant 0 : i32
        %dma_start3A_144 = arith.constant 0 : i32
        %dma_start3A_145 = tpu.memref_slice %arg7[%dma_start3A_132, %dma_start3A_143, %dma_start3A_144] : memref<2x128x128xf32, #tpu.memory_space<vmem>> -> memref<1x128x128xf32, #tpu.memory_space<vmem>>
        %dma_start3A_146 = tpu.memref_squeeze %dma_start3A_145 : memref<1x128x128xf32, #tpu.memory_space<vmem>> -> memref<128x128xf32, #tpu.memory_space<vmem>>
        %dma_start3A_147 = arith.constant 0 : i32
        %dma_start3A_148 = arith.constant 0 : i32
        %dma_start3A_149 = tpu.memref_slice %arg2[%arg0, %dma_start3A_147, %dma_start3A_148] : memref<2x163840x128xf32, #tpu.memory_space<hbm>> -> memref<1x163840x128xf32, #tpu.memory_space<hbm>>
        %dma_start3A_150 = tpu.memref_squeeze %dma_start3A_149 : memref<1x163840x128xf32, #tpu.memory_space<hbm>> -> memref<163840x128xf32, #tpu.memory_space<hbm>>
        %dma_start3A_151 = arith.constant 0 : i32
        %dma_start3A_152 = tpu.memref_slice %dma_start3A_150[%mul3A_131, %dma_start3A_151] : memref<163840x128xf32, #tpu.memory_space<hbm>> -> memref<128x128xf32, #tpu.memory_space<hbm>>
        tpu.enqueue_dma source(%dma_start3A_152 : memref<128x128xf32, #tpu.memory_space<hbm>>) target(%dma_start3A_146 : memref<128x128xf32, #tpu.memory_space<vmem>>) target_semaphore(%arg9 : memref<!tpu.dma_semaphore, #tpu.memory_space<semaphore_mem>>)
      } else {
      }
      %mul3A_98 = arith.constant 80 : i32
      %mul3A_99 = arith.muli %arg1, %mul3A_98 : i32
      %add3A_100 = arith.addi %mul3A_99, %add3A_42 : i32
      %mul3A_101 = arith.constant 128 : i32
      %mul3A_102 = arith.muli %add3A_100, %mul3A_101 : i32
      %dma_wait3A_103 = arith.constant 1 : i32
      %dma_wait3A_104 = arith.constant 0 : i32
      %dma_wait3A_105 = arith.constant 0 : i32
      %dma_wait3A_106 = tpu.memref_slice %arg7[%dma_wait3A_103, %dma_wait3A_104, %dma_wait3A_105] : memref<2x128x128xf32, #tpu.memory_space<vmem>> -> memref<1x128x128xf32, #tpu.memory_space<vmem>>
      %dma_wait3A_107 = tpu.memref_squeeze %dma_wait3A_106 : memref<1x128x128xf32, #tpu.memory_space<vmem>> -> memref<128x128xf32, #tpu.memory_space<vmem>>
      %dma_wait3A_108 = arith.constant 0 : i32
      %dma_wait3A_109 = arith.constant 0 : i32
      %dma_wait3A_110 = tpu.memref_slice %arg2[%arg0, %dma_wait3A_108, %dma_wait3A_109] : memref<2x163840x128xf32, #tpu.memory_space<hbm>> -> memref<1x163840x128xf32, #tpu.memory_space<hbm>>
      %dma_wait3A_111 = tpu.memref_squeeze %dma_wait3A_110 : memref<1x163840x128xf32, #tpu.memory_space<hbm>> -> memref<163840x128xf32, #tpu.memory_space<hbm>>
      %dma_wait3A_112 = arith.constant 0 : i32
      %dma_wait3A_113 = tpu.memref_slice %dma_wait3A_111[%mul3A_102, %dma_wait3A_112] : memref<163840x128xf32, #tpu.memory_space<hbm>> -> memref<128x128xf32, #tpu.memory_space<hbm>>
      %dma_wait3A_114 = arith.constant 0 : i32
      %dma_wait3A_115 = arith.constant 0 : i32
      %dma_wait3A_116 = tpu.memref_slice %arg7[%dma_wait3A_103, %dma_wait3A_114, %dma_wait3A_115] : memref<2x128x128xf32, #tpu.memory_space<vmem>> -> memref<1x128x128xf32, #tpu.memory_space<vmem>>
      %dma_wait3A_117 = tpu.memref_squeeze %dma_wait3A_116 : memref<1x128x128xf32, #tpu.memory_space<vmem>> -> memref<128x128xf32, #tpu.memory_space<vmem>>
      %dma_wait3A_118 = arith.constant 0 : i32
      %dma_wait3A_119 = arith.constant 0 : i32
      %dma_wait3A_120 = tpu.memref_slice %arg2[%arg0, %dma_wait3A_118, %dma_wait3A_119] : memref<2x163840x128xf32, #tpu.memory_space<hbm>> -> memref<1x163840x128xf32, #tpu.memory_space<hbm>>
      %dma_wait3A_121 = tpu.memref_squeeze %dma_wait3A_120 : memref<1x163840x128xf32, #tpu.memory_space<hbm>> -> memref<163840x128xf32, #tpu.memory_space<hbm>>
      %dma_wait3A_122 = arith.constant 0 : i32
      %dma_wait3A_123 = tpu.memref_slice %dma_wait3A_121[%mul3A_102, %dma_wait3A_122] : memref<163840x128xf32, #tpu.memory_space<hbm>> -> memref<128x128xf32, #tpu.memory_space<hbm>>
      tpu.wait_dma2 semaphore(%arg10 : memref<!tpu.dma_semaphore, #tpu.memory_space<semaphore_mem>>) src(%dma_wait3A_123 : memref<128x128xf32, #tpu.memory_space<hbm>>) dst(%dma_wait3A_117 : memref<128x128xf32, #tpu.memory_space<vmem>>)
      %run_scoped3A_124 = arith.constant 1 : i32
      "tpu.region"() ({
        %run_scoped3A_125 = tpu.sem_alloc : memref<!tpu.dma_semaphore, #tpu.memory_space<semaphore_mem>>
        %dma_start3A_126 = arith.constant 0 : i32
        %dma_start3A_127 = arith.constant 0 : i32
        %dma_start3A_128 = tpu.memref_slice %arg7[%run_scoped3A_124, %dma_start3A_126, %dma_start3A_127] : memref<2x128x128xf32, #tpu.memory_space<vmem>> -> memref<1x128x128xf32, #tpu.memory_space<vmem>>
        %dma_start3A_129 = tpu.memref_squeeze %dma_start3A_128 : memref<1x128x128xf32, #tpu.memory_space<vmem>> -> memref<128x128xf32, #tpu.memory_space<vmem>>
        %dma_start3A_130 = arith.constant 0 : i32
        %dma_start3A_131 = tpu.memref_slice %arg6[%add3A_42, %dma_start3A_130] : memref<80x128xi32, #tpu.memory_space<vmem>> -> memref<1x128xi32, #tpu.memory_space<vmem>>
        %dma_start3A_132 = tpu.memref_squeeze %dma_start3A_131 : memref<1x128xi32, #tpu.memory_space<vmem>> -> memref<128xi32, #tpu.memory_space<vmem>>
        %dma_start3A_133 = arith.constant 0 : i32
        %dma_start3A_134 = arith.constant 0 : i32
        %dma_start3A_135 = tpu.memref_slice %arg8[%dma_start3A_133, %dma_start3A_134] : memref<10240x128xf32, #tpu.memory_space<vmem_shared>> -> memref<10240x128xf32, #tpu.memory_space<vmem_shared>>
        tpu.enqueue_indirect_dma source(%dma_start3A_129 : memref<128x128xf32, #tpu.memory_space<vmem>>) target(%dma_start3A_135 : memref<10240x128xf32, #tpu.memory_space<vmem_shared>>) offsets(%dma_start3A_132 : memref<128xi32, #tpu.memory_space<vmem>>) semaphore(%run_scoped3A_125 : memref<!tpu.dma_semaphore, #tpu.memory_space<semaphore_mem>>) {add = true}
        %dma_wait3A_136 = arith.constant 0 : i32
        %dma_wait3A_137 = arith.constant 0 : i32
        %dma_wait3A_138 = tpu.memref_slice %arg7[%run_scoped3A_124, %dma_wait3A_136, %dma_wait3A_137] : memref<2x128x128xf32, #tpu.memory_space<vmem>> -> memref<1x128x128xf32, #tpu.memory_space<vmem>>
        %dma_wait3A_139 = tpu.memref_squeeze %dma_wait3A_138 : memref<1x128x128xf32, #tpu.memory_space<vmem>> -> memref<128x128xf32, #tpu.memory_space<vmem>>
        %dma_wait3A_140 = arith.constant 0 : i32
        %dma_wait3A_141 = tpu.memref_slice %arg6[%add3A_42, %dma_wait3A_140] : memref<80x128xi32, #tpu.memory_space<vmem>> -> memref<1x128xi32, #tpu.memory_space<vmem>>
        %dma_wait3A_142 = tpu.memref_squeeze %dma_wait3A_141 : memref<1x128xi32, #tpu.memory_space<vmem>> -> memref<128xi32, #tpu.memory_space<vmem>>
        %dma_wait3A_143 = arith.constant 0 : i32
        %dma_wait3A_144 = arith.constant 0 : i32
        %dma_wait3A_145 = tpu.memref_slice %arg8[%dma_wait3A_143, %dma_wait3A_144] : memref<10240x128xf32, #tpu.memory_space<vmem_shared>> -> memref<10240x128xf32, #tpu.memory_space<vmem_shared>>
        tpu.wait_indirect_dma semaphore(%run_scoped3A_125 : memref<!tpu.dma_semaphore, #tpu.memory_space<semaphore_mem>>) src(%dma_wait3A_139 : memref<128x128xf32, #tpu.memory_space<vmem>>) dst(%dma_wait3A_145 : memref<10240x128xf32, #tpu.memory_space<vmem_shared>>)
        tpu.yield
      }) : () -> ()
    }
    %scan3A_32 = arith.constant 40 : i32
    %barrier3A_33 = arith.constant 0 : index
    tpu.barrier barrier_id(%barrier3A_33)
    %mul3A_34 = arith.constant 640 : i32
    %mul3A_35 = arith.muli %arg1, %mul3A_34 : i32
    %mul3A_36 = arith.constant 640 : i32
    %mul3A_37 = arith.muli %arg1, %mul3A_36 : i32
    "tpu.region"() ({
      %run_scoped3A = tpu.sem_alloc : memref<!tpu.dma_semaphore, #tpu.memory_space<semaphore_mem>>
      %dma_start3A_38 = arith.constant 0 : i32
      %dma_start3A_39 = arith.constant 0 : i32
      %dma_start3A_40 = tpu.memref_slice %arg5[%arg0, %dma_start3A_38, %dma_start3A_39] : memref<2x10240x128xf32, #tpu.memory_space<hbm>> -> memref<1x10240x128xf32, #tpu.memory_space<hbm>>
      %dma_start3A_41 = tpu.memref_squeeze %dma_start3A_40 : memref<1x10240x128xf32, #tpu.memory_space<hbm>> -> memref<10240x128xf32, #tpu.memory_space<hbm>>
      %dma_start3A_42 = arith.constant 0 : i32
      %dma_start3A_43 = tpu.memref_slice %dma_start3A_41[%mul3A_37, %dma_start3A_42] : memref<10240x128xf32, #tpu.memory_space<hbm>> -> memref<640x128xf32, #tpu.memory_space<hbm>>
      %dma_start3A_44 = arith.constant 0 : i32
      %dma_start3A_45 = tpu.memref_slice %arg8[%mul3A_35, %dma_start3A_44] : memref<10240x128xf32, #tpu.memory_space<vmem_shared>> -> memref<640x128xf32, #tpu.memory_space<vmem_shared>>
      tpu.enqueue_dma source(%dma_start3A_45 : memref<640x128xf32, #tpu.memory_space<vmem_shared>>) target(%dma_start3A_43 : memref<640x128xf32, #tpu.memory_space<hbm>>) target_semaphore(%run_scoped3A : memref<!tpu.dma_semaphore, #tpu.memory_space<semaphore_mem>>)
      %dma_wait3A = arith.constant 0 : i32
      %dma_wait3A_46 = arith.constant 0 : i32
      %dma_wait3A_47 = tpu.memref_slice %arg5[%arg0, %dma_wait3A, %dma_wait3A_46] : memref<2x10240x128xf32, #tpu.memory_space<hbm>> -> memref<1x10240x128xf32, #tpu.memory_space<hbm>>
      %dma_wait3A_48 = tpu.memref_squeeze %dma_wait3A_47 : memref<1x10240x128xf32, #tpu.memory_space<hbm>> -> memref<10240x128xf32, #tpu.memory_space<hbm>>
      %dma_wait3A_49 = arith.constant 0 : i32
      %dma_wait3A_50 = tpu.memref_slice %dma_wait3A_48[%mul3A_37, %dma_wait3A_49] : memref<10240x128xf32, #tpu.memory_space<hbm>> -> memref<640x128xf32, #tpu.memory_space<hbm>>
      %dma_wait3A_51 = arith.constant 0 : i32
      %dma_wait3A_52 = tpu.memref_slice %arg8[%mul3A_35, %dma_wait3A_51] : memref<10240x128xf32, #tpu.memory_space<vmem_shared>> -> memref<640x128xf32, #tpu.memory_space<vmem_shared>>
      tpu.wait_dma2 semaphore(%run_scoped3A : memref<!tpu.dma_semaphore, #tpu.memory_space<semaphore_mem>>) src(%dma_wait3A_52 : memref<640x128xf32, #tpu.memory_space<vmem_shared>>) dst(%dma_wait3A_50 : memref<640x128xf32, #tpu.memory_space<hbm>>)
      tpu.yield
    }) : () -> ()
    return
  }
}

#map = affine_map<(d0, d1) -> (0, 0)>
#map1 = affine_map<(d0, d1) -> (0, 0, 0)>
module attributes {stable_mosaic.version = 14 : i64} {
  func.func @gk(%arg0: i32, %arg1: i32, %arg2: memref<10000x128xf32, #tpu.memory_space<hbm>>, %arg3: memref<10000x64xf32, #tpu.memory_space<hbm>>, %arg4: memref<10240x16xf32, #tpu.memory_space<hbm>>, %arg5: memref<32x40x128xi32, #tpu.memory_space<hbm>>, %arg6: memref<32x40x128xi32, #tpu.memory_space<hbm>>, %arg7: memref<163840x128xf32, #tpu.memory_space<hbm>>, %arg8: memref<163840x64xf32, #tpu.memory_space<hbm>>, %arg9: memref<163840x16xf32, #tpu.memory_space<hbm>>, %arg10: memref<40x128xi32, #tpu.memory_space<vmem>>, %arg11: memref<40x128xi32, #tpu.memory_space<vmem>>, %arg12: memref<4x128x128xf32, #tpu.memory_space<vmem>>, %arg13: memref<4x128x64xf32, #tpu.memory_space<vmem>>, %arg14: memref<4x128x16xf32, #tpu.memory_space<vmem>>, %arg15: memref<!tpu.dma_semaphore, #tpu.memory_space<semaphore_mem>>, %arg16: memref<!tpu.dma_semaphore, #tpu.memory_space<semaphore_mem>>, %arg17: memref<!tpu.dma_semaphore, #tpu.memory_space<semaphore_mem>>, %arg18: memref<!tpu.dma_semaphore, #tpu.memory_space<semaphore_mem>>, %arg19: memref<!tpu.dma_semaphore, #tpu.memory_space<semaphore_mem>>, %arg20: memref<!tpu.dma_semaphore, #tpu.memory_space<semaphore_mem>>) attributes {dimension_semantics = [#tpu.dimension_semantics<core_parallel>, #tpu.dimension_semantics<subcore_parallel>], iteration_bounds = array<i64: 2, 16>, scalar_prefetch = 0 : i64, scratch_operands = 11 : i64, tpu.core_type = #tpu.core_type<sc_vector_subcore>, window_params = [{transform_indices = #map}, {transform_indices = #map}, {transform_indices = #map}, {transform_indices = #map1}, {transform_indices = #map1}, {transform_indices = #map}, {transform_indices = #map}, {transform_indices = #map}]} {
    %mul3A = arith.constant 2 : i32
    %mul3A_0 = arith.muli %arg1, %mul3A : i32
    %add3A = arith.addi %mul3A_0, %arg0 : i32
    %mul3A_1 = arith.constant 5120 : i32
    %mul3A_2 = arith.muli %add3A, %mul3A_1 : i32
    "tpu.region"() ({
      %run_scoped3A = tpu.sem_alloc : memref<!tpu.dma_semaphore, #tpu.memory_space<semaphore_mem>>
      %dma_start3A_151 = arith.constant 0 : i32
      %dma_start3A_152 = arith.constant 0 : i32
      %dma_start3A_153 = tpu.memref_slice %arg5[%add3A, %dma_start3A_151, %dma_start3A_152] : memref<32x40x128xi32, #tpu.memory_space<hbm>> -> memref<1x40x128xi32, #tpu.memory_space<hbm>>
      %dma_start3A_154 = tpu.memref_squeeze %dma_start3A_153 : memref<1x40x128xi32, #tpu.memory_space<hbm>> -> memref<40x128xi32, #tpu.memory_space<hbm>>
      %dma_start3A_155 = arith.constant 0 : i32
      %dma_start3A_156 = arith.constant 0 : i32
      %dma_start3A_157 = tpu.memref_slice %arg5[%add3A, %dma_start3A_155, %dma_start3A_156] : memref<32x40x128xi32, #tpu.memory_space<hbm>> -> memref<1x40x128xi32, #tpu.memory_space<hbm>>
      %dma_start3A_158 = tpu.memref_squeeze %dma_start3A_157 : memref<1x40x128xi32, #tpu.memory_space<hbm>> -> memref<40x128xi32, #tpu.memory_space<hbm>>
      tpu.enqueue_dma source(%dma_start3A_158 : memref<40x128xi32, #tpu.memory_space<hbm>>) target(%arg10 : memref<40x128xi32, #tpu.memory_space<vmem>>) target_semaphore(%run_scoped3A : memref<!tpu.dma_semaphore, #tpu.memory_space<semaphore_mem>>)
      %dma_wait3A = arith.constant 0 : i32
      %dma_wait3A_159 = arith.constant 0 : i32
      %dma_wait3A_160 = tpu.memref_slice %arg5[%add3A, %dma_wait3A, %dma_wait3A_159] : memref<32x40x128xi32, #tpu.memory_space<hbm>> -> memref<1x40x128xi32, #tpu.memory_space<hbm>>
      %dma_wait3A_161 = tpu.memref_squeeze %dma_wait3A_160 : memref<1x40x128xi32, #tpu.memory_space<hbm>> -> memref<40x128xi32, #tpu.memory_space<hbm>>
      %dma_wait3A_162 = arith.constant 0 : i32
      %dma_wait3A_163 = arith.constant 0 : i32
      %dma_wait3A_164 = tpu.memref_slice %arg5[%add3A, %dma_wait3A_162, %dma_wait3A_163] : memref<32x40x128xi32, #tpu.memory_space<hbm>> -> memref<1x40x128xi32, #tpu.memory_space<hbm>>
      %dma_wait3A_165 = tpu.memref_squeeze %dma_wait3A_164 : memref<1x40x128xi32, #tpu.memory_space<hbm>> -> memref<40x128xi32, #tpu.memory_space<hbm>>
      tpu.wait_dma2 semaphore(%run_scoped3A : memref<!tpu.dma_semaphore, #tpu.memory_space<semaphore_mem>>) src(%dma_wait3A_165 : memref<40x128xi32, #tpu.memory_space<hbm>>) dst(%arg10 : memref<40x128xi32, #tpu.memory_space<vmem>>)
      tpu.yield
    }) : () -> ()
    "tpu.region"() ({
      %run_scoped3A = tpu.sem_alloc : memref<!tpu.dma_semaphore, #tpu.memory_space<semaphore_mem>>
      %dma_start3A_151 = arith.constant 0 : i32
      %dma_start3A_152 = arith.constant 0 : i32
      %dma_start3A_153 = tpu.memref_slice %arg6[%add3A, %dma_start3A_151, %dma_start3A_152] : memref<32x40x128xi32, #tpu.memory_space<hbm>> -> memref<1x40x128xi32, #tpu.memory_space<hbm>>
      %dma_start3A_154 = tpu.memref_squeeze %dma_start3A_153 : memref<1x40x128xi32, #tpu.memory_space<hbm>> -> memref<40x128xi32, #tpu.memory_space<hbm>>
      %dma_start3A_155 = arith.constant 0 : i32
      %dma_start3A_156 = arith.constant 0 : i32
      %dma_start3A_157 = tpu.memref_slice %arg6[%add3A, %dma_start3A_155, %dma_start3A_156] : memref<32x40x128xi32, #tpu.memory_space<hbm>> -> memref<1x40x128xi32, #tpu.memory_space<hbm>>
      %dma_start3A_158 = tpu.memref_squeeze %dma_start3A_157 : memref<1x40x128xi32, #tpu.memory_space<hbm>> -> memref<40x128xi32, #tpu.memory_space<hbm>>
      tpu.enqueue_dma source(%dma_start3A_158 : memref<40x128xi32, #tpu.memory_space<hbm>>) target(%arg11 : memref<40x128xi32, #tpu.memory_space<vmem>>) target_semaphore(%run_scoped3A : memref<!tpu.dma_semaphore, #tpu.memory_space<semaphore_mem>>)
      %dma_wait3A = arith.constant 0 : i32
      %dma_wait3A_159 = arith.constant 0 : i32
      %dma_wait3A_160 = tpu.memref_slice %arg6[%add3A, %dma_wait3A, %dma_wait3A_159] : memref<32x40x128xi32, #tpu.memory_space<hbm>> -> memref<1x40x128xi32, #tpu.memory_space<hbm>>
      %dma_wait3A_161 = tpu.memref_squeeze %dma_wait3A_160 : memref<1x40x128xi32, #tpu.memory_space<hbm>> -> memref<40x128xi32, #tpu.memory_space<hbm>>
      %dma_wait3A_162 = arith.constant 0 : i32
      %dma_wait3A_163 = arith.constant 0 : i32
      %dma_wait3A_164 = tpu.memref_slice %arg6[%add3A, %dma_wait3A_162, %dma_wait3A_163] : memref<32x40x128xi32, #tpu.memory_space<hbm>> -> memref<1x40x128xi32, #tpu.memory_space<hbm>>
      %dma_wait3A_165 = tpu.memref_squeeze %dma_wait3A_164 : memref<1x40x128xi32, #tpu.memory_space<hbm>> -> memref<40x128xi32, #tpu.memory_space<hbm>>
      tpu.wait_dma2 semaphore(%run_scoped3A : memref<!tpu.dma_semaphore, #tpu.memory_space<semaphore_mem>>) src(%dma_wait3A_165 : memref<40x128xi32, #tpu.memory_space<hbm>>) dst(%arg11 : memref<40x128xi32, #tpu.memory_space<vmem>>)
      tpu.yield
    }) : () -> ()
    %dma_start3A = arith.constant 0 : i32
    %dma_start3A_3 = arith.constant 0 : i32
    %dma_start3A_4 = arith.constant 0 : i32
    %dma_start3A_5 = arith.constant 0 : i32
    %dma_start3A_6 = tpu.memref_slice %arg12[%dma_start3A_3, %dma_start3A_4, %dma_start3A_5] : memref<4x128x128xf32, #tpu.memory_space<vmem>> -> memref<1x128x128xf32, #tpu.memory_space<vmem>>
    %dma_start3A_7 = tpu.memref_squeeze %dma_start3A_6 : memref<1x128x128xf32, #tpu.memory_space<vmem>> -> memref<128x128xf32, #tpu.memory_space<vmem>>
    %dma_start3A_8 = arith.constant 0 : i32
    %dma_start3A_9 = tpu.memref_slice %arg10[%dma_start3A, %dma_start3A_8] : memref<40x128xi32, #tpu.memory_space<vmem>> -> memref<1x128xi32, #tpu.memory_space<vmem>>
    %dma_start3A_10 = tpu.memref_squeeze %dma_start3A_9 : memref<1x128xi32, #tpu.memory_space<vmem>> -> memref<128xi32, #tpu.memory_space<vmem>>
    %dma_start3A_11 = arith.constant 0 : i32
    %dma_start3A_12 = arith.constant 0 : i32
    %dma_start3A_13 = tpu.memref_slice %arg2[%dma_start3A_11, %dma_start3A_12] : memref<10000x128xf32, #tpu.memory_space<hbm>> -> memref<10000x128xf32, #tpu.memory_space<hbm>>
    tpu.enqueue_indirect_dma source(%dma_start3A_13 : memref<10000x128xf32, #tpu.memory_space<hbm>>) target(%dma_start3A_7 : memref<128x128xf32, #tpu.memory_space<vmem>>) offsets(%dma_start3A_10 : memref<128xi32, #tpu.memory_space<vmem>>) semaphore(%arg15 : memref<!tpu.dma_semaphore, #tpu.memory_space<semaphore_mem>>)
    %dma_start3A_14 = arith.constant 0 : i32
    %dma_start3A_15 = arith.constant 0 : i32
    %dma_start3A_16 = arith.constant 0 : i32
    %dma_start3A_17 = arith.constant 0 : i32
    %dma_start3A_18 = tpu.memref_slice %arg13[%dma_start3A_15, %dma_start3A_16, %dma_start3A_17] : memref<4x128x64xf32, #tpu.memory_space<vmem>> -> memref<1x128x64xf32, #tpu.memory_space<vmem>>
    %dma_start3A_19 = tpu.memref_squeeze %dma_start3A_18 : memref<1x128x64xf32, #tpu.memory_space<vmem>> -> memref<128x64xf32, #tpu.memory_space<vmem>>
    %dma_start3A_20 = arith.constant 0 : i32
    %dma_start3A_21 = tpu.memref_slice %arg10[%dma_start3A_14, %dma_start3A_20] : memref<40x128xi32, #tpu.memory_space<vmem>> -> memref<1x128xi32, #tpu.memory_space<vmem>>
    %dma_start3A_22 = tpu.memref_squeeze %dma_start3A_21 : memref<1x128xi32, #tpu.memory_space<vmem>> -> memref<128xi32, #tpu.memory_space<vmem>>
    %dma_start3A_23 = arith.constant 0 : i32
    %dma_start3A_24 = arith.constant 0 : i32
    %dma_start3A_25 = tpu.memref_slice %arg3[%dma_start3A_23, %dma_start3A_24] : memref<10000x64xf32, #tpu.memory_space<hbm>> -> memref<10000x64xf32, #tpu.memory_space<hbm>>
    tpu.enqueue_indirect_dma source(%dma_start3A_25 : memref<10000x64xf32, #tpu.memory_space<hbm>>) target(%dma_start3A_19 : memref<128x64xf32, #tpu.memory_space<vmem>>) offsets(%dma_start3A_22 : memref<128xi32, #tpu.memory_space<vmem>>) semaphore(%arg15 : memref<!tpu.dma_semaphore, #tpu.memory_space<semaphore_mem>>)
    %dma_start3A_26 = arith.constant 0 : i32
    %dma_start3A_27 = arith.constant 0 : i32
    %dma_start3A_28 = arith.constant 0 : i32
    %dma_start3A_29 = arith.constant 0 : i32
    %dma_start3A_30 = tpu.memref_slice %arg14[%dma_start3A_27, %dma_start3A_28, %dma_start3A_29] : memref<4x128x16xf32, #tpu.memory_space<vmem>> -> memref<1x128x16xf32, #tpu.memory_space<vmem>>
    %dma_start3A_31 = tpu.memref_squeeze %dma_start3A_30 : memref<1x128x16xf32, #tpu.memory_space<vmem>> -> memref<128x16xf32, #tpu.memory_space<vmem>>
    %dma_start3A_32 = arith.constant 0 : i32
    %dma_start3A_33 = tpu.memref_slice %arg11[%dma_start3A_26, %dma_start3A_32] : memref<40x128xi32, #tpu.memory_space<vmem>> -> memref<1x128xi32, #tpu.memory_space<vmem>>
    %dma_start3A_34 = tpu.memref_squeeze %dma_start3A_33 : memref<1x128xi32, #tpu.memory_space<vmem>> -> memref<128xi32, #tpu.memory_space<vmem>>
    %dma_start3A_35 = arith.constant 0 : i32
    %dma_start3A_36 = arith.constant 0 : i32
    %dma_start3A_37 = tpu.memref_slice %arg4[%dma_start3A_35, %dma_start3A_36] : memref<10240x16xf32, #tpu.memory_space<hbm>> -> memref<10240x16xf32, #tpu.memory_space<hbm>>
    tpu.enqueue_indirect_dma source(%dma_start3A_37 : memref<10240x16xf32, #tpu.memory_space<hbm>>) target(%dma_start3A_31 : memref<128x16xf32, #tpu.memory_space<vmem>>) offsets(%dma_start3A_34 : memref<128xi32, #tpu.memory_space<vmem>>) semaphore(%arg15 : memref<!tpu.dma_semaphore, #tpu.memory_space<semaphore_mem>>)
    %dma_start3A_38 = arith.constant 1 : i32
    %dma_start3A_39 = arith.constant 1 : i32
    %dma_start3A_40 = arith.constant 0 : i32
    %dma_start3A_41 = arith.constant 0 : i32
    %dma_start3A_42 = tpu.memref_slice %arg12[%dma_start3A_39, %dma_start3A_40, %dma_start3A_41] : memref<4x128x128xf32, #tpu.memory_space<vmem>> -> memref<1x128x128xf32, #tpu.memory_space<vmem>>
    %dma_start3A_43 = tpu.memref_squeeze %dma_start3A_42 : memref<1x128x128xf32, #tpu.memory_space<vmem>> -> memref<128x128xf32, #tpu.memory_space<vmem>>
    %dma_start3A_44 = arith.constant 0 : i32
    %dma_start3A_45 = tpu.memref_slice %arg10[%dma_start3A_38, %dma_start3A_44] : memref<40x128xi32, #tpu.memory_space<vmem>> -> memref<1x128xi32, #tpu.memory_space<vmem>>
    %dma_start3A_46 = tpu.memref_squeeze %dma_start3A_45 : memref<1x128xi32, #tpu.memory_space<vmem>> -> memref<128xi32, #tpu.memory_space<vmem>>
    %dma_start3A_47 = arith.constant 0 : i32
    %dma_start3A_48 = arith.constant 0 : i32
    %dma_start3A_49 = tpu.memref_slice %arg2[%dma_start3A_47, %dma_start3A_48] : memref<10000x128xf32, #tpu.memory_space<hbm>> -> memref<10000x128xf32, #tpu.memory_space<hbm>>
    tpu.enqueue_indirect_dma source(%dma_start3A_49 : memref<10000x128xf32, #tpu.memory_space<hbm>>) target(%dma_start3A_43 : memref<128x128xf32, #tpu.memory_space<vmem>>) offsets(%dma_start3A_46 : memref<128xi32, #tpu.memory_space<vmem>>) semaphore(%arg16 : memref<!tpu.dma_semaphore, #tpu.memory_space<semaphore_mem>>)
    %dma_start3A_50 = arith.constant 1 : i32
    %dma_start3A_51 = arith.constant 1 : i32
    %dma_start3A_52 = arith.constant 0 : i32
    %dma_start3A_53 = arith.constant 0 : i32
    %dma_start3A_54 = tpu.memref_slice %arg13[%dma_start3A_51, %dma_start3A_52, %dma_start3A_53] : memref<4x128x64xf32, #tpu.memory_space<vmem>> -> memref<1x128x64xf32, #tpu.memory_space<vmem>>
    %dma_start3A_55 = tpu.memref_squeeze %dma_start3A_54 : memref<1x128x64xf32, #tpu.memory_space<vmem>> -> memref<128x64xf32, #tpu.memory_space<vmem>>
    %dma_start3A_56 = arith.constant 0 : i32
    %dma_start3A_57 = tpu.memref_slice %arg10[%dma_start3A_50, %dma_start3A_56] : memref<40x128xi32, #tpu.memory_space<vmem>> -> memref<1x128xi32, #tpu.memory_space<vmem>>
    %dma_start3A_58 = tpu.memref_squeeze %dma_start3A_57 : memref<1x128xi32, #tpu.memory_space<vmem>> -> memref<128xi32, #tpu.memory_space<vmem>>
    %dma_start3A_59 = arith.constant 0 : i32
    %dma_start3A_60 = arith.constant 0 : i32
    %dma_start3A_61 = tpu.memref_slice %arg3[%dma_start3A_59, %dma_start3A_60] : memref<10000x64xf32, #tpu.memory_space<hbm>> -> memref<10000x64xf32, #tpu.memory_space<hbm>>
    tpu.enqueue_indirect_dma source(%dma_start3A_61 : memref<10000x64xf32, #tpu.memory_space<hbm>>) target(%dma_start3A_55 : memref<128x64xf32, #tpu.memory_space<vmem>>) offsets(%dma_start3A_58 : memref<128xi32, #tpu.memory_space<vmem>>) semaphore(%arg16 : memref<!tpu.dma_semaphore, #tpu.memory_space<semaphore_mem>>)
    %dma_start3A_62 = arith.constant 1 : i32
    %dma_start3A_63 = arith.constant 1 : i32
    %dma_start3A_64 = arith.constant 0 : i32
    %dma_start3A_65 = arith.constant 0 : i32
    %dma_start3A_66 = tpu.memref_slice %arg14[%dma_start3A_63, %dma_start3A_64, %dma_start3A_65] : memref<4x128x16xf32, #tpu.memory_space<vmem>> -> memref<1x128x16xf32, #tpu.memory_space<vmem>>
    %dma_start3A_67 = tpu.memref_squeeze %dma_start3A_66 : memref<1x128x16xf32, #tpu.memory_space<vmem>> -> memref<128x16xf32, #tpu.memory_space<vmem>>
    %dma_start3A_68 = arith.constant 0 : i32
    %dma_start3A_69 = tpu.memref_slice %arg11[%dma_start3A_62, %dma_start3A_68] : memref<40x128xi32, #tpu.memory_space<vmem>> -> memref<1x128xi32, #tpu.memory_space<vmem>>
    %dma_start3A_70 = tpu.memref_squeeze %dma_start3A_69 : memref<1x128xi32, #tpu.memory_space<vmem>> -> memref<128xi32, #tpu.memory_space<vmem>>
    %dma_start3A_71 = arith.constant 0 : i32
    %dma_start3A_72 = arith.constant 0 : i32
    %dma_start3A_73 = tpu.memref_slice %arg4[%dma_start3A_71, %dma_start3A_72] : memref<10240x16xf32, #tpu.memory_space<hbm>> -> memref<10240x16xf32, #tpu.memory_space<hbm>>
    tpu.enqueue_indirect_dma source(%dma_start3A_73 : memref<10240x16xf32, #tpu.memory_space<hbm>>) target(%dma_start3A_67 : memref<128x16xf32, #tpu.memory_space<vmem>>) offsets(%dma_start3A_70 : memref<128xi32, #tpu.memory_space<vmem>>) semaphore(%arg16 : memref<!tpu.dma_semaphore, #tpu.memory_space<semaphore_mem>>)
    %dma_start3A_74 = arith.constant 2 : i32
    %dma_start3A_75 = arith.constant 2 : i32
    %dma_start3A_76 = arith.constant 0 : i32
    %dma_start3A_77 = arith.constant 0 : i32
    %dma_start3A_78 = tpu.memref_slice %arg12[%dma_start3A_75, %dma_start3A_76, %dma_start3A_77] : memref<4x128x128xf32, #tpu.memory_space<vmem>> -> memref<1x128x128xf32, #tpu.memory_space<vmem>>
    %dma_start3A_79 = tpu.memref_squeeze %dma_start3A_78 : memref<1x128x128xf32, #tpu.memory_space<vmem>> -> memref<128x128xf32, #tpu.memory_space<vmem>>
    %dma_start3A_80 = arith.constant 0 : i32
    %dma_start3A_81 = tpu.memref_slice %arg10[%dma_start3A_74, %dma_start3A_80] : memref<40x128xi32, #tpu.memory_space<vmem>> -> memref<1x128xi32, #tpu.memory_space<vmem>>
    %dma_start3A_82 = tpu.memref_squeeze %dma_start3A_81 : memref<1x128xi32, #tpu.memory_space<vmem>> -> memref<128xi32, #tpu.memory_space<vmem>>
    %dma_start3A_83 = arith.constant 0 : i32
    %dma_start3A_84 = arith.constant 0 : i32
    %dma_start3A_85 = tpu.memref_slice %arg2[%dma_start3A_83, %dma_start3A_84] : memref<10000x128xf32, #tpu.memory_space<hbm>> -> memref<10000x128xf32, #tpu.memory_space<hbm>>
    tpu.enqueue_indirect_dma source(%dma_start3A_85 : memref<10000x128xf32, #tpu.memory_space<hbm>>) target(%dma_start3A_79 : memref<128x128xf32, #tpu.memory_space<vmem>>) offsets(%dma_start3A_82 : memref<128xi32, #tpu.memory_space<vmem>>) semaphore(%arg19 : memref<!tpu.dma_semaphore, #tpu.memory_space<semaphore_mem>>)
    %dma_start3A_86 = arith.constant 2 : i32
    %dma_start3A_87 = arith.constant 2 : i32
    %dma_start3A_88 = arith.constant 0 : i32
    %dma_start3A_89 = arith.constant 0 : i32
    %dma_start3A_90 = tpu.memref_slice %arg13[%dma_start3A_87, %dma_start3A_88, %dma_start3A_89] : memref<4x128x64xf32, #tpu.memory_space<vmem>> -> memref<1x128x64xf32, #tpu.memory_space<vmem>>
    %dma_start3A_91 = tpu.memref_squeeze %dma_start3A_90 : memref<1x128x64xf32, #tpu.memory_space<vmem>> -> memref<128x64xf32, #tpu.memory_space<vmem>>
    %dma_start3A_92 = arith.constant 0 : i32
    %dma_start3A_93 = tpu.memref_slice %arg10[%dma_start3A_86, %dma_start3A_92] : memref<40x128xi32, #tpu.memory_space<vmem>> -> memref<1x128xi32, #tpu.memory_space<vmem>>
    %dma_start3A_94 = tpu.memref_squeeze %dma_start3A_93 : memref<1x128xi32, #tpu.memory_space<vmem>> -> memref<128xi32, #tpu.memory_space<vmem>>
    %dma_start3A_95 = arith.constant 0 : i32
    %dma_start3A_96 = arith.constant 0 : i32
    %dma_start3A_97 = tpu.memref_slice %arg3[%dma_start3A_95, %dma_start3A_96] : memref<10000x64xf32, #tpu.memory_space<hbm>> -> memref<10000x64xf32, #tpu.memory_space<hbm>>
    tpu.enqueue_indirect_dma source(%dma_start3A_97 : memref<10000x64xf32, #tpu.memory_space<hbm>>) target(%dma_start3A_91 : memref<128x64xf32, #tpu.memory_space<vmem>>) offsets(%dma_start3A_94 : memref<128xi32, #tpu.memory_space<vmem>>) semaphore(%arg19 : memref<!tpu.dma_semaphore, #tpu.memory_space<semaphore_mem>>)
    %dma_start3A_98 = arith.constant 2 : i32
    %dma_start3A_99 = arith.constant 2 : i32
    %dma_start3A_100 = arith.constant 0 : i32
    %dma_start3A_101 = arith.constant 0 : i32
    %dma_start3A_102 = tpu.memref_slice %arg14[%dma_start3A_99, %dma_start3A_100, %dma_start3A_101] : memref<4x128x16xf32, #tpu.memory_space<vmem>> -> memref<1x128x16xf32, #tpu.memory_space<vmem>>
    %dma_start3A_103 = tpu.memref_squeeze %dma_start3A_102 : memref<1x128x16xf32, #tpu.memory_space<vmem>> -> memref<128x16xf32, #tpu.memory_space<vmem>>
    %dma_start3A_104 = arith.constant 0 : i32
    %dma_start3A_105 = tpu.memref_slice %arg11[%dma_start3A_98, %dma_start3A_104] : memref<40x128xi32, #tpu.memory_space<vmem>> -> memref<1x128xi32, #tpu.memory_space<vmem>>
    %dma_start3A_106 = tpu.memref_squeeze %dma_start3A_105 : memref<1x128xi32, #tpu.memory_space<vmem>> -> memref<128xi32, #tpu.memory_space<vmem>>
    %dma_start3A_107 = arith.constant 0 : i32
    %dma_start3A_108 = arith.constant 0 : i32
    %dma_start3A_109 = tpu.memref_slice %arg4[%dma_start3A_107, %dma_start3A_108] : memref<10240x16xf32, #tpu.memory_space<hbm>> -> memref<10240x16xf32, #tpu.memory_space<hbm>>
    tpu.enqueue_indirect_dma source(%dma_start3A_109 : memref<10240x16xf32, #tpu.memory_space<hbm>>) target(%dma_start3A_103 : memref<128x16xf32, #tpu.memory_space<vmem>>) offsets(%dma_start3A_106 : memref<128xi32, #tpu.memory_space<vmem>>) semaphore(%arg19 : memref<!tpu.dma_semaphore, #tpu.memory_space<semaphore_mem>>)
    %dma_start3A_110 = arith.constant 3 : i32
    %dma_start3A_111 = arith.constant 3 : i32
    %dma_start3A_112 = arith.constant 0 : i32
    %dma_start3A_113 = arith.constant 0 : i32
    %dma_start3A_114 = tpu.memref_slice %arg12[%dma_start3A_111, %dma_start3A_112, %dma_start3A_113] : memref<4x128x128xf32, #tpu.memory_space<vmem>> -> memref<1x128x128xf32, #tpu.memory_space<vmem>>
    %dma_start3A_115 = tpu.memref_squeeze %dma_start3A_114 : memref<1x128x128xf32, #tpu.memory_space<vmem>> -> memref<128x128xf32, #tpu.memory_space<vmem>>
    %dma_start3A_116 = arith.constant 0 : i32
    %dma_start3A_117 = tpu.memref_slice %arg10[%dma_start3A_110, %dma_start3A_116] : memref<40x128xi32, #tpu.memory_space<vmem>> -> memref<1x128xi32, #tpu.memory_space<vmem>>
    %dma_start3A_118 = tpu.memref_squeeze %dma_start3A_117 : memref<1x128xi32, #tpu.memory_space<vmem>> -> memref<128xi32, #tpu.memory_space<vmem>>
    %dma_start3A_119 = arith.constant 0 : i32
    %dma_start3A_120 = arith.constant 0 : i32
    %dma_start3A_121 = tpu.memref_slice %arg2[%dma_start3A_119, %dma_start3A_120] : memref<10000x128xf32, #tpu.memory_space<hbm>> -> memref<10000x128xf32, #tpu.memory_space<hbm>>
    tpu.enqueue_indirect_dma source(%dma_start3A_121 : memref<10000x128xf32, #tpu.memory_space<hbm>>) target(%dma_start3A_115 : memref<128x128xf32, #tpu.memory_space<vmem>>) offsets(%dma_start3A_118 : memref<128xi32, #tpu.memory_space<vmem>>) semaphore(%arg20 : memref<!tpu.dma_semaphore, #tpu.memory_space<semaphore_mem>>)
    %dma_start3A_122 = arith.constant 3 : i32
    %dma_start3A_123 = arith.constant 3 : i32
    %dma_start3A_124 = arith.constant 0 : i32
    %dma_start3A_125 = arith.constant 0 : i32
    %dma_start3A_126 = tpu.memref_slice %arg13[%dma_start3A_123, %dma_start3A_124, %dma_start3A_125] : memref<4x128x64xf32, #tpu.memory_space<vmem>> -> memref<1x128x64xf32, #tpu.memory_space<vmem>>
    %dma_start3A_127 = tpu.memref_squeeze %dma_start3A_126 : memref<1x128x64xf32, #tpu.memory_space<vmem>> -> memref<128x64xf32, #tpu.memory_space<vmem>>
    %dma_start3A_128 = arith.constant 0 : i32
    %dma_start3A_129 = tpu.memref_slice %arg10[%dma_start3A_122, %dma_start3A_128] : memref<40x128xi32, #tpu.memory_space<vmem>> -> memref<1x128xi32, #tpu.memory_space<vmem>>
    %dma_start3A_130 = tpu.memref_squeeze %dma_start3A_129 : memref<1x128xi32, #tpu.memory_space<vmem>> -> memref<128xi32, #tpu.memory_space<vmem>>
    %dma_start3A_131 = arith.constant 0 : i32
    %dma_start3A_132 = arith.constant 0 : i32
    %dma_start3A_133 = tpu.memref_slice %arg3[%dma_start3A_131, %dma_start3A_132] : memref<10000x64xf32, #tpu.memory_space<hbm>> -> memref<10000x64xf32, #tpu.memory_space<hbm>>
    tpu.enqueue_indirect_dma source(%dma_start3A_133 : memref<10000x64xf32, #tpu.memory_space<hbm>>) target(%dma_start3A_127 : memref<128x64xf32, #tpu.memory_space<vmem>>) offsets(%dma_start3A_130 : memref<128xi32, #tpu.memory_space<vmem>>) semaphore(%arg20 : memref<!tpu.dma_semaphore, #tpu.memory_space<semaphore_mem>>)
    %dma_start3A_134 = arith.constant 3 : i32
    %dma_start3A_135 = arith.constant 3 : i32
    %dma_start3A_136 = arith.constant 0 : i32
    %dma_start3A_137 = arith.constant 0 : i32
    %dma_start3A_138 = tpu.memref_slice %arg14[%dma_start3A_135, %dma_start3A_136, %dma_start3A_137] : memref<4x128x16xf32, #tpu.memory_space<vmem>> -> memref<1x128x16xf32, #tpu.memory_space<vmem>>
    %dma_start3A_139 = tpu.memref_squeeze %dma_start3A_138 : memref<1x128x16xf32, #tpu.memory_space<vmem>> -> memref<128x16xf32, #tpu.memory_space<vmem>>
    %dma_start3A_140 = arith.constant 0 : i32
    %dma_start3A_141 = tpu.memref_slice %arg11[%dma_start3A_134, %dma_start3A_140] : memref<40x128xi32, #tpu.memory_space<vmem>> -> memref<1x128xi32, #tpu.memory_space<vmem>>
    %dma_start3A_142 = tpu.memref_squeeze %dma_start3A_141 : memref<1x128xi32, #tpu.memory_space<vmem>> -> memref<128xi32, #tpu.memory_space<vmem>>
    %dma_start3A_143 = arith.constant 0 : i32
    %dma_start3A_144 = arith.constant 0 : i32
    %dma_start3A_145 = tpu.memref_slice %arg4[%dma_start3A_143, %dma_start3A_144] : memref<10240x16xf32, #tpu.memory_space<hbm>> -> memref<10240x16xf32, #tpu.memory_space<hbm>>
    tpu.enqueue_indirect_dma source(%dma_start3A_145 : memref<10240x16xf32, #tpu.memory_space<hbm>>) target(%dma_start3A_139 : memref<128x16xf32, #tpu.memory_space<vmem>>) offsets(%dma_start3A_142 : memref<128xi32, #tpu.memory_space<vmem>>) semaphore(%arg20 : memref<!tpu.dma_semaphore, #tpu.memory_space<semaphore_mem>>)
    %scan3A = arith.constant 0 : i32
    %scan3A_146 = arith.constant 0 : i32
    %scan3A_147 = arith.constant 10 : i32
    %scan3A_148 = arith.addi %scan3A_146, %scan3A_147 : i32
    %scan3A_149 = arith.constant 1 : i32
    scf.for %scan3A_151 = %scan3A_146 to %scan3A_148 step %scan3A_149  : i32 {
      %mul3A_152 = arith.constant 4 : i32
      %mul3A_153 = arith.muli %scan3A_151, %mul3A_152 : i32
      %add3A_154 = arith.constant 0 : i32
      %add3A_155 = arith.addi %mul3A_153, %add3A_154 : i32
      %dma_wait3A = arith.constant 0 : i32
      %dma_wait3A_156 = arith.constant 0 : i32
      %dma_wait3A_157 = arith.constant 0 : i32
      %dma_wait3A_158 = tpu.memref_slice %arg12[%dma_wait3A, %dma_wait3A_156, %dma_wait3A_157] : memref<4x128x128xf32, #tpu.memory_space<vmem>> -> memref<1x128x128xf32, #tpu.memory_space<vmem>>
      %dma_wait3A_159 = tpu.memref_squeeze %dma_wait3A_158 : memref<1x128x128xf32, #tpu.memory_space<vmem>> -> memref<128x128xf32, #tpu.memory_space<vmem>>
      %dma_wait3A_160 = arith.constant 0 : i32
      %dma_wait3A_161 = tpu.memref_slice %arg10[%add3A_155, %dma_wait3A_160] : memref<40x128xi32, #tpu.memory_space<vmem>> -> memref<1x128xi32, #tpu.memory_space<vmem>>
      %dma_wait3A_162 = tpu.memref_squeeze %dma_wait3A_161 : memref<1x128xi32, #tpu.memory_space<vmem>> -> memref<128xi32, #tpu.memory_space<vmem>>
      %dma_wait3A_163 = arith.constant 0 : i32
      %dma_wait3A_164 = arith.constant 0 : i32
      %dma_wait3A_165 = tpu.memref_slice %arg2[%dma_wait3A_163, %dma_wait3A_164] : memref<10000x128xf32, #tpu.memory_space<hbm>> -> memref<10000x128xf32, #tpu.memory_space<hbm>>
      tpu.wait_indirect_dma semaphore(%arg15 : memref<!tpu.dma_semaphore, #tpu.memory_space<semaphore_mem>>) src(%dma_wait3A_165 : memref<10000x128xf32, #tpu.memory_space<hbm>>) dst(%dma_wait3A_159 : memref<128x128xf32, #tpu.memory_space<vmem>>)
      %dma_wait3A_166 = arith.constant 0 : i32
      %dma_wait3A_167 = arith.constant 0 : i32
      %dma_wait3A_168 = arith.constant 0 : i32
      %dma_wait3A_169 = tpu.memref_slice %arg13[%dma_wait3A_166, %dma_wait3A_167, %dma_wait3A_168] : memref<4x128x64xf32, #tpu.memory_space<vmem>> -> memref<1x128x64xf32, #tpu.memory_space<vmem>>
      %dma_wait3A_170 = tpu.memref_squeeze %dma_wait3A_169 : memref<1x128x64xf32, #tpu.memory_space<vmem>> -> memref<128x64xf32, #tpu.memory_space<vmem>>
      %dma_wait3A_171 = arith.constant 0 : i32
      %dma_wait3A_172 = tpu.memref_slice %arg10[%add3A_155, %dma_wait3A_171] : memref<40x128xi32, #tpu.memory_space<vmem>> -> memref<1x128xi32, #tpu.memory_space<vmem>>
      %dma_wait3A_173 = tpu.memref_squeeze %dma_wait3A_172 : memref<1x128xi32, #tpu.memory_space<vmem>> -> memref<128xi32, #tpu.memory_space<vmem>>
      %dma_wait3A_174 = arith.constant 0 : i32
      %dma_wait3A_175 = arith.constant 0 : i32
      %dma_wait3A_176 = tpu.memref_slice %arg3[%dma_wait3A_174, %dma_wait3A_175] : memref<10000x64xf32, #tpu.memory_space<hbm>> -> memref<10000x64xf32, #tpu.memory_space<hbm>>
      tpu.wait_indirect_dma semaphore(%arg15 : memref<!tpu.dma_semaphore, #tpu.memory_space<semaphore_mem>>) src(%dma_wait3A_176 : memref<10000x64xf32, #tpu.memory_space<hbm>>) dst(%dma_wait3A_170 : memref<128x64xf32, #tpu.memory_space<vmem>>)
      %dma_wait3A_177 = arith.constant 0 : i32
      %dma_wait3A_178 = arith.constant 0 : i32
      %dma_wait3A_179 = arith.constant 0 : i32
      %dma_wait3A_180 = tpu.memref_slice %arg14[%dma_wait3A_177, %dma_wait3A_178, %dma_wait3A_179] : memref<4x128x16xf32, #tpu.memory_space<vmem>> -> memref<1x128x16xf32, #tpu.memory_space<vmem>>
      %dma_wait3A_181 = tpu.memref_squeeze %dma_wait3A_180 : memref<1x128x16xf32, #tpu.memory_space<vmem>> -> memref<128x16xf32, #tpu.memory_space<vmem>>
      %dma_wait3A_182 = arith.constant 0 : i32
      %dma_wait3A_183 = tpu.memref_slice %arg11[%add3A_155, %dma_wait3A_182] : memref<40x128xi32, #tpu.memory_space<vmem>> -> memref<1x128xi32, #tpu.memory_space<vmem>>
      %dma_wait3A_184 = tpu.memref_squeeze %dma_wait3A_183 : memref<1x128xi32, #tpu.memory_space<vmem>> -> memref<128xi32, #tpu.memory_space<vmem>>
      %dma_wait3A_185 = arith.constant 0 : i32
      %dma_wait3A_186 = arith.constant 0 : i32
      %dma_wait3A_187 = tpu.memref_slice %arg4[%dma_wait3A_185, %dma_wait3A_186] : memref<10240x16xf32, #tpu.memory_space<hbm>> -> memref<10240x16xf32, #tpu.memory_space<hbm>>
      tpu.wait_indirect_dma semaphore(%arg15 : memref<!tpu.dma_semaphore, #tpu.memory_space<semaphore_mem>>) src(%dma_wait3A_187 : memref<10240x16xf32, #tpu.memory_space<hbm>>) dst(%dma_wait3A_181 : memref<128x16xf32, #tpu.memory_space<vmem>>)
      %mul3A_188 = arith.constant 128 : i32
      %mul3A_189 = arith.muli %add3A_155, %mul3A_188 : i32
      %add3A_190 = arith.addi %mul3A_2, %mul3A_189 : i32
      %dma_start3A_191 = arith.constant 0 : i32
      %dma_start3A_192 = arith.constant 0 : i32
      %dma_start3A_193 = arith.constant 0 : i32
      %dma_start3A_194 = tpu.memref_slice %arg12[%dma_start3A_191, %dma_start3A_192, %dma_start3A_193] : memref<4x128x128xf32, #tpu.memory_space<vmem>> -> memref<1x128x128xf32, #tpu.memory_space<vmem>>
      %dma_start3A_195 = tpu.memref_squeeze %dma_start3A_194 : memref<1x128x128xf32, #tpu.memory_space<vmem>> -> memref<128x128xf32, #tpu.memory_space<vmem>>
      %dma_start3A_196 = arith.constant 0 : i32
      %dma_start3A_197 = tpu.memref_slice %arg7[%add3A_190, %dma_start3A_196] : memref<163840x128xf32, #tpu.memory_space<hbm>> -> memref<128x128xf32, #tpu.memory_space<hbm>>
      %dma_start3A_198 = arith.constant 0 : i32
      %dma_start3A_199 = tpu.memref_slice %arg7[%add3A_190, %dma_start3A_198] : memref<163840x128xf32, #tpu.memory_space<hbm>> -> memref<128x128xf32, #tpu.memory_space<hbm>>
      %dma_start3A_200 = arith.constant 0 : i32
      %dma_start3A_201 = arith.constant 0 : i32
      %dma_start3A_202 = tpu.memref_slice %arg12[%dma_start3A_191, %dma_start3A_200, %dma_start3A_201] : memref<4x128x128xf32, #tpu.memory_space<vmem>> -> memref<1x128x128xf32, #tpu.memory_space<vmem>>
      %dma_start3A_203 = tpu.memref_squeeze %dma_start3A_202 : memref<1x128x128xf32, #tpu.memory_space<vmem>> -> memref<128x128xf32, #tpu.memory_space<vmem>>
      tpu.enqueue_dma source(%dma_start3A_203 : memref<128x128xf32, #tpu.memory_space<vmem>>) target(%dma_start3A_199 : memref<128x128xf32, #tpu.memory_space<hbm>>) target_semaphore(%arg17 : memref<!tpu.dma_semaphore, #tpu.memory_space<semaphore_mem>>)
      %dma_start3A_204 = arith.constant 0 : i32
      %dma_start3A_205 = arith.constant 0 : i32
      %dma_start3A_206 = arith.constant 0 : i32
      %dma_start3A_207 = tpu.memref_slice %arg13[%dma_start3A_204, %dma_start3A_205, %dma_start3A_206] : memref<4x128x64xf32, #tpu.memory_space<vmem>> -> memref<1x128x64xf32, #tpu.memory_space<vmem>>
      %dma_start3A_208 = tpu.memref_squeeze %dma_start3A_207 : memref<1x128x64xf32, #tpu.memory_space<vmem>> -> memref<128x64xf32, #tpu.memory_space<vmem>>
      %dma_start3A_209 = arith.constant 0 : i32
      %dma_start3A_210 = tpu.memref_slice %arg8[%add3A_190, %dma_start3A_209] : memref<163840x64xf32, #tpu.memory_space<hbm>> -> memref<128x64xf32, #tpu.memory_space<hbm>>
      %dma_start3A_211 = arith.constant 0 : i32
      %dma_start3A_212 = tpu.memref_slice %arg8[%add3A_190, %dma_start3A_211] : memref<163840x64xf32, #tpu.memory_space<hbm>> -> memref<128x64xf32, #tpu.memory_space<hbm>>
      %dma_start3A_213 = arith.constant 0 : i32
      %dma_start3A_214 = arith.constant 0 : i32
      %dma_start3A_215 = tpu.memref_slice %arg13[%dma_start3A_204, %dma_start3A_213, %dma_start3A_214] : memref<4x128x64xf32, #tpu.memory_space<vmem>> -> memref<1x128x64xf32, #tpu.memory_space<vmem>>
      %dma_start3A_216 = tpu.memref_squeeze %dma_start3A_215 : memref<1x128x64xf32, #tpu.memory_space<vmem>> -> memref<128x64xf32, #tpu.memory_space<vmem>>
      tpu.enqueue_dma source(%dma_start3A_216 : memref<128x64xf32, #tpu.memory_space<vmem>>) target(%dma_start3A_212 : memref<128x64xf32, #tpu.memory_space<hbm>>) target_semaphore(%arg17 : memref<!tpu.dma_semaphore, #tpu.memory_space<semaphore_mem>>)
      %dma_start3A_217 = arith.constant 0 : i32
      %dma_start3A_218 = arith.constant 0 : i32
      %dma_start3A_219 = arith.constant 0 : i32
      %dma_start3A_220 = tpu.memref_slice %arg14[%dma_start3A_217, %dma_start3A_218, %dma_start3A_219] : memref<4x128x16xf32, #tpu.memory_space<vmem>> -> memref<1x128x16xf32, #tpu.memory_space<vmem>>
      %dma_start3A_221 = tpu.memref_squeeze %dma_start3A_220 : memref<1x128x16xf32, #tpu.memory_space<vmem>> -> memref<128x16xf32, #tpu.memory_space<vmem>>
      %dma_start3A_222 = arith.constant 0 : i32
      %dma_start3A_223 = tpu.memref_slice %arg9[%add3A_190, %dma_start3A_222] : memref<163840x16xf32, #tpu.memory_space<hbm>> -> memref<128x16xf32, #tpu.memory_space<hbm>>
      %dma_start3A_224 = arith.constant 0 : i32
      %dma_start3A_225 = tpu.memref_slice %arg9[%add3A_190, %dma_start3A_224] : memref<163840x16xf32, #tpu.memory_space<hbm>> -> memref<128x16xf32, #tpu.memory_space<hbm>>
      %dma_start3A_226 = arith.constant 0 : i32
      %dma_start3A_227 = arith.constant 0 : i32
      %dma_start3A_228 = tpu.memref_slice %arg14[%dma_start3A_217, %dma_start3A_226, %dma_start3A_227] : memref<4x128x16xf32, #tpu.memory_space<vmem>> -> memref<1x128x16xf32, #tpu.memory_space<vmem>>
      %dma_start3A_229 = tpu.memref_squeeze %dma_start3A_228 : memref<1x128x16xf32, #tpu.memory_space<vmem>> -> memref<128x16xf32, #tpu.memory_space<vmem>>
      tpu.enqueue_dma source(%dma_start3A_229 : memref<128x16xf32, #tpu.memory_space<vmem>>) target(%dma_start3A_225 : memref<128x16xf32, #tpu.memory_space<hbm>>) target_semaphore(%arg18 : memref<!tpu.dma_semaphore, #tpu.memory_space<semaphore_mem>>)
      %dma_wait3A_230 = arith.constant 0 : i32
      %dma_wait3A_231 = arith.constant 0 : i32
      %dma_wait3A_232 = arith.constant 0 : i32
      %dma_wait3A_233 = tpu.memref_slice %arg12[%dma_wait3A_230, %dma_wait3A_231, %dma_wait3A_232] : memref<4x128x128xf32, #tpu.memory_space<vmem>> -> memref<1x128x128xf32, #tpu.memory_space<vmem>>
      %dma_wait3A_234 = tpu.memref_squeeze %dma_wait3A_233 : memref<1x128x128xf32, #tpu.memory_space<vmem>> -> memref<128x128xf32, #tpu.memory_space<vmem>>
      %dma_wait3A_235 = arith.constant 0 : i32
      %dma_wait3A_236 = tpu.memref_slice %arg7[%add3A_190, %dma_wait3A_235] : memref<163840x128xf32, #tpu.memory_space<hbm>> -> memref<128x128xf32, #tpu.memory_space<hbm>>
      %dma_wait3A_237 = arith.constant 0 : i32
      %dma_wait3A_238 = tpu.memref_slice %arg7[%add3A_190, %dma_wait3A_237] : memref<163840x128xf32, #tpu.memory_space<hbm>> -> memref<128x128xf32, #tpu.memory_space<hbm>>
      %dma_wait3A_239 = arith.constant 0 : i32
      %dma_wait3A_240 = arith.constant 0 : i32
      %dma_wait3A_241 = tpu.memref_slice %arg12[%dma_wait3A_230, %dma_wait3A_239, %dma_wait3A_240] : memref<4x128x128xf32, #tpu.memory_space<vmem>> -> memref<1x128x128xf32, #tpu.memory_space<vmem>>
      %dma_wait3A_242 = tpu.memref_squeeze %dma_wait3A_241 : memref<1x128x128xf32, #tpu.memory_space<vmem>> -> memref<128x128xf32, #tpu.memory_space<vmem>>
      tpu.wait_dma2 semaphore(%arg17 : memref<!tpu.dma_semaphore, #tpu.memory_space<semaphore_mem>>) src(%dma_wait3A_242 : memref<128x128xf32, #tpu.memory_space<vmem>>) dst(%dma_wait3A_238 : memref<128x128xf32, #tpu.memory_space<hbm>>)
      %dma_wait3A_243 = arith.constant 0 : i32
      %dma_wait3A_244 = arith.constant 0 : i32
      %dma_wait3A_245 = arith.constant 0 : i32
      %dma_wait3A_246 = tpu.memref_slice %arg13[%dma_wait3A_243, %dma_wait3A_244, %dma_wait3A_245] : memref<4x128x64xf32, #tpu.memory_space<vmem>> -> memref<1x128x64xf32, #tpu.memory_space<vmem>>
      %dma_wait3A_247 = tpu.memref_squeeze %dma_wait3A_246 : memref<1x128x64xf32, #tpu.memory_space<vmem>> -> memref<128x64xf32, #tpu.memory_space<vmem>>
      %dma_wait3A_248 = arith.constant 0 : i32
      %dma_wait3A_249 = tpu.memref_slice %arg8[%add3A_190, %dma_wait3A_248] : memref<163840x64xf32, #tpu.memory_space<hbm>> -> memref<128x64xf32, #tpu.memory_space<hbm>>
      %dma_wait3A_250 = arith.constant 0 : i32
      %dma_wait3A_251 = tpu.memref_slice %arg8[%add3A_190, %dma_wait3A_250] : memref<163840x64xf32, #tpu.memory_space<hbm>> -> memref<128x64xf32, #tpu.memory_space<hbm>>
      %dma_wait3A_252 = arith.constant 0 : i32
      %dma_wait3A_253 = arith.constant 0 : i32
      %dma_wait3A_254 = tpu.memref_slice %arg13[%dma_wait3A_243, %dma_wait3A_252, %dma_wait3A_253] : memref<4x128x64xf32, #tpu.memory_space<vmem>> -> memref<1x128x64xf32, #tpu.memory_space<vmem>>
      %dma_wait3A_255 = tpu.memref_squeeze %dma_wait3A_254 : memref<1x128x64xf32, #tpu.memory_space<vmem>> -> memref<128x64xf32, #tpu.memory_space<vmem>>
      tpu.wait_dma2 semaphore(%arg17 : memref<!tpu.dma_semaphore, #tpu.memory_space<semaphore_mem>>) src(%dma_wait3A_255 : memref<128x64xf32, #tpu.memory_space<vmem>>) dst(%dma_wait3A_251 : memref<128x64xf32, #tpu.memory_space<hbm>>)
      %dma_wait3A_256 = arith.constant 0 : i32
      %dma_wait3A_257 = arith.constant 0 : i32
      %dma_wait3A_258 = arith.constant 0 : i32
      %dma_wait3A_259 = tpu.memref_slice %arg14[%dma_wait3A_256, %dma_wait3A_257, %dma_wait3A_258] : memref<4x128x16xf32, #tpu.memory_space<vmem>> -> memref<1x128x16xf32, #tpu.memory_space<vmem>>
      %dma_wait3A_260 = tpu.memref_squeeze %dma_wait3A_259 : memref<1x128x16xf32, #tpu.memory_space<vmem>> -> memref<128x16xf32, #tpu.memory_space<vmem>>
      %dma_wait3A_261 = arith.constant 0 : i32
      %dma_wait3A_262 = tpu.memref_slice %arg9[%add3A_190, %dma_wait3A_261] : memref<163840x16xf32, #tpu.memory_space<hbm>> -> memref<128x16xf32, #tpu.memory_space<hbm>>
      %dma_wait3A_263 = arith.constant 0 : i32
      %dma_wait3A_264 = tpu.memref_slice %arg9[%add3A_190, %dma_wait3A_263] : memref<163840x16xf32, #tpu.memory_space<hbm>> -> memref<128x16xf32, #tpu.memory_space<hbm>>
      %dma_wait3A_265 = arith.constant 0 : i32
      %dma_wait3A_266 = arith.constant 0 : i32
      %dma_wait3A_267 = tpu.memref_slice %arg14[%dma_wait3A_256, %dma_wait3A_265, %dma_wait3A_266] : memref<4x128x16xf32, #tpu.memory_space<vmem>> -> memref<1x128x16xf32, #tpu.memory_space<vmem>>
      %dma_wait3A_268 = tpu.memref_squeeze %dma_wait3A_267 : memref<1x128x16xf32, #tpu.memory_space<vmem>> -> memref<128x16xf32, #tpu.memory_space<vmem>>
      tpu.wait_dma2 semaphore(%arg18 : memref<!tpu.dma_semaphore, #tpu.memory_space<semaphore_mem>>) src(%dma_wait3A_268 : memref<128x16xf32, #tpu.memory_space<vmem>>) dst(%dma_wait3A_264 : memref<128x16xf32, #tpu.memory_space<hbm>>)
      %add3A_269 = arith.constant 4 : i32
      %add3A_270 = arith.addi %add3A_155, %add3A_269 : i32
      %lt3A = arith.constant 40 : i32
      %lt3A_271 = arith.cmpi slt, %add3A_270, %lt3A : i32
      %convert_element_type3A = arith.extui %lt3A_271 : i1 to i32
      %cond3A = arith.constant 0 : i32
      %cond3A_272 = arith.cmpi ne, %convert_element_type3A, %cond3A : i32
      scf.if %cond3A_272 {
        %add3A_642 = arith.constant 4 : i32
        %add3A_643 = arith.addi %add3A_155, %add3A_642 : i32
        %dma_start3A_644 = arith.constant 0 : i32
        %dma_start3A_645 = arith.constant 0 : i32
        %dma_start3A_646 = arith.constant 0 : i32
        %dma_start3A_647 = tpu.memref_slice %arg12[%dma_start3A_644, %dma_start3A_645, %dma_start3A_646] : memref<4x128x128xf32, #tpu.memory_space<vmem>> -> memref<1x128x128xf32, #tpu.memory_space<vmem>>
        %dma_start3A_648 = tpu.memref_squeeze %dma_start3A_647 : memref<1x128x128xf32, #tpu.memory_space<vmem>> -> memref<128x128xf32, #tpu.memory_space<vmem>>
        %dma_start3A_649 = arith.constant 0 : i32
        %dma_start3A_650 = tpu.memref_slice %arg10[%add3A_643, %dma_start3A_649] : memref<40x128xi32, #tpu.memory_space<vmem>> -> memref<1x128xi32, #tpu.memory_space<vmem>>
        %dma_start3A_651 = tpu.memref_squeeze %dma_start3A_650 : memref<1x128xi32, #tpu.memory_space<vmem>> -> memref<128xi32, #tpu.memory_space<vmem>>
        %dma_start3A_652 = arith.constant 0 : i32
        %dma_start3A_653 = arith.constant 0 : i32
        %dma_start3A_654 = tpu.memref_slice %arg2[%dma_start3A_652, %dma_start3A_653] : memref<10000x128xf32, #tpu.memory_space<hbm>> -> memref<10000x128xf32, #tpu.memory_space<hbm>>
        tpu.enqueue_indirect_dma source(%dma_start3A_654 : memref<10000x128xf32, #tpu.memory_space<hbm>>) target(%dma_start3A_648 : memref<128x128xf32, #tpu.memory_space<vmem>>) offsets(%dma_start3A_651 : memref<128xi32, #tpu.memory_space<vmem>>) semaphore(%arg15 : memref<!tpu.dma_semaphore, #tpu.memory_space<semaphore_mem>>)
        %dma_start3A_655 = arith.constant 0 : i32
        %dma_start3A_656 = arith.constant 0 : i32
        %dma_start3A_657 = arith.constant 0 : i32
        %dma_start3A_658 = tpu.memref_slice %arg13[%dma_start3A_655, %dma_start3A_656, %dma_start3A_657] : memref<4x128x64xf32, #tpu.memory_space<vmem>> -> memref<1x128x64xf32, #tpu.memory_space<vmem>>
        %dma_start3A_659 = tpu.memref_squeeze %dma_start3A_658 : memref<1x128x64xf32, #tpu.memory_space<vmem>> -> memref<128x64xf32, #tpu.memory_space<vmem>>
        %dma_start3A_660 = arith.constant 0 : i32
        %dma_start3A_661 = tpu.memref_slice %arg10[%add3A_643, %dma_start3A_660] : memref<40x128xi32, #tpu.memory_space<vmem>> -> memref<1x128xi32, #tpu.memory_space<vmem>>
        %dma_start3A_662 = tpu.memref_squeeze %dma_start3A_661 : memref<1x128xi32, #tpu.memory_space<vmem>> -> memref<128xi32, #tpu.memory_space<vmem>>
        %dma_start3A_663 = arith.constant 0 : i32
        %dma_start3A_664 = arith.constant 0 : i32
        %dma_start3A_665 = tpu.memref_slice %arg3[%dma_start3A_663, %dma_start3A_664] : memref<10000x64xf32, #tpu.memory_space<hbm>> -> memref<10000x64xf32, #tpu.memory_space<hbm>>
        tpu.enqueue_indirect_dma source(%dma_start3A_665 : memref<10000x64xf32, #tpu.memory_space<hbm>>) target(%dma_start3A_659 : memref<128x64xf32, #tpu.memory_space<vmem>>) offsets(%dma_start3A_662 : memref<128xi32, #tpu.memory_space<vmem>>) semaphore(%arg15 : memref<!tpu.dma_semaphore, #tpu.memory_space<semaphore_mem>>)
        %dma_start3A_666 = arith.constant 0 : i32
        %dma_start3A_667 = arith.constant 0 : i32
        %dma_start3A_668 = arith.constant 0 : i32
        %dma_start3A_669 = tpu.memref_slice %arg14[%dma_start3A_666, %dma_start3A_667, %dma_start3A_668] : memref<4x128x16xf32, #tpu.memory_space<vmem>> -> memref<1x128x16xf32, #tpu.memory_space<vmem>>
        %dma_start3A_670 = tpu.memref_squeeze %dma_start3A_669 : memref<1x128x16xf32, #tpu.memory_space<vmem>> -> memref<128x16xf32, #tpu.memory_space<vmem>>
        %dma_start3A_671 = arith.constant 0 : i32
        %dma_start3A_672 = tpu.memref_slice %arg11[%add3A_643, %dma_start3A_671] : memref<40x128xi32, #tpu.memory_space<vmem>> -> memref<1x128xi32, #tpu.memory_space<vmem>>
        %dma_start3A_673 = tpu.memref_squeeze %dma_start3A_672 : memref<1x128xi32, #tpu.memory_space<vmem>> -> memref<128xi32, #tpu.memory_space<vmem>>
        %dma_start3A_674 = arith.constant 0 : i32
        %dma_start3A_675 = arith.constant 0 : i32
        %dma_start3A_676 = tpu.memref_slice %arg4[%dma_start3A_674, %dma_start3A_675] : memref<10240x16xf32, #tpu.memory_space<hbm>> -> memref<10240x16xf32, #tpu.memory_space<hbm>>
        tpu.enqueue_indirect_dma source(%dma_start3A_676 : memref<10240x16xf32, #tpu.memory_space<hbm>>) target(%dma_start3A_670 : memref<128x16xf32, #tpu.memory_space<vmem>>) offsets(%dma_start3A_673 : memref<128xi32, #tpu.memory_space<vmem>>) semaphore(%arg15 : memref<!tpu.dma_semaphore, #tpu.memory_space<semaphore_mem>>)
      } else {
      }
      %add3A_273 = arith.constant 1 : i32
      %add3A_274 = arith.addi %mul3A_153, %add3A_273 : i32
      %dma_wait3A_275 = arith.constant 1 : i32
      %dma_wait3A_276 = arith.constant 0 : i32
      %dma_wait3A_277 = arith.constant 0 : i32
      %dma_wait3A_278 = tpu.memref_slice %arg12[%dma_wait3A_275, %dma_wait3A_276, %dma_wait3A_277] : memref<4x128x128xf32, #tpu.memory_space<vmem>> -> memref<1x128x128xf32, #tpu.memory_space<vmem>>
      %dma_wait3A_279 = tpu.memref_squeeze %dma_wait3A_278 : memref<1x128x128xf32, #tpu.memory_space<vmem>> -> memref<128x128xf32, #tpu.memory_space<vmem>>
      %dma_wait3A_280 = arith.constant 0 : i32
      %dma_wait3A_281 = tpu.memref_slice %arg10[%add3A_274, %dma_wait3A_280] : memref<40x128xi32, #tpu.memory_space<vmem>> -> memref<1x128xi32, #tpu.memory_space<vmem>>
      %dma_wait3A_282 = tpu.memref_squeeze %dma_wait3A_281 : memref<1x128xi32, #tpu.memory_space<vmem>> -> memref<128xi32, #tpu.memory_space<vmem>>
      %dma_wait3A_283 = arith.constant 0 : i32
      %dma_wait3A_284 = arith.constant 0 : i32
      %dma_wait3A_285 = tpu.memref_slice %arg2[%dma_wait3A_283, %dma_wait3A_284] : memref<10000x128xf32, #tpu.memory_space<hbm>> -> memref<10000x128xf32, #tpu.memory_space<hbm>>
      tpu.wait_indirect_dma semaphore(%arg16 : memref<!tpu.dma_semaphore, #tpu.memory_space<semaphore_mem>>) src(%dma_wait3A_285 : memref<10000x128xf32, #tpu.memory_space<hbm>>) dst(%dma_wait3A_279 : memref<128x128xf32, #tpu.memory_space<vmem>>)
      %dma_wait3A_286 = arith.constant 1 : i32
      %dma_wait3A_287 = arith.constant 0 : i32
      %dma_wait3A_288 = arith.constant 0 : i32
      %dma_wait3A_289 = tpu.memref_slice %arg13[%dma_wait3A_286, %dma_wait3A_287, %dma_wait3A_288] : memref<4x128x64xf32, #tpu.memory_space<vmem>> -> memref<1x128x64xf32, #tpu.memory_space<vmem>>
      %dma_wait3A_290 = tpu.memref_squeeze %dma_wait3A_289 : memref<1x128x64xf32, #tpu.memory_space<vmem>> -> memref<128x64xf32, #tpu.memory_space<vmem>>
      %dma_wait3A_291 = arith.constant 0 : i32
      %dma_wait3A_292 = tpu.memref_slice %arg10[%add3A_274, %dma_wait3A_291] : memref<40x128xi32, #tpu.memory_space<vmem>> -> memref<1x128xi32, #tpu.memory_space<vmem>>
      %dma_wait3A_293 = tpu.memref_squeeze %dma_wait3A_292 : memref<1x128xi32, #tpu.memory_space<vmem>> -> memref<128xi32, #tpu.memory_space<vmem>>
      %dma_wait3A_294 = arith.constant 0 : i32
      %dma_wait3A_295 = arith.constant 0 : i32
      %dma_wait3A_296 = tpu.memref_slice %arg3[%dma_wait3A_294, %dma_wait3A_295] : memref<10000x64xf32, #tpu.memory_space<hbm>> -> memref<10000x64xf32, #tpu.memory_space<hbm>>
      tpu.wait_indirect_dma semaphore(%arg16 : memref<!tpu.dma_semaphore, #tpu.memory_space<semaphore_mem>>) src(%dma_wait3A_296 : memref<10000x64xf32, #tpu.memory_space<hbm>>) dst(%dma_wait3A_290 : memref<128x64xf32, #tpu.memory_space<vmem>>)
      %dma_wait3A_297 = arith.constant 1 : i32
      %dma_wait3A_298 = arith.constant 0 : i32
      %dma_wait3A_299 = arith.constant 0 : i32
      %dma_wait3A_300 = tpu.memref_slice %arg14[%dma_wait3A_297, %dma_wait3A_298, %dma_wait3A_299] : memref<4x128x16xf32, #tpu.memory_space<vmem>> -> memref<1x128x16xf32, #tpu.memory_space<vmem>>
      %dma_wait3A_301 = tpu.memref_squeeze %dma_wait3A_300 : memref<1x128x16xf32, #tpu.memory_space<vmem>> -> memref<128x16xf32, #tpu.memory_space<vmem>>
      %dma_wait3A_302 = arith.constant 0 : i32
      %dma_wait3A_303 = tpu.memref_slice %arg11[%add3A_274, %dma_wait3A_302] : memref<40x128xi32, #tpu.memory_space<vmem>> -> memref<1x128xi32, #tpu.memory_space<vmem>>
      %dma_wait3A_304 = tpu.memref_squeeze %dma_wait3A_303 : memref<1x128xi32, #tpu.memory_space<vmem>> -> memref<128xi32, #tpu.memory_space<vmem>>
      %dma_wait3A_305 = arith.constant 0 : i32
      %dma_wait3A_306 = arith.constant 0 : i32
      %dma_wait3A_307 = tpu.memref_slice %arg4[%dma_wait3A_305, %dma_wait3A_306] : memref<10240x16xf32, #tpu.memory_space<hbm>> -> memref<10240x16xf32, #tpu.memory_space<hbm>>
      tpu.wait_indirect_dma semaphore(%arg16 : memref<!tpu.dma_semaphore, #tpu.memory_space<semaphore_mem>>) src(%dma_wait3A_307 : memref<10240x16xf32, #tpu.memory_space<hbm>>) dst(%dma_wait3A_301 : memref<128x16xf32, #tpu.memory_space<vmem>>)
      %mul3A_308 = arith.constant 128 : i32
      %mul3A_309 = arith.muli %add3A_274, %mul3A_308 : i32
      %add3A_310 = arith.addi %mul3A_2, %mul3A_309 : i32
      %dma_start3A_311 = arith.constant 1 : i32
      %dma_start3A_312 = arith.constant 0 : i32
      %dma_start3A_313 = arith.constant 0 : i32
      %dma_start3A_314 = tpu.memref_slice %arg12[%dma_start3A_311, %dma_start3A_312, %dma_start3A_313] : memref<4x128x128xf32, #tpu.memory_space<vmem>> -> memref<1x128x128xf32, #tpu.memory_space<vmem>>
      %dma_start3A_315 = tpu.memref_squeeze %dma_start3A_314 : memref<1x128x128xf32, #tpu.memory_space<vmem>> -> memref<128x128xf32, #tpu.memory_space<vmem>>
      %dma_start3A_316 = arith.constant 0 : i32
      %dma_start3A_317 = tpu.memref_slice %arg7[%add3A_310, %dma_start3A_316] : memref<163840x128xf32, #tpu.memory_space<hbm>> -> memref<128x128xf32, #tpu.memory_space<hbm>>
      %dma_start3A_318 = arith.constant 0 : i32
      %dma_start3A_319 = tpu.memref_slice %arg7[%add3A_310, %dma_start3A_318] : memref<163840x128xf32, #tpu.memory_space<hbm>> -> memref<128x128xf32, #tpu.memory_space<hbm>>
      %dma_start3A_320 = arith.constant 0 : i32
      %dma_start3A_321 = arith.constant 0 : i32
      %dma_start3A_322 = tpu.memref_slice %arg12[%dma_start3A_311, %dma_start3A_320, %dma_start3A_321] : memref<4x128x128xf32, #tpu.memory_space<vmem>> -> memref<1x128x128xf32, #tpu.memory_space<vmem>>
      %dma_start3A_323 = tpu.memref_squeeze %dma_start3A_322 : memref<1x128x128xf32, #tpu.memory_space<vmem>> -> memref<128x128xf32, #tpu.memory_space<vmem>>
      tpu.enqueue_dma source(%dma_start3A_323 : memref<128x128xf32, #tpu.memory_space<vmem>>) target(%dma_start3A_319 : memref<128x128xf32, #tpu.memory_space<hbm>>) target_semaphore(%arg17 : memref<!tpu.dma_semaphore, #tpu.memory_space<semaphore_mem>>)
      %dma_start3A_324 = arith.constant 1 : i32
      %dma_start3A_325 = arith.constant 0 : i32
      %dma_start3A_326 = arith.constant 0 : i32
      %dma_start3A_327 = tpu.memref_slice %arg13[%dma_start3A_324, %dma_start3A_325, %dma_start3A_326] : memref<4x128x64xf32, #tpu.memory_space<vmem>> -> memref<1x128x64xf32, #tpu.memory_space<vmem>>
      %dma_start3A_328 = tpu.memref_squeeze %dma_start3A_327 : memref<1x128x64xf32, #tpu.memory_space<vmem>> -> memref<128x64xf32, #tpu.memory_space<vmem>>
      %dma_start3A_329 = arith.constant 0 : i32
      %dma_start3A_330 = tpu.memref_slice %arg8[%add3A_310, %dma_start3A_329] : memref<163840x64xf32, #tpu.memory_space<hbm>> -> memref<128x64xf32, #tpu.memory_space<hbm>>
      %dma_start3A_331 = arith.constant 0 : i32
      %dma_start3A_332 = tpu.memref_slice %arg8[%add3A_310, %dma_start3A_331] : memref<163840x64xf32, #tpu.memory_space<hbm>> -> memref<128x64xf32, #tpu.memory_space<hbm>>
      %dma_start3A_333 = arith.constant 0 : i32
      %dma_start3A_334 = arith.constant 0 : i32
      %dma_start3A_335 = tpu.memref_slice %arg13[%dma_start3A_324, %dma_start3A_333, %dma_start3A_334] : memref<4x128x64xf32, #tpu.memory_space<vmem>> -> memref<1x128x64xf32, #tpu.memory_space<vmem>>
      %dma_start3A_336 = tpu.memref_squeeze %dma_start3A_335 : memref<1x128x64xf32, #tpu.memory_space<vmem>> -> memref<128x64xf32, #tpu.memory_space<vmem>>
      tpu.enqueue_dma source(%dma_start3A_336 : memref<128x64xf32, #tpu.memory_space<vmem>>) target(%dma_start3A_332 : memref<128x64xf32, #tpu.memory_space<hbm>>) target_semaphore(%arg17 : memref<!tpu.dma_semaphore, #tpu.memory_space<semaphore_mem>>)
      %dma_start3A_337 = arith.constant 1 : i32
      %dma_start3A_338 = arith.constant 0 : i32
      %dma_start3A_339 = arith.constant 0 : i32
      %dma_start3A_340 = tpu.memref_slice %arg14[%dma_start3A_337, %dma_start3A_338, %dma_start3A_339] : memref<4x128x16xf32, #tpu.memory_space<vmem>> -> memref<1x128x16xf32, #tpu.memory_space<vmem>>
      %dma_start3A_341 = tpu.memref_squeeze %dma_start3A_340 : memref<1x128x16xf32, #tpu.memory_space<vmem>> -> memref<128x16xf32, #tpu.memory_space<vmem>>
      %dma_start3A_342 = arith.constant 0 : i32
      %dma_start3A_343 = tpu.memref_slice %arg9[%add3A_310, %dma_start3A_342] : memref<163840x16xf32, #tpu.memory_space<hbm>> -> memref<128x16xf32, #tpu.memory_space<hbm>>
      %dma_start3A_344 = arith.constant 0 : i32
      %dma_start3A_345 = tpu.memref_slice %arg9[%add3A_310, %dma_start3A_344] : memref<163840x16xf32, #tpu.memory_space<hbm>> -> memref<128x16xf32, #tpu.memory_space<hbm>>
      %dma_start3A_346 = arith.constant 0 : i32
      %dma_start3A_347 = arith.constant 0 : i32
      %dma_start3A_348 = tpu.memref_slice %arg14[%dma_start3A_337, %dma_start3A_346, %dma_start3A_347] : memref<4x128x16xf32, #tpu.memory_space<vmem>> -> memref<1x128x16xf32, #tpu.memory_space<vmem>>
      %dma_start3A_349 = tpu.memref_squeeze %dma_start3A_348 : memref<1x128x16xf32, #tpu.memory_space<vmem>> -> memref<128x16xf32, #tpu.memory_space<vmem>>
      tpu.enqueue_dma source(%dma_start3A_349 : memref<128x16xf32, #tpu.memory_space<vmem>>) target(%dma_start3A_345 : memref<128x16xf32, #tpu.memory_space<hbm>>) target_semaphore(%arg18 : memref<!tpu.dma_semaphore, #tpu.memory_space<semaphore_mem>>)
      %dma_wait3A_350 = arith.constant 1 : i32
      %dma_wait3A_351 = arith.constant 0 : i32
      %dma_wait3A_352 = arith.constant 0 : i32
      %dma_wait3A_353 = tpu.memref_slice %arg12[%dma_wait3A_350, %dma_wait3A_351, %dma_wait3A_352] : memref<4x128x128xf32, #tpu.memory_space<vmem>> -> memref<1x128x128xf32, #tpu.memory_space<vmem>>
      %dma_wait3A_354 = tpu.memref_squeeze %dma_wait3A_353 : memref<1x128x128xf32, #tpu.memory_space<vmem>> -> memref<128x128xf32, #tpu.memory_space<vmem>>
      %dma_wait3A_355 = arith.constant 0 : i32
      %dma_wait3A_356 = tpu.memref_slice %arg7[%add3A_310, %dma_wait3A_355] : memref<163840x128xf32, #tpu.memory_space<hbm>> -> memref<128x128xf32, #tpu.memory_space<hbm>>
      %dma_wait3A_357 = arith.constant 0 : i32
      %dma_wait3A_358 = tpu.memref_slice %arg7[%add3A_310, %dma_wait3A_357] : memref<163840x128xf32, #tpu.memory_space<hbm>> -> memref<128x128xf32, #tpu.memory_space<hbm>>
      %dma_wait3A_359 = arith.constant 0 : i32
      %dma_wait3A_360 = arith.constant 0 : i32
      %dma_wait3A_361 = tpu.memref_slice %arg12[%dma_wait3A_350, %dma_wait3A_359, %dma_wait3A_360] : memref<4x128x128xf32, #tpu.memory_space<vmem>> -> memref<1x128x128xf32, #tpu.memory_space<vmem>>
      %dma_wait3A_362 = tpu.memref_squeeze %dma_wait3A_361 : memref<1x128x128xf32, #tpu.memory_space<vmem>> -> memref<128x128xf32, #tpu.memory_space<vmem>>
      tpu.wait_dma2 semaphore(%arg17 : memref<!tpu.dma_semaphore, #tpu.memory_space<semaphore_mem>>) src(%dma_wait3A_362 : memref<128x128xf32, #tpu.memory_space<vmem>>) dst(%dma_wait3A_358 : memref<128x128xf32, #tpu.memory_space<hbm>>)
      %dma_wait3A_363 = arith.constant 1 : i32
      %dma_wait3A_364 = arith.constant 0 : i32
      %dma_wait3A_365 = arith.constant 0 : i32
      %dma_wait3A_366 = tpu.memref_slice %arg13[%dma_wait3A_363, %dma_wait3A_364, %dma_wait3A_365] : memref<4x128x64xf32, #tpu.memory_space<vmem>> -> memref<1x128x64xf32, #tpu.memory_space<vmem>>
      %dma_wait3A_367 = tpu.memref_squeeze %dma_wait3A_366 : memref<1x128x64xf32, #tpu.memory_space<vmem>> -> memref<128x64xf32, #tpu.memory_space<vmem>>
      %dma_wait3A_368 = arith.constant 0 : i32
      %dma_wait3A_369 = tpu.memref_slice %arg8[%add3A_310, %dma_wait3A_368] : memref<163840x64xf32, #tpu.memory_space<hbm>> -> memref<128x64xf32, #tpu.memory_space<hbm>>
      %dma_wait3A_370 = arith.constant 0 : i32
      %dma_wait3A_371 = tpu.memref_slice %arg8[%add3A_310, %dma_wait3A_370] : memref<163840x64xf32, #tpu.memory_space<hbm>> -> memref<128x64xf32, #tpu.memory_space<hbm>>
      %dma_wait3A_372 = arith.constant 0 : i32
      %dma_wait3A_373 = arith.constant 0 : i32
      %dma_wait3A_374 = tpu.memref_slice %arg13[%dma_wait3A_363, %dma_wait3A_372, %dma_wait3A_373] : memref<4x128x64xf32, #tpu.memory_space<vmem>> -> memref<1x128x64xf32, #tpu.memory_space<vmem>>
      %dma_wait3A_375 = tpu.memref_squeeze %dma_wait3A_374 : memref<1x128x64xf32, #tpu.memory_space<vmem>> -> memref<128x64xf32, #tpu.memory_space<vmem>>
      tpu.wait_dma2 semaphore(%arg17 : memref<!tpu.dma_semaphore, #tpu.memory_space<semaphore_mem>>) src(%dma_wait3A_375 : memref<128x64xf32, #tpu.memory_space<vmem>>) dst(%dma_wait3A_371 : memref<128x64xf32, #tpu.memory_space<hbm>>)
      %dma_wait3A_376 = arith.constant 1 : i32
      %dma_wait3A_377 = arith.constant 0 : i32
      %dma_wait3A_378 = arith.constant 0 : i32
      %dma_wait3A_379 = tpu.memref_slice %arg14[%dma_wait3A_376, %dma_wait3A_377, %dma_wait3A_378] : memref<4x128x16xf32, #tpu.memory_space<vmem>> -> memref<1x128x16xf32, #tpu.memory_space<vmem>>
      %dma_wait3A_380 = tpu.memref_squeeze %dma_wait3A_379 : memref<1x128x16xf32, #tpu.memory_space<vmem>> -> memref<128x16xf32, #tpu.memory_space<vmem>>
      %dma_wait3A_381 = arith.constant 0 : i32
      %dma_wait3A_382 = tpu.memref_slice %arg9[%add3A_310, %dma_wait3A_381] : memref<163840x16xf32, #tpu.memory_space<hbm>> -> memref<128x16xf32, #tpu.memory_space<hbm>>
      %dma_wait3A_383 = arith.constant 0 : i32
      %dma_wait3A_384 = tpu.memref_slice %arg9[%add3A_310, %dma_wait3A_383] : memref<163840x16xf32, #tpu.memory_space<hbm>> -> memref<128x16xf32, #tpu.memory_space<hbm>>
      %dma_wait3A_385 = arith.constant 0 : i32
      %dma_wait3A_386 = arith.constant 0 : i32
      %dma_wait3A_387 = tpu.memref_slice %arg14[%dma_wait3A_376, %dma_wait3A_385, %dma_wait3A_386] : memref<4x128x16xf32, #tpu.memory_space<vmem>> -> memref<1x128x16xf32, #tpu.memory_space<vmem>>
      %dma_wait3A_388 = tpu.memref_squeeze %dma_wait3A_387 : memref<1x128x16xf32, #tpu.memory_space<vmem>> -> memref<128x16xf32, #tpu.memory_space<vmem>>
      tpu.wait_dma2 semaphore(%arg18 : memref<!tpu.dma_semaphore, #tpu.memory_space<semaphore_mem>>) src(%dma_wait3A_388 : memref<128x16xf32, #tpu.memory_space<vmem>>) dst(%dma_wait3A_384 : memref<128x16xf32, #tpu.memory_space<hbm>>)
      %add3A_389 = arith.constant 4 : i32
      %add3A_390 = arith.addi %add3A_274, %add3A_389 : i32
      %lt3A_391 = arith.constant 40 : i32
      %lt3A_392 = arith.cmpi slt, %add3A_390, %lt3A_391 : i32
      %convert_element_type3A_393 = arith.extui %lt3A_392 : i1 to i32
      %cond3A_394 = arith.constant 0 : i32
      %cond3A_395 = arith.cmpi ne, %convert_element_type3A_393, %cond3A_394 : i32
      scf.if %cond3A_395 {
        %add3A_642 = arith.constant 4 : i32
        %add3A_643 = arith.addi %add3A_274, %add3A_642 : i32
        %dma_start3A_644 = arith.constant 1 : i32
        %dma_start3A_645 = arith.constant 0 : i32
        %dma_start3A_646 = arith.constant 0 : i32
        %dma_start3A_647 = tpu.memref_slice %arg12[%dma_start3A_644, %dma_start3A_645, %dma_start3A_646] : memref<4x128x128xf32, #tpu.memory_space<vmem>> -> memref<1x128x128xf32, #tpu.memory_space<vmem>>
        %dma_start3A_648 = tpu.memref_squeeze %dma_start3A_647 : memref<1x128x128xf32, #tpu.memory_space<vmem>> -> memref<128x128xf32, #tpu.memory_space<vmem>>
        %dma_start3A_649 = arith.constant 0 : i32
        %dma_start3A_650 = tpu.memref_slice %arg10[%add3A_643, %dma_start3A_649] : memref<40x128xi32, #tpu.memory_space<vmem>> -> memref<1x128xi32, #tpu.memory_space<vmem>>
        %dma_start3A_651 = tpu.memref_squeeze %dma_start3A_650 : memref<1x128xi32, #tpu.memory_space<vmem>> -> memref<128xi32, #tpu.memory_space<vmem>>
        %dma_start3A_652 = arith.constant 0 : i32
        %dma_start3A_653 = arith.constant 0 : i32
        %dma_start3A_654 = tpu.memref_slice %arg2[%dma_start3A_652, %dma_start3A_653] : memref<10000x128xf32, #tpu.memory_space<hbm>> -> memref<10000x128xf32, #tpu.memory_space<hbm>>
        tpu.enqueue_indirect_dma source(%dma_start3A_654 : memref<10000x128xf32, #tpu.memory_space<hbm>>) target(%dma_start3A_648 : memref<128x128xf32, #tpu.memory_space<vmem>>) offsets(%dma_start3A_651 : memref<128xi32, #tpu.memory_space<vmem>>) semaphore(%arg16 : memref<!tpu.dma_semaphore, #tpu.memory_space<semaphore_mem>>)
        %dma_start3A_655 = arith.constant 1 : i32
        %dma_start3A_656 = arith.constant 0 : i32
        %dma_start3A_657 = arith.constant 0 : i32
        %dma_start3A_658 = tpu.memref_slice %arg13[%dma_start3A_655, %dma_start3A_656, %dma_start3A_657] : memref<4x128x64xf32, #tpu.memory_space<vmem>> -> memref<1x128x64xf32, #tpu.memory_space<vmem>>
        %dma_start3A_659 = tpu.memref_squeeze %dma_start3A_658 : memref<1x128x64xf32, #tpu.memory_space<vmem>> -> memref<128x64xf32, #tpu.memory_space<vmem>>
        %dma_start3A_660 = arith.constant 0 : i32
        %dma_start3A_661 = tpu.memref_slice %arg10[%add3A_643, %dma_start3A_660] : memref<40x128xi32, #tpu.memory_space<vmem>> -> memref<1x128xi32, #tpu.memory_space<vmem>>
        %dma_start3A_662 = tpu.memref_squeeze %dma_start3A_661 : memref<1x128xi32, #tpu.memory_space<vmem>> -> memref<128xi32, #tpu.memory_space<vmem>>
        %dma_start3A_663 = arith.constant 0 : i32
        %dma_start3A_664 = arith.constant 0 : i32
        %dma_start3A_665 = tpu.memref_slice %arg3[%dma_start3A_663, %dma_start3A_664] : memref<10000x64xf32, #tpu.memory_space<hbm>> -> memref<10000x64xf32, #tpu.memory_space<hbm>>
        tpu.enqueue_indirect_dma source(%dma_start3A_665 : memref<10000x64xf32, #tpu.memory_space<hbm>>) target(%dma_start3A_659 : memref<128x64xf32, #tpu.memory_space<vmem>>) offsets(%dma_start3A_662 : memref<128xi32, #tpu.memory_space<vmem>>) semaphore(%arg16 : memref<!tpu.dma_semaphore, #tpu.memory_space<semaphore_mem>>)
        %dma_start3A_666 = arith.constant 1 : i32
        %dma_start3A_667 = arith.constant 0 : i32
        %dma_start3A_668 = arith.constant 0 : i32
        %dma_start3A_669 = tpu.memref_slice %arg14[%dma_start3A_666, %dma_start3A_667, %dma_start3A_668] : memref<4x128x16xf32, #tpu.memory_space<vmem>> -> memref<1x128x16xf32, #tpu.memory_space<vmem>>
        %dma_start3A_670 = tpu.memref_squeeze %dma_start3A_669 : memref<1x128x16xf32, #tpu.memory_space<vmem>> -> memref<128x16xf32, #tpu.memory_space<vmem>>
        %dma_start3A_671 = arith.constant 0 : i32
        %dma_start3A_672 = tpu.memref_slice %arg11[%add3A_643, %dma_start3A_671] : memref<40x128xi32, #tpu.memory_space<vmem>> -> memref<1x128xi32, #tpu.memory_space<vmem>>
        %dma_start3A_673 = tpu.memref_squeeze %dma_start3A_672 : memref<1x128xi32, #tpu.memory_space<vmem>> -> memref<128xi32, #tpu.memory_space<vmem>>
        %dma_start3A_674 = arith.constant 0 : i32
        %dma_start3A_675 = arith.constant 0 : i32
        %dma_start3A_676 = tpu.memref_slice %arg4[%dma_start3A_674, %dma_start3A_675] : memref<10240x16xf32, #tpu.memory_space<hbm>> -> memref<10240x16xf32, #tpu.memory_space<hbm>>
        tpu.enqueue_indirect_dma source(%dma_start3A_676 : memref<10240x16xf32, #tpu.memory_space<hbm>>) target(%dma_start3A_670 : memref<128x16xf32, #tpu.memory_space<vmem>>) offsets(%dma_start3A_673 : memref<128xi32, #tpu.memory_space<vmem>>) semaphore(%arg16 : memref<!tpu.dma_semaphore, #tpu.memory_space<semaphore_mem>>)
      } else {
      }
      %add3A_396 = arith.constant 2 : i32
      %add3A_397 = arith.addi %mul3A_153, %add3A_396 : i32
      %dma_wait3A_398 = arith.constant 2 : i32
      %dma_wait3A_399 = arith.constant 0 : i32
      %dma_wait3A_400 = arith.constant 0 : i32
      %dma_wait3A_401 = tpu.memref_slice %arg12[%dma_wait3A_398, %dma_wait3A_399, %dma_wait3A_400] : memref<4x128x128xf32, #tpu.memory_space<vmem>> -> memref<1x128x128xf32, #tpu.memory_space<vmem>>
      %dma_wait3A_402 = tpu.memref_squeeze %dma_wait3A_401 : memref<1x128x128xf32, #tpu.memory_space<vmem>> -> memref<128x128xf32, #tpu.memory_space<vmem>>
      %dma_wait3A_403 = arith.constant 0 : i32
      %dma_wait3A_404 = tpu.memref_slice %arg10[%add3A_397, %dma_wait3A_403] : memref<40x128xi32, #tpu.memory_space<vmem>> -> memref<1x128xi32, #tpu.memory_space<vmem>>
      %dma_wait3A_405 = tpu.memref_squeeze %dma_wait3A_404 : memref<1x128xi32, #tpu.memory_space<vmem>> -> memref<128xi32, #tpu.memory_space<vmem>>
      %dma_wait3A_406 = arith.constant 0 : i32
      %dma_wait3A_407 = arith.constant 0 : i32
      %dma_wait3A_408 = tpu.memref_slice %arg2[%dma_wait3A_406, %dma_wait3A_407] : memref<10000x128xf32, #tpu.memory_space<hbm>> -> memref<10000x128xf32, #tpu.memory_space<hbm>>
      tpu.wait_indirect_dma semaphore(%arg19 : memref<!tpu.dma_semaphore, #tpu.memory_space<semaphore_mem>>) src(%dma_wait3A_408 : memref<10000x128xf32, #tpu.memory_space<hbm>>) dst(%dma_wait3A_402 : memref<128x128xf32, #tpu.memory_space<vmem>>)
      %dma_wait3A_409 = arith.constant 2 : i32
      %dma_wait3A_410 = arith.constant 0 : i32
      %dma_wait3A_411 = arith.constant 0 : i32
      %dma_wait3A_412 = tpu.memref_slice %arg13[%dma_wait3A_409, %dma_wait3A_410, %dma_wait3A_411] : memref<4x128x64xf32, #tpu.memory_space<vmem>> -> memref<1x128x64xf32, #tpu.memory_space<vmem>>
      %dma_wait3A_413 = tpu.memref_squeeze %dma_wait3A_412 : memref<1x128x64xf32, #tpu.memory_space<vmem>> -> memref<128x64xf32, #tpu.memory_space<vmem>>
      %dma_wait3A_414 = arith.constant 0 : i32
      %dma_wait3A_415 = tpu.memref_slice %arg10[%add3A_397, %dma_wait3A_414] : memref<40x128xi32, #tpu.memory_space<vmem>> -> memref<1x128xi32, #tpu.memory_space<vmem>>
      %dma_wait3A_416 = tpu.memref_squeeze %dma_wait3A_415 : memref<1x128xi32, #tpu.memory_space<vmem>> -> memref<128xi32, #tpu.memory_space<vmem>>
      %dma_wait3A_417 = arith.constant 0 : i32
      %dma_wait3A_418 = arith.constant 0 : i32
      %dma_wait3A_419 = tpu.memref_slice %arg3[%dma_wait3A_417, %dma_wait3A_418] : memref<10000x64xf32, #tpu.memory_space<hbm>> -> memref<10000x64xf32, #tpu.memory_space<hbm>>
      tpu.wait_indirect_dma semaphore(%arg19 : memref<!tpu.dma_semaphore, #tpu.memory_space<semaphore_mem>>) src(%dma_wait3A_419 : memref<10000x64xf32, #tpu.memory_space<hbm>>) dst(%dma_wait3A_413 : memref<128x64xf32, #tpu.memory_space<vmem>>)
      %dma_wait3A_420 = arith.constant 2 : i32
      %dma_wait3A_421 = arith.constant 0 : i32
      %dma_wait3A_422 = arith.constant 0 : i32
      %dma_wait3A_423 = tpu.memref_slice %arg14[%dma_wait3A_420, %dma_wait3A_421, %dma_wait3A_422] : memref<4x128x16xf32, #tpu.memory_space<vmem>> -> memref<1x128x16xf32, #tpu.memory_space<vmem>>
      %dma_wait3A_424 = tpu.memref_squeeze %dma_wait3A_423 : memref<1x128x16xf32, #tpu.memory_space<vmem>> -> memref<128x16xf32, #tpu.memory_space<vmem>>
      %dma_wait3A_425 = arith.constant 0 : i32
      %dma_wait3A_426 = tpu.memref_slice %arg11[%add3A_397, %dma_wait3A_425] : memref<40x128xi32, #tpu.memory_space<vmem>> -> memref<1x128xi32, #tpu.memory_space<vmem>>
      %dma_wait3A_427 = tpu.memref_squeeze %dma_wait3A_426 : memref<1x128xi32, #tpu.memory_space<vmem>> -> memref<128xi32, #tpu.memory_space<vmem>>
      %dma_wait3A_428 = arith.constant 0 : i32
      %dma_wait3A_429 = arith.constant 0 : i32
      %dma_wait3A_430 = tpu.memref_slice %arg4[%dma_wait3A_428, %dma_wait3A_429] : memref<10240x16xf32, #tpu.memory_space<hbm>> -> memref<10240x16xf32, #tpu.memory_space<hbm>>
      tpu.wait_indirect_dma semaphore(%arg19 : memref<!tpu.dma_semaphore, #tpu.memory_space<semaphore_mem>>) src(%dma_wait3A_430 : memref<10240x16xf32, #tpu.memory_space<hbm>>) dst(%dma_wait3A_424 : memref<128x16xf32, #tpu.memory_space<vmem>>)
      %mul3A_431 = arith.constant 128 : i32
      %mul3A_432 = arith.muli %add3A_397, %mul3A_431 : i32
      %add3A_433 = arith.addi %mul3A_2, %mul3A_432 : i32
      %dma_start3A_434 = arith.constant 2 : i32
      %dma_start3A_435 = arith.constant 0 : i32
      %dma_start3A_436 = arith.constant 0 : i32
      %dma_start3A_437 = tpu.memref_slice %arg12[%dma_start3A_434, %dma_start3A_435, %dma_start3A_436] : memref<4x128x128xf32, #tpu.memory_space<vmem>> -> memref<1x128x128xf32, #tpu.memory_space<vmem>>
      %dma_start3A_438 = tpu.memref_squeeze %dma_start3A_437 : memref<1x128x128xf32, #tpu.memory_space<vmem>> -> memref<128x128xf32, #tpu.memory_space<vmem>>
      %dma_start3A_439 = arith.constant 0 : i32
      %dma_start3A_440 = tpu.memref_slice %arg7[%add3A_433, %dma_start3A_439] : memref<163840x128xf32, #tpu.memory_space<hbm>> -> memref<128x128xf32, #tpu.memory_space<hbm>>
      %dma_start3A_441 = arith.constant 0 : i32
      %dma_start3A_442 = tpu.memref_slice %arg7[%add3A_433, %dma_start3A_441] : memref<163840x128xf32, #tpu.memory_space<hbm>> -> memref<128x128xf32, #tpu.memory_space<hbm>>
      %dma_start3A_443 = arith.constant 0 : i32
      %dma_start3A_444 = arith.constant 0 : i32
      %dma_start3A_445 = tpu.memref_slice %arg12[%dma_start3A_434, %dma_start3A_443, %dma_start3A_444] : memref<4x128x128xf32, #tpu.memory_space<vmem>> -> memref<1x128x128xf32, #tpu.memory_space<vmem>>
      %dma_start3A_446 = tpu.memref_squeeze %dma_start3A_445 : memref<1x128x128xf32, #tpu.memory_space<vmem>> -> memref<128x128xf32, #tpu.memory_space<vmem>>
      tpu.enqueue_dma source(%dma_start3A_446 : memref<128x128xf32, #tpu.memory_space<vmem>>) target(%dma_start3A_442 : memref<128x128xf32, #tpu.memory_space<hbm>>) target_semaphore(%arg17 : memref<!tpu.dma_semaphore, #tpu.memory_space<semaphore_mem>>)
      %dma_start3A_447 = arith.constant 2 : i32
      %dma_start3A_448 = arith.constant 0 : i32
      %dma_start3A_449 = arith.constant 0 : i32
      %dma_start3A_450 = tpu.memref_slice %arg13[%dma_start3A_447, %dma_start3A_448, %dma_start3A_449] : memref<4x128x64xf32, #tpu.memory_space<vmem>> -> memref<1x128x64xf32, #tpu.memory_space<vmem>>
      %dma_start3A_451 = tpu.memref_squeeze %dma_start3A_450 : memref<1x128x64xf32, #tpu.memory_space<vmem>> -> memref<128x64xf32, #tpu.memory_space<vmem>>
      %dma_start3A_452 = arith.constant 0 : i32
      %dma_start3A_453 = tpu.memref_slice %arg8[%add3A_433, %dma_start3A_452] : memref<163840x64xf32, #tpu.memory_space<hbm>> -> memref<128x64xf32, #tpu.memory_space<hbm>>
      %dma_start3A_454 = arith.constant 0 : i32
      %dma_start3A_455 = tpu.memref_slice %arg8[%add3A_433, %dma_start3A_454] : memref<163840x64xf32, #tpu.memory_space<hbm>> -> memref<128x64xf32, #tpu.memory_space<hbm>>
      %dma_start3A_456 = arith.constant 0 : i32
      %dma_start3A_457 = arith.constant 0 : i32
      %dma_start3A_458 = tpu.memref_slice %arg13[%dma_start3A_447, %dma_start3A_456, %dma_start3A_457] : memref<4x128x64xf32, #tpu.memory_space<vmem>> -> memref<1x128x64xf32, #tpu.memory_space<vmem>>
      %dma_start3A_459 = tpu.memref_squeeze %dma_start3A_458 : memref<1x128x64xf32, #tpu.memory_space<vmem>> -> memref<128x64xf32, #tpu.memory_space<vmem>>
      tpu.enqueue_dma source(%dma_start3A_459 : memref<128x64xf32, #tpu.memory_space<vmem>>) target(%dma_start3A_455 : memref<128x64xf32, #tpu.memory_space<hbm>>) target_semaphore(%arg17 : memref<!tpu.dma_semaphore, #tpu.memory_space<semaphore_mem>>)
      %dma_start3A_460 = arith.constant 2 : i32
      %dma_start3A_461 = arith.constant 0 : i32
      %dma_start3A_462 = arith.constant 0 : i32
      %dma_start3A_463 = tpu.memref_slice %arg14[%dma_start3A_460, %dma_start3A_461, %dma_start3A_462] : memref<4x128x16xf32, #tpu.memory_space<vmem>> -> memref<1x128x16xf32, #tpu.memory_space<vmem>>
      %dma_start3A_464 = tpu.memref_squeeze %dma_start3A_463 : memref<1x128x16xf32, #tpu.memory_space<vmem>> -> memref<128x16xf32, #tpu.memory_space<vmem>>
      %dma_start3A_465 = arith.constant 0 : i32
      %dma_start3A_466 = tpu.memref_slice %arg9[%add3A_433, %dma_start3A_465] : memref<163840x16xf32, #tpu.memory_space<hbm>> -> memref<128x16xf32, #tpu.memory_space<hbm>>
      %dma_start3A_467 = arith.constant 0 : i32
      %dma_start3A_468 = tpu.memref_slice %arg9[%add3A_433, %dma_start3A_467] : memref<163840x16xf32, #tpu.memory_space<hbm>> -> memref<128x16xf32, #tpu.memory_space<hbm>>
      %dma_start3A_469 = arith.constant 0 : i32
      %dma_start3A_470 = arith.constant 0 : i32
      %dma_start3A_471 = tpu.memref_slice %arg14[%dma_start3A_460, %dma_start3A_469, %dma_start3A_470] : memref<4x128x16xf32, #tpu.memory_space<vmem>> -> memref<1x128x16xf32, #tpu.memory_space<vmem>>
      %dma_start3A_472 = tpu.memref_squeeze %dma_start3A_471 : memref<1x128x16xf32, #tpu.memory_space<vmem>> -> memref<128x16xf32, #tpu.memory_space<vmem>>
      tpu.enqueue_dma source(%dma_start3A_472 : memref<128x16xf32, #tpu.memory_space<vmem>>) target(%dma_start3A_468 : memref<128x16xf32, #tpu.memory_space<hbm>>) target_semaphore(%arg18 : memref<!tpu.dma_semaphore, #tpu.memory_space<semaphore_mem>>)
      %dma_wait3A_473 = arith.constant 2 : i32
      %dma_wait3A_474 = arith.constant 0 : i32
      %dma_wait3A_475 = arith.constant 0 : i32
      %dma_wait3A_476 = tpu.memref_slice %arg12[%dma_wait3A_473, %dma_wait3A_474, %dma_wait3A_475] : memref<4x128x128xf32, #tpu.memory_space<vmem>> -> memref<1x128x128xf32, #tpu.memory_space<vmem>>
      %dma_wait3A_477 = tpu.memref_squeeze %dma_wait3A_476 : memref<1x128x128xf32, #tpu.memory_space<vmem>> -> memref<128x128xf32, #tpu.memory_space<vmem>>
      %dma_wait3A_478 = arith.constant 0 : i32
      %dma_wait3A_479 = tpu.memref_slice %arg7[%add3A_433, %dma_wait3A_478] : memref<163840x128xf32, #tpu.memory_space<hbm>> -> memref<128x128xf32, #tpu.memory_space<hbm>>
      %dma_wait3A_480 = arith.constant 0 : i32
      %dma_wait3A_481 = tpu.memref_slice %arg7[%add3A_433, %dma_wait3A_480] : memref<163840x128xf32, #tpu.memory_space<hbm>> -> memref<128x128xf32, #tpu.memory_space<hbm>>
      %dma_wait3A_482 = arith.constant 0 : i32
      %dma_wait3A_483 = arith.constant 0 : i32
      %dma_wait3A_484 = tpu.memref_slice %arg12[%dma_wait3A_473, %dma_wait3A_482, %dma_wait3A_483] : memref<4x128x128xf32, #tpu.memory_space<vmem>> -> memref<1x128x128xf32, #tpu.memory_space<vmem>>
      %dma_wait3A_485 = tpu.memref_squeeze %dma_wait3A_484 : memref<1x128x128xf32, #tpu.memory_space<vmem>> -> memref<128x128xf32, #tpu.memory_space<vmem>>
      tpu.wait_dma2 semaphore(%arg17 : memref<!tpu.dma_semaphore, #tpu.memory_space<semaphore_mem>>) src(%dma_wait3A_485 : memref<128x128xf32, #tpu.memory_space<vmem>>) dst(%dma_wait3A_481 : memref<128x128xf32, #tpu.memory_space<hbm>>)
      %dma_wait3A_486 = arith.constant 2 : i32
      %dma_wait3A_487 = arith.constant 0 : i32
      %dma_wait3A_488 = arith.constant 0 : i32
      %dma_wait3A_489 = tpu.memref_slice %arg13[%dma_wait3A_486, %dma_wait3A_487, %dma_wait3A_488] : memref<4x128x64xf32, #tpu.memory_space<vmem>> -> memref<1x128x64xf32, #tpu.memory_space<vmem>>
      %dma_wait3A_490 = tpu.memref_squeeze %dma_wait3A_489 : memref<1x128x64xf32, #tpu.memory_space<vmem>> -> memref<128x64xf32, #tpu.memory_space<vmem>>
      %dma_wait3A_491 = arith.constant 0 : i32
      %dma_wait3A_492 = tpu.memref_slice %arg8[%add3A_433, %dma_wait3A_491] : memref<163840x64xf32, #tpu.memory_space<hbm>> -> memref<128x64xf32, #tpu.memory_space<hbm>>
      %dma_wait3A_493 = arith.constant 0 : i32
      %dma_wait3A_494 = tpu.memref_slice %arg8[%add3A_433, %dma_wait3A_493] : memref<163840x64xf32, #tpu.memory_space<hbm>> -> memref<128x64xf32, #tpu.memory_space<hbm>>
      %dma_wait3A_495 = arith.constant 0 : i32
      %dma_wait3A_496 = arith.constant 0 : i32
      %dma_wait3A_497 = tpu.memref_slice %arg13[%dma_wait3A_486, %dma_wait3A_495, %dma_wait3A_496] : memref<4x128x64xf32, #tpu.memory_space<vmem>> -> memref<1x128x64xf32, #tpu.memory_space<vmem>>
      %dma_wait3A_498 = tpu.memref_squeeze %dma_wait3A_497 : memref<1x128x64xf32, #tpu.memory_space<vmem>> -> memref<128x64xf32, #tpu.memory_space<vmem>>
      tpu.wait_dma2 semaphore(%arg17 : memref<!tpu.dma_semaphore, #tpu.memory_space<semaphore_mem>>) src(%dma_wait3A_498 : memref<128x64xf32, #tpu.memory_space<vmem>>) dst(%dma_wait3A_494 : memref<128x64xf32, #tpu.memory_space<hbm>>)
      %dma_wait3A_499 = arith.constant 2 : i32
      %dma_wait3A_500 = arith.constant 0 : i32
      %dma_wait3A_501 = arith.constant 0 : i32
      %dma_wait3A_502 = tpu.memref_slice %arg14[%dma_wait3A_499, %dma_wait3A_500, %dma_wait3A_501] : memref<4x128x16xf32, #tpu.memory_space<vmem>> -> memref<1x128x16xf32, #tpu.memory_space<vmem>>
      %dma_wait3A_503 = tpu.memref_squeeze %dma_wait3A_502 : memref<1x128x16xf32, #tpu.memory_space<vmem>> -> memref<128x16xf32, #tpu.memory_space<vmem>>
      %dma_wait3A_504 = arith.constant 0 : i32
      %dma_wait3A_505 = tpu.memref_slice %arg9[%add3A_433, %dma_wait3A_504] : memref<163840x16xf32, #tpu.memory_space<hbm>> -> memref<128x16xf32, #tpu.memory_space<hbm>>
      %dma_wait3A_506 = arith.constant 0 : i32
      %dma_wait3A_507 = tpu.memref_slice %arg9[%add3A_433, %dma_wait3A_506] : memref<163840x16xf32, #tpu.memory_space<hbm>> -> memref<128x16xf32, #tpu.memory_space<hbm>>
      %dma_wait3A_508 = arith.constant 0 : i32
      %dma_wait3A_509 = arith.constant 0 : i32
      %dma_wait3A_510 = tpu.memref_slice %arg14[%dma_wait3A_499, %dma_wait3A_508, %dma_wait3A_509] : memref<4x128x16xf32, #tpu.memory_space<vmem>> -> memref<1x128x16xf32, #tpu.memory_space<vmem>>
      %dma_wait3A_511 = tpu.memref_squeeze %dma_wait3A_510 : memref<1x128x16xf32, #tpu.memory_space<vmem>> -> memref<128x16xf32, #tpu.memory_space<vmem>>
      tpu.wait_dma2 semaphore(%arg18 : memref<!tpu.dma_semaphore, #tpu.memory_space<semaphore_mem>>) src(%dma_wait3A_511 : memref<128x16xf32, #tpu.memory_space<vmem>>) dst(%dma_wait3A_507 : memref<128x16xf32, #tpu.memory_space<hbm>>)
      %add3A_512 = arith.constant 4 : i32
      %add3A_513 = arith.addi %add3A_397, %add3A_512 : i32
      %lt3A_514 = arith.constant 40 : i32
      %lt3A_515 = arith.cmpi slt, %add3A_513, %lt3A_514 : i32
      %convert_element_type3A_516 = arith.extui %lt3A_515 : i1 to i32
      %cond3A_517 = arith.constant 0 : i32
      %cond3A_518 = arith.cmpi ne, %convert_element_type3A_516, %cond3A_517 : i32
      scf.if %cond3A_518 {
        %add3A_642 = arith.constant 4 : i32
        %add3A_643 = arith.addi %add3A_397, %add3A_642 : i32
        %dma_start3A_644 = arith.constant 2 : i32
        %dma_start3A_645 = arith.constant 0 : i32
        %dma_start3A_646 = arith.constant 0 : i32
        %dma_start3A_647 = tpu.memref_slice %arg12[%dma_start3A_644, %dma_start3A_645, %dma_start3A_646] : memref<4x128x128xf32, #tpu.memory_space<vmem>> -> memref<1x128x128xf32, #tpu.memory_space<vmem>>
        %dma_start3A_648 = tpu.memref_squeeze %dma_start3A_647 : memref<1x128x128xf32, #tpu.memory_space<vmem>> -> memref<128x128xf32, #tpu.memory_space<vmem>>
        %dma_start3A_649 = arith.constant 0 : i32
        %dma_start3A_650 = tpu.memref_slice %arg10[%add3A_643, %dma_start3A_649] : memref<40x128xi32, #tpu.memory_space<vmem>> -> memref<1x128xi32, #tpu.memory_space<vmem>>
        %dma_start3A_651 = tpu.memref_squeeze %dma_start3A_650 : memref<1x128xi32, #tpu.memory_space<vmem>> -> memref<128xi32, #tpu.memory_space<vmem>>
        %dma_start3A_652 = arith.constant 0 : i32
        %dma_start3A_653 = arith.constant 0 : i32
        %dma_start3A_654 = tpu.memref_slice %arg2[%dma_start3A_652, %dma_start3A_653] : memref<10000x128xf32, #tpu.memory_space<hbm>> -> memref<10000x128xf32, #tpu.memory_space<hbm>>
        tpu.enqueue_indirect_dma source(%dma_start3A_654 : memref<10000x128xf32, #tpu.memory_space<hbm>>) target(%dma_start3A_648 : memref<128x128xf32, #tpu.memory_space<vmem>>) offsets(%dma_start3A_651 : memref<128xi32, #tpu.memory_space<vmem>>) semaphore(%arg19 : memref<!tpu.dma_semaphore, #tpu.memory_space<semaphore_mem>>)
        %dma_start3A_655 = arith.constant 2 : i32
        %dma_start3A_656 = arith.constant 0 : i32
        %dma_start3A_657 = arith.constant 0 : i32
        %dma_start3A_658 = tpu.memref_slice %arg13[%dma_start3A_655, %dma_start3A_656, %dma_start3A_657] : memref<4x128x64xf32, #tpu.memory_space<vmem>> -> memref<1x128x64xf32, #tpu.memory_space<vmem>>
        %dma_start3A_659 = tpu.memref_squeeze %dma_start3A_658 : memref<1x128x64xf32, #tpu.memory_space<vmem>> -> memref<128x64xf32, #tpu.memory_space<vmem>>
        %dma_start3A_660 = arith.constant 0 : i32
        %dma_start3A_661 = tpu.memref_slice %arg10[%add3A_643, %dma_start3A_660] : memref<40x128xi32, #tpu.memory_space<vmem>> -> memref<1x128xi32, #tpu.memory_space<vmem>>
        %dma_start3A_662 = tpu.memref_squeeze %dma_start3A_661 : memref<1x128xi32, #tpu.memory_space<vmem>> -> memref<128xi32, #tpu.memory_space<vmem>>
        %dma_start3A_663 = arith.constant 0 : i32
        %dma_start3A_664 = arith.constant 0 : i32
        %dma_start3A_665 = tpu.memref_slice %arg3[%dma_start3A_663, %dma_start3A_664] : memref<10000x64xf32, #tpu.memory_space<hbm>> -> memref<10000x64xf32, #tpu.memory_space<hbm>>
        tpu.enqueue_indirect_dma source(%dma_start3A_665 : memref<10000x64xf32, #tpu.memory_space<hbm>>) target(%dma_start3A_659 : memref<128x64xf32, #tpu.memory_space<vmem>>) offsets(%dma_start3A_662 : memref<128xi32, #tpu.memory_space<vmem>>) semaphore(%arg19 : memref<!tpu.dma_semaphore, #tpu.memory_space<semaphore_mem>>)
        %dma_start3A_666 = arith.constant 2 : i32
        %dma_start3A_667 = arith.constant 0 : i32
        %dma_start3A_668 = arith.constant 0 : i32
        %dma_start3A_669 = tpu.memref_slice %arg14[%dma_start3A_666, %dma_start3A_667, %dma_start3A_668] : memref<4x128x16xf32, #tpu.memory_space<vmem>> -> memref<1x128x16xf32, #tpu.memory_space<vmem>>
        %dma_start3A_670 = tpu.memref_squeeze %dma_start3A_669 : memref<1x128x16xf32, #tpu.memory_space<vmem>> -> memref<128x16xf32, #tpu.memory_space<vmem>>
        %dma_start3A_671 = arith.constant 0 : i32
        %dma_start3A_672 = tpu.memref_slice %arg11[%add3A_643, %dma_start3A_671] : memref<40x128xi32, #tpu.memory_space<vmem>> -> memref<1x128xi32, #tpu.memory_space<vmem>>
        %dma_start3A_673 = tpu.memref_squeeze %dma_start3A_672 : memref<1x128xi32, #tpu.memory_space<vmem>> -> memref<128xi32, #tpu.memory_space<vmem>>
        %dma_start3A_674 = arith.constant 0 : i32
        %dma_start3A_675 = arith.constant 0 : i32
        %dma_start3A_676 = tpu.memref_slice %arg4[%dma_start3A_674, %dma_start3A_675] : memref<10240x16xf32, #tpu.memory_space<hbm>> -> memref<10240x16xf32, #tpu.memory_space<hbm>>
        tpu.enqueue_indirect_dma source(%dma_start3A_676 : memref<10240x16xf32, #tpu.memory_space<hbm>>) target(%dma_start3A_670 : memref<128x16xf32, #tpu.memory_space<vmem>>) offsets(%dma_start3A_673 : memref<128xi32, #tpu.memory_space<vmem>>) semaphore(%arg19 : memref<!tpu.dma_semaphore, #tpu.memory_space<semaphore_mem>>)
      } else {
      }
      %add3A_519 = arith.constant 3 : i32
      %add3A_520 = arith.addi %mul3A_153, %add3A_519 : i32
      %dma_wait3A_521 = arith.constant 3 : i32
      %dma_wait3A_522 = arith.constant 0 : i32
      %dma_wait3A_523 = arith.constant 0 : i32
      %dma_wait3A_524 = tpu.memref_slice %arg12[%dma_wait3A_521, %dma_wait3A_522, %dma_wait3A_523] : memref<4x128x128xf32, #tpu.memory_space<vmem>> -> memref<1x128x128xf32, #tpu.memory_space<vmem>>
      %dma_wait3A_525 = tpu.memref_squeeze %dma_wait3A_524 : memref<1x128x128xf32, #tpu.memory_space<vmem>> -> memref<128x128xf32, #tpu.memory_space<vmem>>
      %dma_wait3A_526 = arith.constant 0 : i32
      %dma_wait3A_527 = tpu.memref_slice %arg10[%add3A_520, %dma_wait3A_526] : memref<40x128xi32, #tpu.memory_space<vmem>> -> memref<1x128xi32, #tpu.memory_space<vmem>>
      %dma_wait3A_528 = tpu.memref_squeeze %dma_wait3A_527 : memref<1x128xi32, #tpu.memory_space<vmem>> -> memref<128xi32, #tpu.memory_space<vmem>>
      %dma_wait3A_529 = arith.constant 0 : i32
      %dma_wait3A_530 = arith.constant 0 : i32
      %dma_wait3A_531 = tpu.memref_slice %arg2[%dma_wait3A_529, %dma_wait3A_530] : memref<10000x128xf32, #tpu.memory_space<hbm>> -> memref<10000x128xf32, #tpu.memory_space<hbm>>
      tpu.wait_indirect_dma semaphore(%arg20 : memref<!tpu.dma_semaphore, #tpu.memory_space<semaphore_mem>>) src(%dma_wait3A_531 : memref<10000x128xf32, #tpu.memory_space<hbm>>) dst(%dma_wait3A_525 : memref<128x128xf32, #tpu.memory_space<vmem>>)
      %dma_wait3A_532 = arith.constant 3 : i32
      %dma_wait3A_533 = arith.constant 0 : i32
      %dma_wait3A_534 = arith.constant 0 : i32
      %dma_wait3A_535 = tpu.memref_slice %arg13[%dma_wait3A_532, %dma_wait3A_533, %dma_wait3A_534] : memref<4x128x64xf32, #tpu.memory_space<vmem>> -> memref<1x128x64xf32, #tpu.memory_space<vmem>>
      %dma_wait3A_536 = tpu.memref_squeeze %dma_wait3A_535 : memref<1x128x64xf32, #tpu.memory_space<vmem>> -> memref<128x64xf32, #tpu.memory_space<vmem>>
      %dma_wait3A_537 = arith.constant 0 : i32
      %dma_wait3A_538 = tpu.memref_slice %arg10[%add3A_520, %dma_wait3A_537] : memref<40x128xi32, #tpu.memory_space<vmem>> -> memref<1x128xi32, #tpu.memory_space<vmem>>
      %dma_wait3A_539 = tpu.memref_squeeze %dma_wait3A_538 : memref<1x128xi32, #tpu.memory_space<vmem>> -> memref<128xi32, #tpu.memory_space<vmem>>
      %dma_wait3A_540 = arith.constant 0 : i32
      %dma_wait3A_541 = arith.constant 0 : i32
      %dma_wait3A_542 = tpu.memref_slice %arg3[%dma_wait3A_540, %dma_wait3A_541] : memref<10000x64xf32, #tpu.memory_space<hbm>> -> memref<10000x64xf32, #tpu.memory_space<hbm>>
      tpu.wait_indirect_dma semaphore(%arg20 : memref<!tpu.dma_semaphore, #tpu.memory_space<semaphore_mem>>) src(%dma_wait3A_542 : memref<10000x64xf32, #tpu.memory_space<hbm>>) dst(%dma_wait3A_536 : memref<128x64xf32, #tpu.memory_space<vmem>>)
      %dma_wait3A_543 = arith.constant 3 : i32
      %dma_wait3A_544 = arith.constant 0 : i32
      %dma_wait3A_545 = arith.constant 0 : i32
      %dma_wait3A_546 = tpu.memref_slice %arg14[%dma_wait3A_543, %dma_wait3A_544, %dma_wait3A_545] : memref<4x128x16xf32, #tpu.memory_space<vmem>> -> memref<1x128x16xf32, #tpu.memory_space<vmem>>
      %dma_wait3A_547 = tpu.memref_squeeze %dma_wait3A_546 : memref<1x128x16xf32, #tpu.memory_space<vmem>> -> memref<128x16xf32, #tpu.memory_space<vmem>>
      %dma_wait3A_548 = arith.constant 0 : i32
      %dma_wait3A_549 = tpu.memref_slice %arg11[%add3A_520, %dma_wait3A_548] : memref<40x128xi32, #tpu.memory_space<vmem>> -> memref<1x128xi32, #tpu.memory_space<vmem>>
      %dma_wait3A_550 = tpu.memref_squeeze %dma_wait3A_549 : memref<1x128xi32, #tpu.memory_space<vmem>> -> memref<128xi32, #tpu.memory_space<vmem>>
      %dma_wait3A_551 = arith.constant 0 : i32
      %dma_wait3A_552 = arith.constant 0 : i32
      %dma_wait3A_553 = tpu.memref_slice %arg4[%dma_wait3A_551, %dma_wait3A_552] : memref<10240x16xf32, #tpu.memory_space<hbm>> -> memref<10240x16xf32, #tpu.memory_space<hbm>>
      tpu.wait_indirect_dma semaphore(%arg20 : memref<!tpu.dma_semaphore, #tpu.memory_space<semaphore_mem>>) src(%dma_wait3A_553 : memref<10240x16xf32, #tpu.memory_space<hbm>>) dst(%dma_wait3A_547 : memref<128x16xf32, #tpu.memory_space<vmem>>)
      %mul3A_554 = arith.constant 128 : i32
      %mul3A_555 = arith.muli %add3A_520, %mul3A_554 : i32
      %add3A_556 = arith.addi %mul3A_2, %mul3A_555 : i32
      %dma_start3A_557 = arith.constant 3 : i32
      %dma_start3A_558 = arith.constant 0 : i32
      %dma_start3A_559 = arith.constant 0 : i32
      %dma_start3A_560 = tpu.memref_slice %arg12[%dma_start3A_557, %dma_start3A_558, %dma_start3A_559] : memref<4x128x128xf32, #tpu.memory_space<vmem>> -> memref<1x128x128xf32, #tpu.memory_space<vmem>>
      %dma_start3A_561 = tpu.memref_squeeze %dma_start3A_560 : memref<1x128x128xf32, #tpu.memory_space<vmem>> -> memref<128x128xf32, #tpu.memory_space<vmem>>
      %dma_start3A_562 = arith.constant 0 : i32
      %dma_start3A_563 = tpu.memref_slice %arg7[%add3A_556, %dma_start3A_562] : memref<163840x128xf32, #tpu.memory_space<hbm>> -> memref<128x128xf32, #tpu.memory_space<hbm>>
      %dma_start3A_564 = arith.constant 0 : i32
      %dma_start3A_565 = tpu.memref_slice %arg7[%add3A_556, %dma_start3A_564] : memref<163840x128xf32, #tpu.memory_space<hbm>> -> memref<128x128xf32, #tpu.memory_space<hbm>>
      %dma_start3A_566 = arith.constant 0 : i32
      %dma_start3A_567 = arith.constant 0 : i32
      %dma_start3A_568 = tpu.memref_slice %arg12[%dma_start3A_557, %dma_start3A_566, %dma_start3A_567] : memref<4x128x128xf32, #tpu.memory_space<vmem>> -> memref<1x128x128xf32, #tpu.memory_space<vmem>>
      %dma_start3A_569 = tpu.memref_squeeze %dma_start3A_568 : memref<1x128x128xf32, #tpu.memory_space<vmem>> -> memref<128x128xf32, #tpu.memory_space<vmem>>
      tpu.enqueue_dma source(%dma_start3A_569 : memref<128x128xf32, #tpu.memory_space<vmem>>) target(%dma_start3A_565 : memref<128x128xf32, #tpu.memory_space<hbm>>) target_semaphore(%arg17 : memref<!tpu.dma_semaphore, #tpu.memory_space<semaphore_mem>>)
      %dma_start3A_570 = arith.constant 3 : i32
      %dma_start3A_571 = arith.constant 0 : i32
      %dma_start3A_572 = arith.constant 0 : i32
      %dma_start3A_573 = tpu.memref_slice %arg13[%dma_start3A_570, %dma_start3A_571, %dma_start3A_572] : memref<4x128x64xf32, #tpu.memory_space<vmem>> -> memref<1x128x64xf32, #tpu.memory_space<vmem>>
      %dma_start3A_574 = tpu.memref_squeeze %dma_start3A_573 : memref<1x128x64xf32, #tpu.memory_space<vmem>> -> memref<128x64xf32, #tpu.memory_space<vmem>>
      %dma_start3A_575 = arith.constant 0 : i32
      %dma_start3A_576 = tpu.memref_slice %arg8[%add3A_556, %dma_start3A_575] : memref<163840x64xf32, #tpu.memory_space<hbm>> -> memref<128x64xf32, #tpu.memory_space<hbm>>
      %dma_start3A_577 = arith.constant 0 : i32
      %dma_start3A_578 = tpu.memref_slice %arg8[%add3A_556, %dma_start3A_577] : memref<163840x64xf32, #tpu.memory_space<hbm>> -> memref<128x64xf32, #tpu.memory_space<hbm>>
      %dma_start3A_579 = arith.constant 0 : i32
      %dma_start3A_580 = arith.constant 0 : i32
      %dma_start3A_581 = tpu.memref_slice %arg13[%dma_start3A_570, %dma_start3A_579, %dma_start3A_580] : memref<4x128x64xf32, #tpu.memory_space<vmem>> -> memref<1x128x64xf32, #tpu.memory_space<vmem>>
      %dma_start3A_582 = tpu.memref_squeeze %dma_start3A_581 : memref<1x128x64xf32, #tpu.memory_space<vmem>> -> memref<128x64xf32, #tpu.memory_space<vmem>>
      tpu.enqueue_dma source(%dma_start3A_582 : memref<128x64xf32, #tpu.memory_space<vmem>>) target(%dma_start3A_578 : memref<128x64xf32, #tpu.memory_space<hbm>>) target_semaphore(%arg17 : memref<!tpu.dma_semaphore, #tpu.memory_space<semaphore_mem>>)
      %dma_start3A_583 = arith.constant 3 : i32
      %dma_start3A_584 = arith.constant 0 : i32
      %dma_start3A_585 = arith.constant 0 : i32
      %dma_start3A_586 = tpu.memref_slice %arg14[%dma_start3A_583, %dma_start3A_584, %dma_start3A_585] : memref<4x128x16xf32, #tpu.memory_space<vmem>> -> memref<1x128x16xf32, #tpu.memory_space<vmem>>
      %dma_start3A_587 = tpu.memref_squeeze %dma_start3A_586 : memref<1x128x16xf32, #tpu.memory_space<vmem>> -> memref<128x16xf32, #tpu.memory_space<vmem>>
      %dma_start3A_588 = arith.constant 0 : i32
      %dma_start3A_589 = tpu.memref_slice %arg9[%add3A_556, %dma_start3A_588] : memref<163840x16xf32, #tpu.memory_space<hbm>> -> memref<128x16xf32, #tpu.memory_space<hbm>>
      %dma_start3A_590 = arith.constant 0 : i32
      %dma_start3A_591 = tpu.memref_slice %arg9[%add3A_556, %dma_start3A_590] : memref<163840x16xf32, #tpu.memory_space<hbm>> -> memref<128x16xf32, #tpu.memory_space<hbm>>
      %dma_start3A_592 = arith.constant 0 : i32
      %dma_start3A_593 = arith.constant 0 : i32
      %dma_start3A_594 = tpu.memref_slice %arg14[%dma_start3A_583, %dma_start3A_592, %dma_start3A_593] : memref<4x128x16xf32, #tpu.memory_space<vmem>> -> memref<1x128x16xf32, #tpu.memory_space<vmem>>
      %dma_start3A_595 = tpu.memref_squeeze %dma_start3A_594 : memref<1x128x16xf32, #tpu.memory_space<vmem>> -> memref<128x16xf32, #tpu.memory_space<vmem>>
      tpu.enqueue_dma source(%dma_start3A_595 : memref<128x16xf32, #tpu.memory_space<vmem>>) target(%dma_start3A_591 : memref<128x16xf32, #tpu.memory_space<hbm>>) target_semaphore(%arg18 : memref<!tpu.dma_semaphore, #tpu.memory_space<semaphore_mem>>)
      %dma_wait3A_596 = arith.constant 3 : i32
      %dma_wait3A_597 = arith.constant 0 : i32
      %dma_wait3A_598 = arith.constant 0 : i32
      %dma_wait3A_599 = tpu.memref_slice %arg12[%dma_wait3A_596, %dma_wait3A_597, %dma_wait3A_598] : memref<4x128x128xf32, #tpu.memory_space<vmem>> -> memref<1x128x128xf32, #tpu.memory_space<vmem>>
      %dma_wait3A_600 = tpu.memref_squeeze %dma_wait3A_599 : memref<1x128x128xf32, #tpu.memory_space<vmem>> -> memref<128x128xf32, #tpu.memory_space<vmem>>
      %dma_wait3A_601 = arith.constant 0 : i32
      %dma_wait3A_602 = tpu.memref_slice %arg7[%add3A_556, %dma_wait3A_601] : memref<163840x128xf32, #tpu.memory_space<hbm>> -> memref<128x128xf32, #tpu.memory_space<hbm>>
      %dma_wait3A_603 = arith.constant 0 : i32
      %dma_wait3A_604 = tpu.memref_slice %arg7[%add3A_556, %dma_wait3A_603] : memref<163840x128xf32, #tpu.memory_space<hbm>> -> memref<128x128xf32, #tpu.memory_space<hbm>>
      %dma_wait3A_605 = arith.constant 0 : i32
      %dma_wait3A_606 = arith.constant 0 : i32
      %dma_wait3A_607 = tpu.memref_slice %arg12[%dma_wait3A_596, %dma_wait3A_605, %dma_wait3A_606] : memref<4x128x128xf32, #tpu.memory_space<vmem>> -> memref<1x128x128xf32, #tpu.memory_space<vmem>>
      %dma_wait3A_608 = tpu.memref_squeeze %dma_wait3A_607 : memref<1x128x128xf32, #tpu.memory_space<vmem>> -> memref<128x128xf32, #tpu.memory_space<vmem>>
      tpu.wait_dma2 semaphore(%arg17 : memref<!tpu.dma_semaphore, #tpu.memory_space<semaphore_mem>>) src(%dma_wait3A_608 : memref<128x128xf32, #tpu.memory_space<vmem>>) dst(%dma_wait3A_604 : memref<128x128xf32, #tpu.memory_space<hbm>>)
      %dma_wait3A_609 = arith.constant 3 : i32
      %dma_wait3A_610 = arith.constant 0 : i32
      %dma_wait3A_611 = arith.constant 0 : i32
      %dma_wait3A_612 = tpu.memref_slice %arg13[%dma_wait3A_609, %dma_wait3A_610, %dma_wait3A_611] : memref<4x128x64xf32, #tpu.memory_space<vmem>> -> memref<1x128x64xf32, #tpu.memory_space<vmem>>
      %dma_wait3A_613 = tpu.memref_squeeze %dma_wait3A_612 : memref<1x128x64xf32, #tpu.memory_space<vmem>> -> memref<128x64xf32, #tpu.memory_space<vmem>>
      %dma_wait3A_614 = arith.constant 0 : i32
      %dma_wait3A_615 = tpu.memref_slice %arg8[%add3A_556, %dma_wait3A_614] : memref<163840x64xf32, #tpu.memory_space<hbm>> -> memref<128x64xf32, #tpu.memory_space<hbm>>
      %dma_wait3A_616 = arith.constant 0 : i32
      %dma_wait3A_617 = tpu.memref_slice %arg8[%add3A_556, %dma_wait3A_616] : memref<163840x64xf32, #tpu.memory_space<hbm>> -> memref<128x64xf32, #tpu.memory_space<hbm>>
      %dma_wait3A_618 = arith.constant 0 : i32
      %dma_wait3A_619 = arith.constant 0 : i32
      %dma_wait3A_620 = tpu.memref_slice %arg13[%dma_wait3A_609, %dma_wait3A_618, %dma_wait3A_619] : memref<4x128x64xf32, #tpu.memory_space<vmem>> -> memref<1x128x64xf32, #tpu.memory_space<vmem>>
      %dma_wait3A_621 = tpu.memref_squeeze %dma_wait3A_620 : memref<1x128x64xf32, #tpu.memory_space<vmem>> -> memref<128x64xf32, #tpu.memory_space<vmem>>
      tpu.wait_dma2 semaphore(%arg17 : memref<!tpu.dma_semaphore, #tpu.memory_space<semaphore_mem>>) src(%dma_wait3A_621 : memref<128x64xf32, #tpu.memory_space<vmem>>) dst(%dma_wait3A_617 : memref<128x64xf32, #tpu.memory_space<hbm>>)
      %dma_wait3A_622 = arith.constant 3 : i32
      %dma_wait3A_623 = arith.constant 0 : i32
      %dma_wait3A_624 = arith.constant 0 : i32
      %dma_wait3A_625 = tpu.memref_slice %arg14[%dma_wait3A_622, %dma_wait3A_623, %dma_wait3A_624] : memref<4x128x16xf32, #tpu.memory_space<vmem>> -> memref<1x128x16xf32, #tpu.memory_space<vmem>>
      %dma_wait3A_626 = tpu.memref_squeeze %dma_wait3A_625 : memref<1x128x16xf32, #tpu.memory_space<vmem>> -> memref<128x16xf32, #tpu.memory_space<vmem>>
      %dma_wait3A_627 = arith.constant 0 : i32
      %dma_wait3A_628 = tpu.memref_slice %arg9[%add3A_556, %dma_wait3A_627] : memref<163840x16xf32, #tpu.memory_space<hbm>> -> memref<128x16xf32, #tpu.memory_space<hbm>>
      %dma_wait3A_629 = arith.constant 0 : i32
      %dma_wait3A_630 = tpu.memref_slice %arg9[%add3A_556, %dma_wait3A_629] : memref<163840x16xf32, #tpu.memory_space<hbm>> -> memref<128x16xf32, #tpu.memory_space<hbm>>
      %dma_wait3A_631 = arith.constant 0 : i32
      %dma_wait3A_632 = arith.constant 0 : i32
      %dma_wait3A_633 = tpu.memref_slice %arg14[%dma_wait3A_622, %dma_wait3A_631, %dma_wait3A_632] : memref<4x128x16xf32, #tpu.memory_space<vmem>> -> memref<1x128x16xf32, #tpu.memory_space<vmem>>
      %dma_wait3A_634 = tpu.memref_squeeze %dma_wait3A_633 : memref<1x128x16xf32, #tpu.memory_space<vmem>> -> memref<128x16xf32, #tpu.memory_space<vmem>>
      tpu.wait_dma2 semaphore(%arg18 : memref<!tpu.dma_semaphore, #tpu.memory_space<semaphore_mem>>) src(%dma_wait3A_634 : memref<128x16xf32, #tpu.memory_space<vmem>>) dst(%dma_wait3A_630 : memref<128x16xf32, #tpu.memory_space<hbm>>)
      %add3A_635 = arith.constant 4 : i32
      %add3A_636 = arith.addi %add3A_520, %add3A_635 : i32
      %lt3A_637 = arith.constant 40 : i32
      %lt3A_638 = arith.cmpi slt, %add3A_636, %lt3A_637 : i32
      %convert_element_type3A_639 = arith.extui %lt3A_638 : i1 to i32
      %cond3A_640 = arith.constant 0 : i32
      %cond3A_641 = arith.cmpi ne, %convert_element_type3A_639, %cond3A_640 : i32
      scf.if %cond3A_641 {
        %add3A_642 = arith.constant 4 : i32
        %add3A_643 = arith.addi %add3A_520, %add3A_642 : i32
        %dma_start3A_644 = arith.constant 3 : i32
        %dma_start3A_645 = arith.constant 0 : i32
        %dma_start3A_646 = arith.constant 0 : i32
        %dma_start3A_647 = tpu.memref_slice %arg12[%dma_start3A_644, %dma_start3A_645, %dma_start3A_646] : memref<4x128x128xf32, #tpu.memory_space<vmem>> -> memref<1x128x128xf32, #tpu.memory_space<vmem>>
        %dma_start3A_648 = tpu.memref_squeeze %dma_start3A_647 : memref<1x128x128xf32, #tpu.memory_space<vmem>> -> memref<128x128xf32, #tpu.memory_space<vmem>>
        %dma_start3A_649 = arith.constant 0 : i32
        %dma_start3A_650 = tpu.memref_slice %arg10[%add3A_643, %dma_start3A_649] : memref<40x128xi32, #tpu.memory_space<vmem>> -> memref<1x128xi32, #tpu.memory_space<vmem>>
        %dma_start3A_651 = tpu.memref_squeeze %dma_start3A_650 : memref<1x128xi32, #tpu.memory_space<vmem>> -> memref<128xi32, #tpu.memory_space<vmem>>
        %dma_start3A_652 = arith.constant 0 : i32
        %dma_start3A_653 = arith.constant 0 : i32
        %dma_start3A_654 = tpu.memref_slice %arg2[%dma_start3A_652, %dma_start3A_653] : memref<10000x128xf32, #tpu.memory_space<hbm>> -> memref<10000x128xf32, #tpu.memory_space<hbm>>
        tpu.enqueue_indirect_dma source(%dma_start3A_654 : memref<10000x128xf32, #tpu.memory_space<hbm>>) target(%dma_start3A_648 : memref<128x128xf32, #tpu.memory_space<vmem>>) offsets(%dma_start3A_651 : memref<128xi32, #tpu.memory_space<vmem>>) semaphore(%arg20 : memref<!tpu.dma_semaphore, #tpu.memory_space<semaphore_mem>>)
        %dma_start3A_655 = arith.constant 3 : i32
        %dma_start3A_656 = arith.constant 0 : i32
        %dma_start3A_657 = arith.constant 0 : i32
        %dma_start3A_658 = tpu.memref_slice %arg13[%dma_start3A_655, %dma_start3A_656, %dma_start3A_657] : memref<4x128x64xf32, #tpu.memory_space<vmem>> -> memref<1x128x64xf32, #tpu.memory_space<vmem>>
        %dma_start3A_659 = tpu.memref_squeeze %dma_start3A_658 : memref<1x128x64xf32, #tpu.memory_space<vmem>> -> memref<128x64xf32, #tpu.memory_space<vmem>>
        %dma_start3A_660 = arith.constant 0 : i32
        %dma_start3A_661 = tpu.memref_slice %arg10[%add3A_643, %dma_start3A_660] : memref<40x128xi32, #tpu.memory_space<vmem>> -> memref<1x128xi32, #tpu.memory_space<vmem>>
        %dma_start3A_662 = tpu.memref_squeeze %dma_start3A_661 : memref<1x128xi32, #tpu.memory_space<vmem>> -> memref<128xi32, #tpu.memory_space<vmem>>
        %dma_start3A_663 = arith.constant 0 : i32
        %dma_start3A_664 = arith.constant 0 : i32
        %dma_start3A_665 = tpu.memref_slice %arg3[%dma_start3A_663, %dma_start3A_664] : memref<10000x64xf32, #tpu.memory_space<hbm>> -> memref<10000x64xf32, #tpu.memory_space<hbm>>
        tpu.enqueue_indirect_dma source(%dma_start3A_665 : memref<10000x64xf32, #tpu.memory_space<hbm>>) target(%dma_start3A_659 : memref<128x64xf32, #tpu.memory_space<vmem>>) offsets(%dma_start3A_662 : memref<128xi32, #tpu.memory_space<vmem>>) semaphore(%arg20 : memref<!tpu.dma_semaphore, #tpu.memory_space<semaphore_mem>>)
        %dma_start3A_666 = arith.constant 3 : i32
        %dma_start3A_667 = arith.constant 0 : i32
        %dma_start3A_668 = arith.constant 0 : i32
        %dma_start3A_669 = tpu.memref_slice %arg14[%dma_start3A_666, %dma_start3A_667, %dma_start3A_668] : memref<4x128x16xf32, #tpu.memory_space<vmem>> -> memref<1x128x16xf32, #tpu.memory_space<vmem>>
        %dma_start3A_670 = tpu.memref_squeeze %dma_start3A_669 : memref<1x128x16xf32, #tpu.memory_space<vmem>> -> memref<128x16xf32, #tpu.memory_space<vmem>>
        %dma_start3A_671 = arith.constant 0 : i32
        %dma_start3A_672 = tpu.memref_slice %arg11[%add3A_643, %dma_start3A_671] : memref<40x128xi32, #tpu.memory_space<vmem>> -> memref<1x128xi32, #tpu.memory_space<vmem>>
        %dma_start3A_673 = tpu.memref_squeeze %dma_start3A_672 : memref<1x128xi32, #tpu.memory_space<vmem>> -> memref<128xi32, #tpu.memory_space<vmem>>
        %dma_start3A_674 = arith.constant 0 : i32
        %dma_start3A_675 = arith.constant 0 : i32
        %dma_start3A_676 = tpu.memref_slice %arg4[%dma_start3A_674, %dma_start3A_675] : memref<10240x16xf32, #tpu.memory_space<hbm>> -> memref<10240x16xf32, #tpu.memory_space<hbm>>
        tpu.enqueue_indirect_dma source(%dma_start3A_676 : memref<10240x16xf32, #tpu.memory_space<hbm>>) target(%dma_start3A_670 : memref<128x16xf32, #tpu.memory_space<vmem>>) offsets(%dma_start3A_673 : memref<128xi32, #tpu.memory_space<vmem>>) semaphore(%arg20 : memref<!tpu.dma_semaphore, #tpu.memory_space<semaphore_mem>>)
      } else {
      }
    }
    %scan3A_150 = arith.constant 10 : i32
    return
  }
}

module attributes {stable_mosaic.version = 14 : i64} {
  func.func @body(%arg0: i32, %arg1: memref<1024x128xf32, #tpu.memory_space<vmem>>, %arg2: memref<1024x64xf32, #tpu.memory_space<vmem>>, %arg3: memref<1024x16xf32, #tpu.memory_space<vmem>>, %arg4: memref<1x17xf32, #tpu.memory_space<vmem>>, %arg5: memref<16x17xf32, #tpu.memory_space<vmem>>, %arg6: memref<17x16xf32, #tpu.memory_space<vmem>>, %arg7: memref<128x128xf32, #tpu.memory_space<vmem>>, %arg8: memref<16x128xf32, #tpu.memory_space<vmem>>, %arg9: memref<17x128xf32, #tpu.memory_space<vmem>>, %arg10: memref<1x128xf32, #tpu.memory_space<vmem>>, %arg11: memref<128x16xf32, #tpu.memory_space<vmem>>, %arg12: memref<1x16xf32, #tpu.memory_space<vmem>>, %arg13: memref<2x1024x128xf32, #tpu.memory_space<vmem>>) attributes {dimension_semantics = [#tpu.dimension_semantics<arbitrary>], iteration_bounds = array<i64: 160>, scalar_prefetch = 0 : i64, scratch_operands = 0 : i64, tpu.core_type = #tpu.core_type<tc>, window_params = [{transform_indices = @transform_0, window_bounds = array<i64: 1024, 128>}, {transform_indices = @transform_1, window_bounds = array<i64: 1024, 64>}, {transform_indices = @transform_2, window_bounds = array<i64: 1024, 16>}, {pipeline_mode = #tpu.pipeline_mode<synchronous>, transform_indices = @transform_3, window_bounds = array<i64: 1, 17>}, {pipeline_mode = #tpu.pipeline_mode<synchronous>, transform_indices = @transform_4, window_bounds = array<i64: 16, 17>}, {pipeline_mode = #tpu.pipeline_mode<synchronous>, transform_indices = @transform_5, window_bounds = array<i64: 17, 16>}, {pipeline_mode = #tpu.pipeline_mode<synchronous>, transform_indices = @transform_6, window_bounds = array<i64: 128, 128>}, {pipeline_mode = #tpu.pipeline_mode<synchronous>, transform_indices = @transform_7, window_bounds = array<i64: 16, 128>}, {pipeline_mode = #tpu.pipeline_mode<synchronous>, transform_indices = @transform_8, window_bounds = array<i64: 17, 128>}, {pipeline_mode = #tpu.pipeline_mode<synchronous>, transform_indices = @transform_9, window_bounds = array<i64: 1, 128>}, {pipeline_mode = #tpu.pipeline_mode<synchronous>, transform_indices = @transform_10, window_bounds = array<i64: 128, 16>}, {pipeline_mode = #tpu.pipeline_mode<synchronous>, transform_indices = @transform_11, window_bounds = array<i64: 1, 16>}, {transform_indices = @transform_12, window_bounds = array<i64: 2, 1024, 128>}]} {
    %get3A = arith.constant 0 : index
    %get3A_0 = arith.constant 0 : index
    %get3A_1 = vector.load %arg1[%get3A, %get3A_0] : memref<1024x128xf32, #tpu.memory_space<vmem>>, vector<1024x128xf32>
    %get3A_2 = arith.constant 0 : index
    %get3A_3 = arith.constant 0 : index
    %get3A_4 = vector.load %arg2[%get3A_2, %get3A_3] : memref<1024x64xf32, #tpu.memory_space<vmem>>, vector<1024x64xf32>
    %slice3A = vector.extract_strided_slice %get3A_4 {offsets = [0, 48], sizes = [1024, 16], strides = [1, 1]} : vector<1024x64xf32> to vector<1024x16xf32>
    %get3A_5 = arith.constant 0 : index
    %get3A_6 = arith.constant 0 : index
    %get3A_7 = vector.load %arg3[%get3A_5, %get3A_6] : memref<1024x16xf32, #tpu.memory_space<vmem>>, vector<1024x16xf32>
    %sub3A = arith.subf %slice3A, %get3A_7 : vector<1024x16xf32>
    %mul3A = arith.mulf %sub3A, %sub3A : vector<1024x16xf32>
    %reduce_sum3A = arith.constant dense<0.000000e+00> : vector<1024xf32>
    %reduce_sum3A_8 = vector.multi_reduction <add>, %mul3A, %reduce_sum3A [1] : vector<1024x16xf32> to vector<1024xf32>
    %broadcast_in_dim3A = vector.shape_cast %reduce_sum3A_8 : vector<1024xf32> to vector<1024x1xf32>
    %max3A = arith.constant 9.99999993E-9 : f32
    %max3A_9 = vector.broadcast %max3A : f32 to vector<1024x1xf32>
    %max3A_10 = arith.maximumf %broadcast_in_dim3A, %max3A_9 : vector<1024x1xf32>
    %sqrt3A = math.sqrt %max3A_10 : vector<1024x1xf32>
    %add3A = arith.constant 9.99999993E-9 : f32
    %add3A_11 = vector.broadcast %add3A : f32 to vector<1024x1xf32>
    %add3A_12 = arith.addf %sqrt3A, %add3A_11 : vector<1024x1xf32>
    %div3A = vector.broadcast %add3A_12 : vector<1024x1xf32> to vector<1024x16xf32>
    %div3A_13 = arith.divf %sub3A, %div3A : vector<1024x16xf32>
    %iota3A = tpu.iota {dimensions = array<i32: 1>} : vector<1x16xi32>
    %convert_element_type3A = arith.sitofp %iota3A : vector<1x16xi32> to vector<1x16xf32>
    %mul3A_14 = arith.constant 1.000000e+00 : f32
    %mul3A_15 = vector.broadcast %mul3A_14 : f32 to vector<1x16xf32>
    %mul3A_16 = arith.mulf %convert_element_type3A, %mul3A_15 : vector<1x16xf32>
    %sub3A_17 = vector.broadcast %add3A_12 : vector<1024x1xf32> to vector<1024x16xf32>
    %sub3A_18 = vector.broadcast %mul3A_16 : vector<1x16xf32> to vector<1024x16xf32>
    %sub3A_19 = arith.subf %sub3A_17, %sub3A_18 : vector<1024x16xf32>
    %div3A_20 = arith.constant 9.375000e-01 : f32
    %div3A_21 = vector.broadcast %div3A_20 : f32 to vector<1024x16xf32>
    %div3A_22 = arith.divf %sub3A_19, %div3A_21 : vector<1024x16xf32>
    %mul3A_23 = arith.mulf %div3A_22, %div3A_22 : vector<1024x16xf32>
    %neg3A = arith.constant 0.000000e+00 : f32
    %neg3A_24 = vector.broadcast %neg3A : f32 to vector<1024x16xf32>
    %neg3A_25 = arith.subf %neg3A_24, %mul3A_23 : vector<1024x16xf32>
    %exp3A = math.exp %neg3A_25 : vector<1024x16xf32>
    %get3A_26 = arith.constant 0 : index
    %get3A_27 = arith.constant 0 : index
    %get3A_28 = vector.load %arg4[%get3A_26, %get3A_27] : memref<1x17xf32, #tpu.memory_space<vmem>>, vector<1x17xf32>
    %get3A_29 = arith.constant 0 : index
    %get3A_30 = arith.constant 0 : index
    %get3A_31 = vector.load %arg5[%get3A_29, %get3A_30] : memref<16x17xf32, #tpu.memory_space<vmem>>, vector<16x17xf32>
    %get3A_32 = arith.constant 0 : index
    %get3A_33 = arith.constant 0 : index
    %get3A_34 = vector.load %arg6[%get3A_32, %get3A_33] : memref<17x16xf32, #tpu.memory_space<vmem>>, vector<17x16xf32>
    %slice3A_35 = vector.extract_strided_slice %div3A_13 {offsets = [0, 0], sizes = [1024, 1], strides = [1, 1]} : vector<1024x16xf32> to vector<1024x1xf32>
    %slice3A_36 = vector.extract_strided_slice %get3A_4 {offsets = [0, 0], sizes = [1024, 16], strides = [1, 1]} : vector<1024x64xf32> to vector<1024x16xf32>
    %mul3A_37 = vector.broadcast %slice3A_35 : vector<1024x1xf32> to vector<1024x17xf32>
    %mul3A_38 = vector.broadcast %get3A_28 : vector<1x17xf32> to vector<1024x17xf32>
    %mul3A_39 = arith.mulf %mul3A_37, %mul3A_38 : vector<1024x17xf32>
    %dot_general3A = arith.constant dense<0.000000e+00> : vector<1024x17xf32>
    %dot_general3A_40 = tpu.matmul %slice3A_36, %get3A_31, %dot_general3A {dimension_numbers = #tpu.dot_dimension_numbers<[1], [0], [0], [1], [0, 0, 1, 1], [], []>, transpose_lhs_hint = false} : vector<1024x16xf32>, vector<16x17xf32>, vector<1024x17xf32> -> vector<1024x17xf32>
    %add3A_41 = arith.addf %mul3A_39, %dot_general3A_40 : vector<1024x17xf32>
    %dot_general3A_42 = arith.constant dense<0.000000e+00> : vector<1024x16xf32>
    %dot_general3A_43 = tpu.matmul %add3A_41, %get3A_34, %dot_general3A_42 {dimension_numbers = #tpu.dot_dimension_numbers<[1], [0], [0], [1], [0, 0, 1, 1], [], []>, transpose_lhs_hint = false} : vector<1024x17xf32>, vector<17x16xf32>, vector<1024x16xf32> -> vector<1024x16xf32>
    %mul3A_44 = arith.mulf %add3A_41, %add3A_41 : vector<1024x17xf32>
    %slice3A_45 = vector.extract_strided_slice %div3A_13 {offsets = [0, 1], sizes = [1024, 1], strides = [1, 1]} : vector<1024x16xf32> to vector<1024x1xf32>
    %slice3A_46 = vector.extract_strided_slice %get3A_4 {offsets = [0, 16], sizes = [1024, 16], strides = [1, 1]} : vector<1024x64xf32> to vector<1024x16xf32>
    %mul3A_47 = vector.broadcast %slice3A_45 : vector<1024x1xf32> to vector<1024x17xf32>
    %mul3A_48 = vector.broadcast %get3A_28 : vector<1x17xf32> to vector<1024x17xf32>
    %mul3A_49 = arith.mulf %mul3A_47, %mul3A_48 : vector<1024x17xf32>
    %dot_general3A_50 = arith.constant dense<0.000000e+00> : vector<1024x17xf32>
    %dot_general3A_51 = tpu.matmul %slice3A_46, %get3A_31, %dot_general3A_50 {dimension_numbers = #tpu.dot_dimension_numbers<[1], [0], [0], [1], [0, 0, 1, 1], [], []>, transpose_lhs_hint = false} : vector<1024x16xf32>, vector<16x17xf32>, vector<1024x17xf32> -> vector<1024x17xf32>
    %add3A_52 = arith.addf %mul3A_49, %dot_general3A_51 : vector<1024x17xf32>
    %dot_general3A_53 = arith.constant dense<0.000000e+00> : vector<1024x16xf32>
    %dot_general3A_54 = tpu.matmul %add3A_52, %get3A_34, %dot_general3A_53 {dimension_numbers = #tpu.dot_dimension_numbers<[1], [0], [0], [1], [0, 0, 1, 1], [], []>, transpose_lhs_hint = false} : vector<1024x17xf32>, vector<17x16xf32>, vector<1024x16xf32> -> vector<1024x16xf32>
    %mul3A_55 = arith.mulf %add3A_52, %add3A_52 : vector<1024x17xf32>
    %add3A_56 = arith.addf %mul3A_44, %mul3A_55 : vector<1024x17xf32>
    %slice3A_57 = vector.extract_strided_slice %div3A_13 {offsets = [0, 2], sizes = [1024, 1], strides = [1, 1]} : vector<1024x16xf32> to vector<1024x1xf32>
    %slice3A_58 = vector.extract_strided_slice %get3A_4 {offsets = [0, 32], sizes = [1024, 16], strides = [1, 1]} : vector<1024x64xf32> to vector<1024x16xf32>
    %mul3A_59 = vector.broadcast %slice3A_57 : vector<1024x1xf32> to vector<1024x17xf32>
    %mul3A_60 = vector.broadcast %get3A_28 : vector<1x17xf32> to vector<1024x17xf32>
    %mul3A_61 = arith.mulf %mul3A_59, %mul3A_60 : vector<1024x17xf32>
    %dot_general3A_62 = arith.constant dense<0.000000e+00> : vector<1024x17xf32>
    %dot_general3A_63 = tpu.matmul %slice3A_58, %get3A_31, %dot_general3A_62 {dimension_numbers = #tpu.dot_dimension_numbers<[1], [0], [0], [1], [0, 0, 1, 1], [], []>, transpose_lhs_hint = false} : vector<1024x16xf32>, vector<16x17xf32>, vector<1024x17xf32> -> vector<1024x17xf32>
    %add3A_64 = arith.addf %mul3A_61, %dot_general3A_63 : vector<1024x17xf32>
    %dot_general3A_65 = arith.constant dense<0.000000e+00> : vector<1024x16xf32>
    %dot_general3A_66 = tpu.matmul %add3A_64, %get3A_34, %dot_general3A_65 {dimension_numbers = #tpu.dot_dimension_numbers<[1], [0], [0], [1], [0, 0, 1, 1], [], []>, transpose_lhs_hint = false} : vector<1024x17xf32>, vector<17x16xf32>, vector<1024x16xf32> -> vector<1024x16xf32>
    %mul3A_67 = arith.mulf %add3A_64, %add3A_64 : vector<1024x17xf32>
    %add3A_68 = arith.addf %add3A_56, %mul3A_67 : vector<1024x17xf32>
    %max3A_69 = arith.constant 9.99999993E-9 : f32
    %max3A_70 = vector.broadcast %max3A_69 : f32 to vector<1024x17xf32>
    %max3A_71 = arith.maximumf %add3A_68, %max3A_70 : vector<1024x17xf32>
    %sqrt3A_72 = math.sqrt %max3A_71 : vector<1024x17xf32>
    %get3A_73 = arith.constant 0 : index
    %get3A_74 = arith.constant 0 : index
    %get3A_75 = vector.load %arg7[%get3A_73, %get3A_74] : memref<128x128xf32, #tpu.memory_space<vmem>>, vector<128x128xf32>
    %dot_general3A_76 = arith.constant dense<0.000000e+00> : vector<1024x128xf32>
    %dot_general3A_77 = tpu.matmul %get3A_1, %get3A_75, %dot_general3A_76 {dimension_numbers = #tpu.dot_dimension_numbers<[1], [0], [0], [1], [0, 0, 1, 1], [], []>, transpose_lhs_hint = false} : vector<1024x128xf32>, vector<128x128xf32>, vector<1024x128xf32> -> vector<1024x128xf32>
    %get3A_78 = arith.constant 0 : index
    %get3A_79 = arith.constant 0 : index
    %get3A_80 = vector.load %arg8[%get3A_78, %get3A_79] : memref<16x128xf32, #tpu.memory_space<vmem>>, vector<16x128xf32>
    %dot_general3A_81 = arith.constant dense<0.000000e+00> : vector<1024x128xf32>
    %dot_general3A_82 = tpu.matmul %exp3A, %get3A_80, %dot_general3A_81 {dimension_numbers = #tpu.dot_dimension_numbers<[1], [0], [0], [1], [0, 0, 1, 1], [], []>, transpose_lhs_hint = false} : vector<1024x16xf32>, vector<16x128xf32>, vector<1024x128xf32> -> vector<1024x128xf32>
    %add3A_83 = arith.addf %dot_general3A_77, %dot_general3A_82 : vector<1024x128xf32>
    %get3A_84 = arith.constant 0 : index
    %get3A_85 = arith.constant 0 : index
    %get3A_86 = vector.load %arg9[%get3A_84, %get3A_85] : memref<17x128xf32, #tpu.memory_space<vmem>>, vector<17x128xf32>
    %dot_general3A_87 = arith.constant dense<0.000000e+00> : vector<1024x128xf32>
    %dot_general3A_88 = tpu.matmul %sqrt3A_72, %get3A_86, %dot_general3A_87 {dimension_numbers = #tpu.dot_dimension_numbers<[1], [0], [0], [1], [0, 0, 1, 1], [], []>, transpose_lhs_hint = false} : vector<1024x17xf32>, vector<17x128xf32>, vector<1024x128xf32> -> vector<1024x128xf32>
    %add3A_89 = arith.addf %add3A_83, %dot_general3A_88 : vector<1024x128xf32>
    %get3A_90 = arith.constant 0 : index
    %get3A_91 = arith.constant 0 : index
    %get3A_92 = vector.load %arg10[%get3A_90, %get3A_91] : memref<1x128xf32, #tpu.memory_space<vmem>>, vector<1x128xf32>
    %add3A_93 = vector.broadcast %get3A_92 : vector<1x128xf32> to vector<1024x128xf32>
    %add3A_94 = arith.addf %add3A_89, %add3A_93 : vector<1024x128xf32>
    %logistic3A = arith.negf %add3A_94 : vector<1024x128xf32>
    %logistic3A_95 = math.exp %logistic3A : vector<1024x128xf32>
    %logistic3A_96 = arith.constant 1.000000e+00 : f32
    %logistic3A_97 = vector.broadcast %logistic3A_96 : f32 to vector<1024x128xf32>
    %logistic3A_98 = arith.addf %logistic3A_97, %logistic3A_95 : vector<1024x128xf32>
    %logistic3A_99 = arith.divf %logistic3A_97, %logistic3A_98 : vector<1024x128xf32>
    %mul3A_100 = arith.mulf %add3A_94, %logistic3A_99 : vector<1024x128xf32>
    %get3A_101 = arith.constant 0 : index
    %get3A_102 = arith.constant 0 : index
    %get3A_103 = vector.load %arg11[%get3A_101, %get3A_102] : memref<128x16xf32, #tpu.memory_space<vmem>>, vector<128x16xf32>
    %dot_general3A_104 = arith.constant dense<0.000000e+00> : vector<1024x16xf32>
    %dot_general3A_105 = tpu.matmul %mul3A_100, %get3A_103, %dot_general3A_104 {dimension_numbers = #tpu.dot_dimension_numbers<[1], [0], [0], [1], [0, 0, 1, 1], [], []>, transpose_lhs_hint = false} : vector<1024x128xf32>, vector<128x16xf32>, vector<1024x16xf32> -> vector<1024x16xf32>
    %get3A_106 = arith.constant 0 : index
    %get3A_107 = arith.constant 0 : index
    %get3A_108 = vector.load %arg12[%get3A_106, %get3A_107] : memref<1x16xf32, #tpu.memory_space<vmem>>, vector<1x16xf32>
    %add3A_109 = vector.broadcast %get3A_108 : vector<1x16xf32> to vector<1024x16xf32>
    %add3A_110 = arith.addf %dot_general3A_105, %add3A_109 : vector<1024x16xf32>
    %logistic3A_111 = arith.negf %add3A_110 : vector<1024x16xf32>
    %logistic3A_112 = math.exp %logistic3A_111 : vector<1024x16xf32>
    %logistic3A_113 = arith.constant 1.000000e+00 : f32
    %logistic3A_114 = vector.broadcast %logistic3A_113 : f32 to vector<1024x16xf32>
    %logistic3A_115 = arith.addf %logistic3A_114, %logistic3A_112 : vector<1024x16xf32>
    %logistic3A_116 = arith.divf %logistic3A_114, %logistic3A_115 : vector<1024x16xf32>
    %swap3A = arith.constant 0 : index
    %swap3A_117 = arith.constant 0 : index
    %swap3A_118 = arith.constant 0 : index
    %swap3A_119 = vector.load %arg13[%swap3A, %swap3A_117, %swap3A_118] : memref<2x1024x128xf32, #tpu.memory_space<vmem>>, vector<1x1024x128xf32>
    %swap3A_120 = vector.shape_cast %swap3A_119 : vector<1x1024x128xf32> to vector<1024x128xf32>
    %swap3A_121 = vector.shape_cast %mul3A_100 : vector<1024x128xf32> to vector<1x1024x128xf32>
    tpu.vector_store %arg13[%swap3A, %swap3A_117, %swap3A_118], %swap3A_121 {strides = array<i32>} : memref<2x1024x128xf32, #tpu.memory_space<vmem>>, vector<1x1024x128xf32>,
    %mul3A_122 = arith.mulf %logistic3A_116, %dot_general3A_43 : vector<1024x16xf32>
    %mul3A_123 = arith.mulf %logistic3A_116, %dot_general3A_54 : vector<1024x16xf32>
    %mul3A_124 = arith.mulf %logistic3A_116, %dot_general3A_66 : vector<1024x16xf32>
    %broadcast_in_dim3A_125 = arith.constant 0.000000e+00 : f32
    %broadcast_in_dim3A_126 = vector.broadcast %broadcast_in_dim3A_125 : f32 to vector<1024x80xf32>
    %concatenate3A = tpu.concatenate %mul3A_122, %mul3A_123, %mul3A_124, %broadcast_in_dim3A_126 in 1 : vector<1024x16xf32>, vector<1024x16xf32>, vector<1024x16xf32>, vector<1024x80xf32> -> vector<1024x128xf32>
    %swap3A_127 = arith.constant 1 : index
    %swap3A_128 = arith.constant 0 : index
    %swap3A_129 = arith.constant 0 : index
    %swap3A_130 = vector.load %arg13[%swap3A_127, %swap3A_128, %swap3A_129] : memref<2x1024x128xf32, #tpu.memory_space<vmem>>, vector<1x1024x128xf32>
    %swap3A_131 = vector.shape_cast %swap3A_130 : vector<1x1024x128xf32> to vector<1024x128xf32>
    %swap3A_132 = vector.shape_cast %concatenate3A : vector<1024x128xf32> to vector<1x1024x128xf32>
    tpu.vector_store %arg13[%swap3A_127, %swap3A_128, %swap3A_129], %swap3A_132 {strides = array<i32>} : memref<2x1024x128xf32, #tpu.memory_space<vmem>>, vector<1x1024x128xf32>,
    return
  }
  func.func @transform_0(%arg0: i32) -> (i32, i32) {
    %c0_i32 = arith.constant 0 : i32
    %c0_i32_0 = arith.constant 0 : i32
    return %arg0, %c0_i32 : i32, i32
  }
  func.func @transform_1(%arg0: i32) -> (i32, i32) {
    %c0_i32 = arith.constant 0 : i32
    %c0_i32_0 = arith.constant 0 : i32
    return %arg0, %c0_i32 : i32, i32
  }
  func.func @transform_2(%arg0: i32) -> (i32, i32) {
    %c0_i32 = arith.constant 0 : i32
    %c0_i32_0 = arith.constant 0 : i32
    return %arg0, %c0_i32 : i32, i32
  }
  func.func @transform_3(%arg0: i32) -> (i32, i32) {
    %c0_i32 = arith.constant 0 : i32
    %c0_i32_0 = arith.constant 0 : i32
    %c0_i32_1 = arith.constant 0 : i32
    return %c0_i32, %c0_i32_0 : i32, i32
  }
  func.func @transform_4(%arg0: i32) -> (i32, i32) {
    %c0_i32 = arith.constant 0 : i32
    %c0_i32_0 = arith.constant 0 : i32
    %c0_i32_1 = arith.constant 0 : i32
    return %c0_i32, %c0_i32_0 : i32, i32
  }
  func.func @transform_5(%arg0: i32) -> (i32, i32) {
    %c0_i32 = arith.constant 0 : i32
    %c0_i32_0 = arith.constant 0 : i32
    %c0_i32_1 = arith.constant 0 : i32
    return %c0_i32, %c0_i32_0 : i32, i32
  }
  func.func @transform_6(%arg0: i32) -> (i32, i32) {
    %c0_i32 = arith.constant 0 : i32
    %c0_i32_0 = arith.constant 0 : i32
    %c0_i32_1 = arith.constant 0 : i32
    return %c0_i32, %c0_i32_0 : i32, i32
  }
  func.func @transform_7(%arg0: i32) -> (i32, i32) {
    %c0_i32 = arith.constant 0 : i32
    %c0_i32_0 = arith.constant 0 : i32
    %c0_i32_1 = arith.constant 0 : i32
    return %c0_i32, %c0_i32_0 : i32, i32
  }
  func.func @transform_8(%arg0: i32) -> (i32, i32) {
    %c0_i32 = arith.constant 0 : i32
    %c0_i32_0 = arith.constant 0 : i32
    %c0_i32_1 = arith.constant 0 : i32
    return %c0_i32, %c0_i32_0 : i32, i32
  }
  func.func @transform_9(%arg0: i32) -> (i32, i32) {
    %c0_i32 = arith.constant 0 : i32
    %c0_i32_0 = arith.constant 0 : i32
    %c0_i32_1 = arith.constant 0 : i32
    return %c0_i32, %c0_i32_0 : i32, i32
  }
  func.func @transform_10(%arg0: i32) -> (i32, i32) {
    %c0_i32 = arith.constant 0 : i32
    %c0_i32_0 = arith.constant 0 : i32
    %c0_i32_1 = arith.constant 0 : i32
    return %c0_i32, %c0_i32_0 : i32, i32
  }
  func.func @transform_11(%arg0: i32) -> (i32, i32) {
    %c0_i32 = arith.constant 0 : i32
    %c0_i32_0 = arith.constant 0 : i32
    %c0_i32_1 = arith.constant 0 : i32
    return %c0_i32, %c0_i32_0 : i32, i32
  }
  func.func @transform_12(%arg0: i32) -> (i32, i32, i32) {
    %c0_i32 = arith.constant 0 : i32
    %c0_i32_0 = arith.constant 0 : i32
    %c0_i32_1 = arith.constant 0 : i32
    return %c0_i32, %arg0, %c0_i32_0 : i32, i32, i32
  }
}

module attributes {stable_mosaic.version = 14 : i64} {
  func.func @body(%arg0: i32, %arg1: memref<2048x128xf32, #tpu.memory_space<vmem>>, %arg2: memref<2048x48xf32, #tpu.memory_space<vmem>>, %arg3: memref<2x2048x128xf32, #tpu.memory_space<vmem>>, %arg4: memref<1x128xf32, #tpu.memory_space<vmem>>, %arg5: memref<1x128xf32, #tpu.memory_space<vmem>>, %arg6: memref<16x16xf32, #tpu.memory_space<vmem>>, %arg7: memref<16x16xf32, #tpu.memory_space<vmem>>, %arg8: memref<128x128xf32, #tpu.memory_space<vmem>>, %arg9: memref<16x128xf32, #tpu.memory_space<vmem>>, %arg10: memref<1x128xf32, #tpu.memory_space<vmem>>, %arg11: memref<128x16xf32, #tpu.memory_space<vmem>>, %arg12: memref<1x16xf32, #tpu.memory_space<vmem>>, %arg13: memref<1x128xf32, #tpu.memory_space<vmem>>, %arg14: memref<1x128xf32, #tpu.memory_space<vmem>>, %arg15: memref<2048x128xf32, #tpu.memory_space<vmem>>, %arg16: memref<2048x48xf32, #tpu.memory_space<vmem>>) attributes {dimension_semantics = [#tpu.dimension_semantics<arbitrary>], iteration_bounds = array<i64: 5>, scalar_prefetch = 0 : i64, scratch_operands = 0 : i64, tpu.core_type = #tpu.core_type<tc>, window_params = [{transform_indices = @transform_0, window_bounds = array<i64: 2048, 128>}, {transform_indices = @transform_1, window_bounds = array<i64: 2048, 48>}, {transform_indices = @transform_2, window_bounds = array<i64: 2, 2048, 128>}, {pipeline_mode = #tpu.pipeline_mode<synchronous>, transform_indices = @transform_3, window_bounds = array<i64: 1, 128>}, {pipeline_mode = #tpu.pipeline_mode<synchronous>, transform_indices = @transform_4, window_bounds = array<i64: 1, 128>}, {pipeline_mode = #tpu.pipeline_mode<synchronous>, transform_indices = @transform_5, window_bounds = array<i64: 16, 16>}, {pipeline_mode = #tpu.pipeline_mode<synchronous>, transform_indices = @transform_6, window_bounds = array<i64: 16, 16>}, {pipeline_mode = #tpu.pipeline_mode<synchronous>, transform_indices = @transform_7, window_bounds = array<i64: 128, 128>}, {pipeline_mode = #tpu.pipeline_mode<synchronous>, transform_indices = @transform_8, window_bounds = array<i64: 16, 128>}, {pipeline_mode = #tpu.pipeline_mode<synchronous>, transform_indices = @transform_9, window_bounds = array<i64: 1, 128>}, {pipeline_mode = #tpu.pipeline_mode<synchronous>, transform_indices = @transform_10, window_bounds = array<i64: 128, 16>}, {pipeline_mode = #tpu.pipeline_mode<synchronous>, transform_indices = @transform_11, window_bounds = array<i64: 1, 16>}, {pipeline_mode = #tpu.pipeline_mode<synchronous>, transform_indices = @transform_12, window_bounds = array<i64: 1, 128>}, {pipeline_mode = #tpu.pipeline_mode<synchronous>, transform_indices = @transform_13, window_bounds = array<i64: 1, 128>}, {transform_indices = @transform_14, window_bounds = array<i64: 2048, 128>}, {transform_indices = @transform_15, window_bounds = array<i64: 2048, 48>}]} {
    %get3A = arith.constant 0 : index
    %get3A_0 = arith.constant 0 : index
    %get3A_1 = arith.constant 0 : index
    %get3A_2 = vector.load %arg3[%get3A, %get3A_0, %get3A_1] : memref<2x2048x128xf32, #tpu.memory_space<vmem>>, vector<1x2048x128xf32>
    %get3A_3 = vector.shape_cast %get3A_2 : vector<1x2048x128xf32> to vector<2048x128xf32>
    %get3A_4 = arith.constant 1 : index
    %get3A_5 = arith.constant 0 : index
    %get3A_6 = arith.constant 0 : index
    %get3A_7 = vector.load %arg3[%get3A_4, %get3A_5, %get3A_6] : memref<2x2048x128xf32, #tpu.memory_space<vmem>>, vector<1x2048x128xf32>
    %get3A_8 = vector.shape_cast %get3A_7 : vector<1x2048x128xf32> to vector<2048x128xf32>
    %get3A_9 = arith.constant 0 : index
    %get3A_10 = arith.constant 0 : index
    %get3A_11 = vector.load %arg1[%get3A_9, %get3A_10] : memref<2048x128xf32, #tpu.memory_space<vmem>>, vector<2048x128xf32>
    %mul3A = arith.constant 1.000000e-01 : f32
    %mul3A_12 = vector.broadcast %mul3A : f32 to vector<2048x128xf32>
    %mul3A_13 = arith.mulf %get3A_3, %mul3A_12 : vector<2048x128xf32>
    %add3A = arith.addf %get3A_11, %mul3A_13 : vector<2048x128xf32>
    %get3A_14 = arith.constant 0 : index
    %get3A_15 = arith.constant 0 : index
    %get3A_16 = vector.load %arg2[%get3A_14, %get3A_15] : memref<2048x48xf32, #tpu.memory_space<vmem>>, vector<2048x16xf32>
    %slice3A = vector.extract_strided_slice %get3A_8 {offsets = [0, 0], sizes = [2048, 16], strides = [1, 1]} : vector<2048x128xf32> to vector<2048x16xf32>
    %mul3A_17 = arith.constant 1.000000e-01 : f32
    %mul3A_18 = vector.broadcast %mul3A_17 : f32 to vector<2048x16xf32>
    %mul3A_19 = arith.mulf %slice3A, %mul3A_18 : vector<2048x16xf32>
    %add3A_20 = arith.addf %get3A_16, %mul3A_19 : vector<2048x16xf32>
    %get3A_21 = arith.constant 0 : index
    %get3A_22 = arith.constant 16 : index
    %get3A_23 = vector.load %arg2[%get3A_21, %get3A_22] : memref<2048x48xf32, #tpu.memory_space<vmem>>, vector<2048x16xf32>
    %slice3A_24 = vector.extract_strided_slice %get3A_8 {offsets = [0, 16], sizes = [2048, 16], strides = [1, 1]} : vector<2048x128xf32> to vector<2048x16xf32>
    %mul3A_25 = arith.constant 1.000000e-01 : f32
    %mul3A_26 = vector.broadcast %mul3A_25 : f32 to vector<2048x16xf32>
    %mul3A_27 = arith.mulf %slice3A_24, %mul3A_26 : vector<2048x16xf32>
    %add3A_28 = arith.addf %get3A_23, %mul3A_27 : vector<2048x16xf32>
    %get3A_29 = arith.constant 0 : index
    %get3A_30 = arith.constant 32 : index
    %get3A_31 = vector.load %arg2[%get3A_29, %get3A_30] : memref<2048x48xf32, #tpu.memory_space<vmem>>, vector<2048x16xf32>
    %slice3A_32 = vector.extract_strided_slice %get3A_8 {offsets = [0, 32], sizes = [2048, 16], strides = [1, 1]} : vector<2048x128xf32> to vector<2048x16xf32>
    %mul3A_33 = arith.constant 1.000000e-01 : f32
    %mul3A_34 = vector.broadcast %mul3A_33 : f32 to vector<2048x16xf32>
    %mul3A_35 = arith.mulf %slice3A_32, %mul3A_34 : vector<2048x16xf32>
    %add3A_36 = arith.addf %get3A_31, %mul3A_35 : vector<2048x16xf32>
    %reduce_sum3A = arith.constant dense<0.000000e+00> : vector<2048xf32>
    %reduce_sum3A_37 = vector.multi_reduction <add>, %add3A, %reduce_sum3A [1] : vector<2048x128xf32> to vector<2048xf32>
    %broadcast_in_dim3A = vector.shape_cast %reduce_sum3A_37 : vector<2048xf32> to vector<2048x1xf32>
    %div3A = arith.constant 1.280000e+02 : f32
    %div3A_38 = vector.broadcast %div3A : f32 to vector<2048x1xf32>
    %div3A_39 = arith.divf %broadcast_in_dim3A, %div3A_38 : vector<2048x1xf32>
    %sub3A = vector.broadcast %div3A_39 : vector<2048x1xf32> to vector<2048x128xf32>
    %sub3A_40 = arith.subf %add3A, %sub3A : vector<2048x128xf32>
    %mul3A_41 = arith.mulf %sub3A_40, %sub3A_40 : vector<2048x128xf32>
    %reduce_sum3A_42 = arith.constant dense<0.000000e+00> : vector<2048xf32>
    %reduce_sum3A_43 = vector.multi_reduction <add>, %mul3A_41, %reduce_sum3A_42 [1] : vector<2048x128xf32> to vector<2048xf32>
    %broadcast_in_dim3A_44 = vector.shape_cast %reduce_sum3A_43 : vector<2048xf32> to vector<2048x1xf32>
    %div3A_45 = arith.constant 1.280000e+02 : f32
    %div3A_46 = vector.broadcast %div3A_45 : f32 to vector<2048x1xf32>
    %div3A_47 = arith.divf %broadcast_in_dim3A_44, %div3A_46 : vector<2048x1xf32>
    %add3A_48 = arith.constant 9.99999974E-6 : f32
    %add3A_49 = vector.broadcast %add3A_48 : f32 to vector<2048x1xf32>
    %add3A_50 = arith.addf %div3A_47, %add3A_49 : vector<2048x1xf32>
    %sqrt3A = math.sqrt %add3A_50 : vector<2048x1xf32>
    %div3A_51 = vector.broadcast %sqrt3A : vector<2048x1xf32> to vector<2048x128xf32>
    %div3A_52 = arith.divf %sub3A_40, %div3A_51 : vector<2048x128xf32>
    %get3A_53 = arith.constant 0 : index
    %get3A_54 = arith.constant 0 : index
    %get3A_55 = vector.load %arg4[%get3A_53, %get3A_54] : memref<1x128xf32, #tpu.memory_space<vmem>>, vector<1x128xf32>
    %mul3A_56 = vector.broadcast %get3A_55 : vector<1x128xf32> to vector<2048x128xf32>
    %mul3A_57 = arith.mulf %div3A_52, %mul3A_56 : vector<2048x128xf32>
    %get3A_58 = arith.constant 0 : index
    %get3A_59 = arith.constant 0 : index
    %get3A_60 = vector.load %arg5[%get3A_58, %get3A_59] : memref<1x128xf32, #tpu.memory_space<vmem>>, vector<1x128xf32>
    %add3A_61 = vector.broadcast %get3A_60 : vector<1x128xf32> to vector<2048x128xf32>
    %add3A_62 = arith.addf %mul3A_57, %add3A_61 : vector<2048x128xf32>
    %mul3A_63 = arith.mulf %add3A_20, %add3A_20 : vector<2048x16xf32>
    %mul3A_64 = arith.mulf %add3A_28, %add3A_28 : vector<2048x16xf32>
    %add3A_65 = arith.addf %mul3A_63, %mul3A_64 : vector<2048x16xf32>
    %mul3A_66 = arith.mulf %add3A_36, %add3A_36 : vector<2048x16xf32>
    %add3A_67 = arith.addf %add3A_65, %mul3A_66 : vector<2048x16xf32>
    %max3A = arith.constant 9.99999993E-9 : f32
    %max3A_68 = vector.broadcast %max3A : f32 to vector<2048x16xf32>
    %max3A_69 = arith.maximumf %add3A_67, %max3A_68 : vector<2048x16xf32>
    %reduce_sum3A_70 = arith.constant dense<0.000000e+00> : vector<2048xf32>
    %reduce_sum3A_71 = vector.multi_reduction <add>, %max3A_69, %reduce_sum3A_70 [1] : vector<2048x16xf32> to vector<2048xf32>
    %broadcast_in_dim3A_72 = vector.shape_cast %reduce_sum3A_71 : vector<2048xf32> to vector<2048x1xf32>
    %div3A_73 = arith.constant 1.600000e+01 : f32
    %div3A_74 = vector.broadcast %div3A_73 : f32 to vector<2048x1xf32>
    %div3A_75 = arith.divf %broadcast_in_dim3A_72, %div3A_74 : vector<2048x1xf32>
    %sqrt3A_76 = math.sqrt %div3A_75 : vector<2048x1xf32>
    %div3A_77 = vector.broadcast %sqrt3A_76 : vector<2048x1xf32> to vector<2048x16xf32>
    %div3A_78 = arith.divf %add3A_20, %div3A_77 : vector<2048x16xf32>
    %div3A_79 = vector.broadcast %sqrt3A_76 : vector<2048x1xf32> to vector<2048x16xf32>
    %div3A_80 = arith.divf %add3A_28, %div3A_79 : vector<2048x16xf32>
    %div3A_81 = vector.broadcast %sqrt3A_76 : vector<2048x1xf32> to vector<2048x16xf32>
    %div3A_82 = arith.divf %add3A_36, %div3A_81 : vector<2048x16xf32>
    %get3A_83 = arith.constant 0 : index
    %get3A_84 = arith.constant 0 : index
    %get3A_85 = vector.load %arg6[%get3A_83, %get3A_84] : memref<16x16xf32, #tpu.memory_space<vmem>>, vector<16x16xf32>
    %get3A_86 = arith.constant 0 : index
    %get3A_87 = arith.constant 0 : index
    %get3A_88 = vector.load %arg7[%get3A_86, %get3A_87] : memref<16x16xf32, #tpu.memory_space<vmem>>, vector<16x16xf32>
    %dot_general3A = arith.constant dense<0.000000e+00> : vector<2048x16xf32>
    %dot_general3A_89 = tpu.matmul %div3A_78, %get3A_85, %dot_general3A {dimension_numbers = #tpu.dot_dimension_numbers<[1], [0], [0], [1], [0, 0, 1, 1], [], []>, transpose_lhs_hint = false} : vector<2048x16xf32>, vector<16x16xf32>, vector<2048x16xf32> -> vector<2048x16xf32>
    %dot_general3A_90 = arith.constant dense<0.000000e+00> : vector<2048x16xf32>
    %dot_general3A_91 = tpu.matmul %dot_general3A_89, %get3A_88, %dot_general3A_90 {dimension_numbers = #tpu.dot_dimension_numbers<[1], [0], [0], [1], [0, 0, 1, 1], [], []>, transpose_lhs_hint = false} : vector<2048x16xf32>, vector<16x16xf32>, vector<2048x16xf32> -> vector<2048x16xf32>
    %mul3A_92 = arith.mulf %dot_general3A_89, %dot_general3A_89 : vector<2048x16xf32>
    %dot_general3A_93 = arith.constant dense<0.000000e+00> : vector<2048x16xf32>
    %dot_general3A_94 = tpu.matmul %div3A_80, %get3A_85, %dot_general3A_93 {dimension_numbers = #tpu.dot_dimension_numbers<[1], [0], [0], [1], [0, 0, 1, 1], [], []>, transpose_lhs_hint = false} : vector<2048x16xf32>, vector<16x16xf32>, vector<2048x16xf32> -> vector<2048x16xf32>
    %dot_general3A_95 = arith.constant dense<0.000000e+00> : vector<2048x16xf32>
    %dot_general3A_96 = tpu.matmul %dot_general3A_94, %get3A_88, %dot_general3A_95 {dimension_numbers = #tpu.dot_dimension_numbers<[1], [0], [0], [1], [0, 0, 1, 1], [], []>, transpose_lhs_hint = false} : vector<2048x16xf32>, vector<16x16xf32>, vector<2048x16xf32> -> vector<2048x16xf32>
    %mul3A_97 = arith.mulf %dot_general3A_94, %dot_general3A_94 : vector<2048x16xf32>
    %add3A_98 = arith.addf %mul3A_92, %mul3A_97 : vector<2048x16xf32>
    %dot_general3A_99 = arith.constant dense<0.000000e+00> : vector<2048x16xf32>
    %dot_general3A_100 = tpu.matmul %div3A_82, %get3A_85, %dot_general3A_99 {dimension_numbers = #tpu.dot_dimension_numbers<[1], [0], [0], [1], [0, 0, 1, 1], [], []>, transpose_lhs_hint = false} : vector<2048x16xf32>, vector<16x16xf32>, vector<2048x16xf32> -> vector<2048x16xf32>
    %dot_general3A_101 = arith.constant dense<0.000000e+00> : vector<2048x16xf32>
    %dot_general3A_102 = tpu.matmul %dot_general3A_100, %get3A_88, %dot_general3A_101 {dimension_numbers = #tpu.dot_dimension_numbers<[1], [0], [0], [1], [0, 0, 1, 1], [], []>, transpose_lhs_hint = false} : vector<2048x16xf32>, vector<16x16xf32>, vector<2048x16xf32> -> vector<2048x16xf32>
    %mul3A_103 = arith.mulf %dot_general3A_100, %dot_general3A_100 : vector<2048x16xf32>
    %add3A_104 = arith.addf %add3A_98, %mul3A_103 : vector<2048x16xf32>
    %max3A_105 = arith.constant 9.99999993E-9 : f32
    %max3A_106 = vector.broadcast %max3A_105 : f32 to vector<2048x16xf32>
    %max3A_107 = arith.maximumf %add3A_104, %max3A_106 : vector<2048x16xf32>
    %sqrt3A_108 = math.sqrt %max3A_107 : vector<2048x16xf32>
    %get3A_109 = arith.constant 0 : index
    %get3A_110 = arith.constant 0 : index
    %get3A_111 = vector.load %arg8[%get3A_109, %get3A_110] : memref<128x128xf32, #tpu.memory_space<vmem>>, vector<128x128xf32>
    %dot_general3A_112 = arith.constant dense<0.000000e+00> : vector<2048x128xf32>
    %dot_general3A_113 = tpu.matmul %add3A_62, %get3A_111, %dot_general3A_112 {dimension_numbers = #tpu.dot_dimension_numbers<[1], [0], [0], [1], [0, 0, 1, 1], [], []>, transpose_lhs_hint = false} : vector<2048x128xf32>, vector<128x128xf32>, vector<2048x128xf32> -> vector<2048x128xf32>
    %get3A_114 = arith.constant 0 : index
    %get3A_115 = arith.constant 0 : index
    %get3A_116 = vector.load %arg9[%get3A_114, %get3A_115] : memref<16x128xf32, #tpu.memory_space<vmem>>, vector<16x128xf32>
    %dot_general3A_117 = arith.constant dense<0.000000e+00> : vector<2048x128xf32>
    %dot_general3A_118 = tpu.matmul %sqrt3A_108, %get3A_116, %dot_general3A_117 {dimension_numbers = #tpu.dot_dimension_numbers<[1], [0], [0], [1], [0, 0, 1, 1], [], []>, transpose_lhs_hint = false} : vector<2048x16xf32>, vector<16x128xf32>, vector<2048x128xf32> -> vector<2048x128xf32>
    %add3A_119 = arith.addf %dot_general3A_113, %dot_general3A_118 : vector<2048x128xf32>
    %get3A_120 = arith.constant 0 : index
    %get3A_121 = arith.constant 0 : index
    %get3A_122 = vector.load %arg10[%get3A_120, %get3A_121] : memref<1x128xf32, #tpu.memory_space<vmem>>, vector<1x128xf32>
    %add3A_123 = vector.broadcast %get3A_122 : vector<1x128xf32> to vector<2048x128xf32>
    %add3A_124 = arith.addf %add3A_119, %add3A_123 : vector<2048x128xf32>
    %logistic3A = arith.negf %add3A_124 : vector<2048x128xf32>
    %logistic3A_125 = math.exp %logistic3A : vector<2048x128xf32>
    %logistic3A_126 = arith.constant 1.000000e+00 : f32
    %logistic3A_127 = vector.broadcast %logistic3A_126 : f32 to vector<2048x128xf32>
    %logistic3A_128 = arith.addf %logistic3A_127, %logistic3A_125 : vector<2048x128xf32>
    %logistic3A_129 = arith.divf %logistic3A_127, %logistic3A_128 : vector<2048x128xf32>
    %mul3A_130 = arith.mulf %add3A_124, %logistic3A_129 : vector<2048x128xf32>
    %get3A_131 = arith.constant 0 : index
    %get3A_132 = arith.constant 0 : index
    %get3A_133 = vector.load %arg11[%get3A_131, %get3A_132] : memref<128x16xf32, #tpu.memory_space<vmem>>, vector<128x16xf32>
    %dot_general3A_134 = arith.constant dense<0.000000e+00> : vector<2048x16xf32>
    %dot_general3A_135 = tpu.matmul %mul3A_130, %get3A_133, %dot_general3A_134 {dimension_numbers = #tpu.dot_dimension_numbers<[1], [0], [0], [1], [0, 0, 1, 1], [], []>, transpose_lhs_hint = false} : vector<2048x128xf32>, vector<128x16xf32>, vector<2048x16xf32> -> vector<2048x16xf32>
    %get3A_136 = arith.constant 0 : index
    %get3A_137 = arith.constant 0 : index
    %get3A_138 = vector.load %arg12[%get3A_136, %get3A_137] : memref<1x16xf32, #tpu.memory_space<vmem>>, vector<1x16xf32>
    %add3A_139 = vector.broadcast %get3A_138 : vector<1x16xf32> to vector<2048x16xf32>
    %add3A_140 = arith.addf %dot_general3A_135, %add3A_139 : vector<2048x16xf32>
    %logistic3A_141 = arith.negf %add3A_140 : vector<2048x16xf32>
    %logistic3A_142 = math.exp %logistic3A_141 : vector<2048x16xf32>
    %logistic3A_143 = arith.constant 1.000000e+00 : f32
    %logistic3A_144 = vector.broadcast %logistic3A_143 : f32 to vector<2048x16xf32>
    %logistic3A_145 = arith.addf %logistic3A_144, %logistic3A_142 : vector<2048x16xf32>
    %logistic3A_146 = arith.divf %logistic3A_144, %logistic3A_145 : vector<2048x16xf32>
    %add3A_147 = arith.addf %add3A_62, %mul3A_130 : vector<2048x128xf32>
    %mul3A_148 = arith.mulf %logistic3A_146, %dot_general3A_91 : vector<2048x16xf32>
    %add3A_149 = arith.addf %div3A_78, %mul3A_148 : vector<2048x16xf32>
    %mul3A_150 = arith.mulf %logistic3A_146, %dot_general3A_96 : vector<2048x16xf32>
    %add3A_151 = arith.addf %div3A_80, %mul3A_150 : vector<2048x16xf32>
    %mul3A_152 = arith.mulf %logistic3A_146, %dot_general3A_102 : vector<2048x16xf32>
    %add3A_153 = arith.addf %div3A_82, %mul3A_152 : vector<2048x16xf32>
    %reduce_sum3A_154 = arith.constant dense<0.000000e+00> : vector<2048xf32>
    %reduce_sum3A_155 = vector.multi_reduction <add>, %add3A_147, %reduce_sum3A_154 [1] : vector<2048x128xf32> to vector<2048xf32>
    %broadcast_in_dim3A_156 = vector.shape_cast %reduce_sum3A_155 : vector<2048xf32> to vector<2048x1xf32>
    %div3A_157 = arith.constant 1.280000e+02 : f32
    %div3A_158 = vector.broadcast %div3A_157 : f32 to vector<2048x1xf32>
    %div3A_159 = arith.divf %broadcast_in_dim3A_156, %div3A_158 : vector<2048x1xf32>
    %sub3A_160 = vector.broadcast %div3A_159 : vector<2048x1xf32> to vector<2048x128xf32>
    %sub3A_161 = arith.subf %add3A_147, %sub3A_160 : vector<2048x128xf32>
    %mul3A_162 = arith.mulf %sub3A_161, %sub3A_161 : vector<2048x128xf32>
    %reduce_sum3A_163 = arith.constant dense<0.000000e+00> : vector<2048xf32>
    %reduce_sum3A_164 = vector.multi_reduction <add>, %mul3A_162, %reduce_sum3A_163 [1] : vector<2048x128xf32> to vector<2048xf32>
    %broadcast_in_dim3A_165 = vector.shape_cast %reduce_sum3A_164 : vector<2048xf32> to vector<2048x1xf32>
    %div3A_166 = arith.constant 1.280000e+02 : f32
    %div3A_167 = vector.broadcast %div3A_166 : f32 to vector<2048x1xf32>
    %div3A_168 = arith.divf %broadcast_in_dim3A_165, %div3A_167 : vector<2048x1xf32>
    %add3A_169 = arith.constant 9.99999974E-6 : f32
    %add3A_170 = vector.broadcast %add3A_169 : f32 to vector<2048x1xf32>
    %add3A_171 = arith.addf %div3A_168, %add3A_170 : vector<2048x1xf32>
    %sqrt3A_172 = math.sqrt %add3A_171 : vector<2048x1xf32>
    %div3A_173 = vector.broadcast %sqrt3A_172 : vector<2048x1xf32> to vector<2048x128xf32>
    %div3A_174 = arith.divf %sub3A_161, %div3A_173 : vector<2048x128xf32>
    %get3A_175 = arith.constant 0 : index
    %get3A_176 = arith.constant 0 : index
    %get3A_177 = vector.load %arg13[%get3A_175, %get3A_176] : memref<1x128xf32, #tpu.memory_space<vmem>>, vector<1x128xf32>
    %mul3A_178 = vector.broadcast %get3A_177 : vector<1x128xf32> to vector<2048x128xf32>
    %mul3A_179 = arith.mulf %div3A_174, %mul3A_178 : vector<2048x128xf32>
    %get3A_180 = arith.constant 0 : index
    %get3A_181 = arith.constant 0 : index
    %get3A_182 = vector.load %arg14[%get3A_180, %get3A_181] : memref<1x128xf32, #tpu.memory_space<vmem>>, vector<1x128xf32>
    %add3A_183 = vector.broadcast %get3A_182 : vector<1x128xf32> to vector<2048x128xf32>
    %add3A_184 = arith.addf %mul3A_179, %add3A_183 : vector<2048x128xf32>
    %mul3A_185 = arith.mulf %add3A_149, %add3A_149 : vector<2048x16xf32>
    %mul3A_186 = arith.mulf %add3A_151, %add3A_151 : vector<2048x16xf32>
    %add3A_187 = arith.addf %mul3A_185, %mul3A_186 : vector<2048x16xf32>
    %mul3A_188 = arith.mulf %add3A_153, %add3A_153 : vector<2048x16xf32>
    %add3A_189 = arith.addf %add3A_187, %mul3A_188 : vector<2048x16xf32>
    %max3A_190 = arith.constant 9.99999993E-9 : f32
    %max3A_191 = vector.broadcast %max3A_190 : f32 to vector<2048x16xf32>
    %max3A_192 = arith.maximumf %add3A_189, %max3A_191 : vector<2048x16xf32>
    %reduce_sum3A_193 = arith.constant dense<0.000000e+00> : vector<2048xf32>
    %reduce_sum3A_194 = vector.multi_reduction <add>, %max3A_192, %reduce_sum3A_193 [1] : vector<2048x16xf32> to vector<2048xf32>
    %broadcast_in_dim3A_195 = vector.shape_cast %reduce_sum3A_194 : vector<2048xf32> to vector<2048x1xf32>
    %div3A_196 = arith.constant 1.600000e+01 : f32
    %div3A_197 = vector.broadcast %div3A_196 : f32 to vector<2048x1xf32>
    %div3A_198 = arith.divf %broadcast_in_dim3A_195, %div3A_197 : vector<2048x1xf32>
    %sqrt3A_199 = math.sqrt %div3A_198 : vector<2048x1xf32>
    %div3A_200 = vector.broadcast %sqrt3A_199 : vector<2048x1xf32> to vector<2048x16xf32>
    %div3A_201 = arith.divf %add3A_149, %div3A_200 : vector<2048x16xf32>
    %div3A_202 = vector.broadcast %sqrt3A_199 : vector<2048x1xf32> to vector<2048x16xf32>
    %div3A_203 = arith.divf %add3A_151, %div3A_202 : vector<2048x16xf32>
    %div3A_204 = vector.broadcast %sqrt3A_199 : vector<2048x1xf32> to vector<2048x16xf32>
    %div3A_205 = arith.divf %add3A_153, %div3A_204 : vector<2048x16xf32>
    %swap3A = arith.constant 0 : index
    %swap3A_206 = arith.constant 0 : index
    %swap3A_207 = vector.load %arg15[%swap3A, %swap3A_206] : memref<2048x128xf32, #tpu.memory_space<vmem>>, vector<2048x128xf32>
    tpu.vector_store %arg15[%swap3A, %swap3A_206], %add3A_184 {strides = array<i32>} : memref<2048x128xf32, #tpu.memory_space<vmem>>, vector<2048x128xf32>,
    %swap3A_208 = arith.constant 0 : index
    %swap3A_209 = arith.constant 0 : index
    %swap3A_210 = vector.load %arg16[%swap3A_208, %swap3A_209] : memref<2048x48xf32, #tpu.memory_space<vmem>>, vector<2048x16xf32>
    tpu.vector_store %arg16[%swap3A_208, %swap3A_209], %div3A_201 {strides = array<i32>} : memref<2048x48xf32, #tpu.memory_space<vmem>>, vector<2048x16xf32>,
    %swap3A_211 = arith.constant 0 : index
    %swap3A_212 = arith.constant 16 : index
    %swap3A_213 = vector.load %arg16[%swap3A_211, %swap3A_212] : memref<2048x48xf32, #tpu.memory_space<vmem>>, vector<2048x16xf32>
    tpu.vector_store %arg16[%swap3A_211, %swap3A_212], %div3A_203 {strides = array<i32>} : memref<2048x48xf32, #tpu.memory_space<vmem>>, vector<2048x16xf32>,
    %swap3A_214 = arith.constant 0 : index
    %swap3A_215 = arith.constant 32 : index
    %swap3A_216 = vector.load %arg16[%swap3A_214, %swap3A_215] : memref<2048x48xf32, #tpu.memory_space<vmem>>, vector<2048x16xf32>
    tpu.vector_store %arg16[%swap3A_214, %swap3A_215], %div3A_205 {strides = array<i32>} : memref<2048x48xf32, #tpu.memory_space<vmem>>, vector<2048x16xf32>,
    return
  }
  func.func @transform_0(%arg0: i32) -> (i32, i32) {
    %c0_i32 = arith.constant 0 : i32
    %c0_i32_0 = arith.constant 0 : i32
    return %arg0, %c0_i32 : i32, i32
  }
  func.func @transform_1(%arg0: i32) -> (i32, i32) {
    %c0_i32 = arith.constant 0 : i32
    %c0_i32_0 = arith.constant 0 : i32
    return %arg0, %c0_i32 : i32, i32
  }
  func.func @transform_2(%arg0: i32) -> (i32, i32, i32) {
    %c0_i32 = arith.constant 0 : i32
    %c0_i32_0 = arith.constant 0 : i32
    %c0_i32_1 = arith.constant 0 : i32
    return %c0_i32, %arg0, %c0_i32_0 : i32, i32, i32
  }
  func.func @transform_3(%arg0: i32) -> (i32, i32) {
    %c0_i32 = arith.constant 0 : i32
    %c0_i32_0 = arith.constant 0 : i32
    %c0_i32_1 = arith.constant 0 : i32
    return %c0_i32, %c0_i32_0 : i32, i32
  }
  func.func @transform_4(%arg0: i32) -> (i32, i32) {
    %c0_i32 = arith.constant 0 : i32
    %c0_i32_0 = arith.constant 0 : i32
    %c0_i32_1 = arith.constant 0 : i32
    return %c0_i32, %c0_i32_0 : i32, i32
  }
  func.func @transform_5(%arg0: i32) -> (i32, i32) {
    %c0_i32 = arith.constant 0 : i32
    %c0_i32_0 = arith.constant 0 : i32
    %c0_i32_1 = arith.constant 0 : i32
    return %c0_i32, %c0_i32_0 : i32, i32
  }
  func.func @transform_6(%arg0: i32) -> (i32, i32) {
    %c0_i32 = arith.constant 0 : i32
    %c0_i32_0 = arith.constant 0 : i32
    %c0_i32_1 = arith.constant 0 : i32
    return %c0_i32, %c0_i32_0 : i32, i32
  }
  func.func @transform_7(%arg0: i32) -> (i32, i32) {
    %c0_i32 = arith.constant 0 : i32
    %c0_i32_0 = arith.constant 0 : i32
    %c0_i32_1 = arith.constant 0 : i32
    return %c0_i32, %c0_i32_0 : i32, i32
  }
  func.func @transform_8(%arg0: i32) -> (i32, i32) {
    %c0_i32 = arith.constant 0 : i32
    %c0_i32_0 = arith.constant 0 : i32
    %c0_i32_1 = arith.constant 0 : i32
    return %c0_i32, %c0_i32_0 : i32, i32
  }
  func.func @transform_9(%arg0: i32) -> (i32, i32) {
    %c0_i32 = arith.constant 0 : i32
    %c0_i32_0 = arith.constant 0 : i32
    %c0_i32_1 = arith.constant 0 : i32
    return %c0_i32, %c0_i32_0 : i32, i32
  }
  func.func @transform_10(%arg0: i32) -> (i32, i32) {
    %c0_i32 = arith.constant 0 : i32
    %c0_i32_0 = arith.constant 0 : i32
    %c0_i32_1 = arith.constant 0 : i32
    return %c0_i32, %c0_i32_0 : i32, i32
  }
  func.func @transform_11(%arg0: i32) -> (i32, i32) {
    %c0_i32 = arith.constant 0 : i32
    %c0_i32_0 = arith.constant 0 : i32
    %c0_i32_1 = arith.constant 0 : i32
    return %c0_i32, %c0_i32_0 : i32, i32
  }
  func.func @transform_12(%arg0: i32) -> (i32, i32) {
    %c0_i32 = arith.constant 0 : i32
    %c0_i32_0 = arith.constant 0 : i32
    %c0_i32_1 = arith.constant 0 : i32
    return %c0_i32, %c0_i32_0 : i32, i32
  }
  func.func @transform_13(%arg0: i32) -> (i32, i32) {
    %c0_i32 = arith.constant 0 : i32
    %c0_i32_0 = arith.constant 0 : i32
    %c0_i32_1 = arith.constant 0 : i32
    return %c0_i32, %c0_i32_0 : i32, i32
  }
  func.func @transform_14(%arg0: i32) -> (i32, i32) {
    %c0_i32 = arith.constant 0 : i32
    %c0_i32_0 = arith.constant 0 : i32
    return %arg0, %c0_i32 : i32, i32
  }
  func.func @transform_15(%arg0: i32) -> (i32, i32) {
    %c0_i32 = arith.constant 0 : i32
    %c0_i32_0 = arith.constant 0 : i32
    return %arg0, %c0_i32 : i32, i32
  }
}

</mosaic_0001>

<sc_bundles>
// kernel: kernel.6.cloned.1.call-start
scs
__scs_entry_jumppad:
0x0: {  	(pc) =	sbr.rel $0x88, $3  }
0x1: {  	(tag) =	ssettag $0x0;
	lr =	simm.s32 $0x1  }
0x2: {  	[smem:$0x3F8D] =	sst lr;
	_ =	strace $0xD0000000  }
0x3: {  	_ = 	snop  }
0x4: {  	_ = 	snop  }
0x5: {  	_ = 	snop  }
0x6: {  	_ = 	snop  }
0x7: {  	_ = 	snop  }
__scs_overlays_trampoline_lowered:
0x8: {  	[smem:$0x3F9C] =	sst s0  }
0x9: {  	[smem:$0x3F9D] =	sst s1  }
0xa: {  	[smem:$0x3F9E] =	sst s2  }
0xb: {  	[smem:$0x3F9F] =	sst s3  }
0xc: {  	[smem:$0x3FA0] =	sst s4  }
0xd: {  	[smem:$0x3FA1] =	sst s5  }
0xe: {  	[smem:$0x3FA2] =	sst s6  }
0xf: {  	[smem:$0x3FA3] =	sst s7  }
0x10: {  	[smem:$0x3FA4] =	sst s8  }
0x11: {  	[smem:$0x3FA5] =	sst s9;
	s0 =	simm.s32 @!p0 $0x0  }
0x12: {  	s1 =	sld [smem:$0x3F8B];
	s0 =	simm.s32 @p0 $0x1  }
0x13: {  	[smem:$0x3FA6] =	sst s0;
	s0 =	simm.s32 @!p1 $0x0  }
0x14: {  	s2 =	sld [smem:$0x3F8A];
	s0 =	simm.s32 @p1 $0x1  }
0x15: {  	[smem:$0x3FA7] =	sst s0;
	s0 =	simm.s32 @!p2 $0x0  }
0x16: {  	s3 =	sld [smem:$0x3FDB];
	s0 =	simm.s32 @p2 $0x1  }
0x17: {  	s4 =	simm.s32 $0x1BF5;
	[smem:$0x3FA9] =	sst s0  }
0x18: {  	s0 =	sld [smem:$0x3F8C];
	_ =	swait.ge [sflag:s4], $0x0  }
0x19: {  	s7 =	sld [smem:$0x3F8D]  }
0x1a: {  	s8 =	sadd.s32 $0xFFFFE003, lr  }
0x1b: {  	s9 =	sadd.s32 $0xFFFFFEF7, lr;
	s5 =	simm.s32 $0xFFFFFFFF;
	p2 =	slt.u32 s8, $0xFFFFF086  }
0x1c: {  	p1 =	slt.u32 s9, $0xF7A;
	s5 =	simm.s32 @!p2 $0x0  }
0x1d: {  	s5 =	simm.s32 @p1 $0x1;
	p0 =	seq.s32 s7, s2  }
0x1e: {  	s7 =	smul.u32 @!p0 $0xF7A, s2;
	p2 =	seq.s32 @!p0 s5, $0x0  }
0x1f: {  	s9 =	smul.u32 $0xF7A, s1;
	s8 =	simm.s32 @!p0 $0x1BF5;
	p2 =	por !p2, p0  }
0x20: {  	[sflag:s8] =	ssyncset.s32 @!p0 $0xFFFFF086;
	s6 =	sadd.s32 @!p0 s3, s7;
	s7 =	simm.s32 @!p0 $0x108  }
0x21: {  	s3 =	sadd.s32 s3, s9;
	s6 =	sadd.s32 @!p0 $0x88, s6;
	s7 =	simm.s32 @p2 $0x1082  }
0x22: {  	[simem:s7], [sflag:s8] =	dma.local @!p0 [hbm:s6], $0xF7A  }
0x23: {  	s9 =	sor.u32 $0xD0000000, s2;
	s6 =	simm.s32 $0x108;
	_ =	swait.ge @!p0 [sflag:s8], $0x0  }
0x24: {  	s3 =	sadd.s32 $0x88, s3;
	s6 =	simm.s32 @!p1 $0x1082;
	[sflag:s4] =	ssyncset.s32 $0xFFFFF086  }
0x25: {  	[simem:s6], [sflag:s4] =	dma.local [hbm:s3], $0xF7A  }
0x26: {  	[smem:$0x3F8D] =	sst s1;
	(tag) =	ssettag s2;
	_ =	strace s9  }
0x27: {  	s1 =	sld [smem:$0x3F9D]  }
0x28: {  	s2 =	sld [smem:$0x3F9E]  }
0x29: {  	s4 =	sld [smem:$0x3FA0]  }
0x2a: {  	p0 =	seq.s32 s5, $0x0;
	s5 =	sld [smem:$0x3FA1]  }
0x2b: {  	s6 =	sld [smem:$0x3FA2]  }
0x2c: {  	s7 =	sld [smem:$0x3FA3]  }
0x2d: {  	s3 =	simm.s32 $0x108;
	s8 =	sld [smem:$0x3FA4]  }
0x2e: {  	s3 =	simm.s32 @!p0 $0x1082;
	s9 =	sld [smem:$0x3FA5]  }
0x2f: {  	lr =	sadd.s32 s0, s3;
	s0 =	sld [smem:$0x3F9C]  }
0x30: {  	s3 =	sld [smem:$0x3F9F]  }
0x31: {  	[smem:$0x3FA8] =	sst s10  }
0x32: {  	s10 =	sld [smem:$0x3FA6];
	_ =	sdelay $0x3  }
0x33: {  	p0 =	seq.s32 s10, $0x1;
	s10 =	sld [smem:$0x3FA8];
	_ =	sdelay $0x3  }
0x34: {  	[smem:$0x3FA8] =	sst s10  }
0x35: {  	s10 =	sld [smem:$0x3FA7];
	_ =	sdelay $0x3  }
0x36: {  	p1 =	seq.s32 s10, $0x1;
	s10 =	sld [smem:$0x3FA8];
	_ =	sdelay $0x3  }
0x37: {  	[smem:$0x3FA8] =	sst s10  }
0x38: {  	s10 =	sld [smem:$0x3FA9]  }
0x39: {  	_ = 	snop;
	(pc) =	sbr.ind lr, $3  }
0x3a: {  	_ = 	snop  }
0x3b: {  	_ = 	snop  }
0x3c: {  	p2 =	seq.s32 s10, $0x1;
	s10 =	sld [smem:$0x3FA8]  }
0x3d: {  	_ =	shalt  }
0x3e: {  	_ =	shalt  }
0x3f: {  	_ =	shalt  }
0x40: {  	_ =	shalt  }
0x41: {  	_ =	shalt  }
0x42: {  	_ =	shalt  }
0x43: {  	_ =	shalt  }
0x44: {  	_ =	shalt  }
0x45: {  	_ =	shalt  }
0x46: {  	_ =	shalt  }
0x47: {  	_ =	shalt  }
0x48: {  	_ =	shalt  }
0x49: {  	_ =	shalt  }
0x4a: {  	_ =	shalt  }
0x4b: {  	_ =	shalt  }
0x4c: {  	_ =	shalt  }
0x4d: {  	_ =	shalt  }
0x4e: {  	_ =	shalt  }
0x4f: {  	_ =	shalt  }
0x50: {  	_ =	shalt  }
0x51: {  	_ =	shalt  }
0x52: {  	_ =	shalt  }
0x53: {  	_ =	shalt  }
0x54: {  	_ =	shalt  }
0x55: {  	_ =	shalt  }
0x56: {  	_ =	shalt  }
0x57: {  	_ =	shalt  }
0x58: {  	_ =	shalt  }
0x59: {  	_ =	shalt  }
0x5a: {  	_ =	shalt  }
0x5b: {  	_ =	shalt  }
0x5c: {  	_ =	shalt  }
0x5d: {  	_ =	shalt  }
0x5e: {  	_ =	shalt  }
0x5f: {  	_ =	shalt  }
0x60: {  	_ =	shalt  }
0x61: {  	_ =	shalt  }
0x62: {  	_ =	shalt  }
0x63: {  	_ =	shalt  }
0x64: {  	_ =	shalt  }
0x65: {  	_ =	shalt  }
0x66: {  	_ =	shalt  }
0x67: {  	_ =	shalt  }
0x68: {  	_ =	shalt  }
0x69: {  	_ =	shalt  }
0x6a: {  	_ =	shalt  }
0x6b: {  	_ =	shalt  }
0x6c: {  	_ =	shalt  }
0x6d: {  	_ =	shalt  }
0x6e: {  	_ =	shalt  }
0x6f: {  	_ =	shalt  }
0x70: {  	_ =	shalt  }
0x71: {  	_ =	shalt  }
0x72: {  	_ =	shalt  }
0x73: {  	_ =	shalt  }
0x74: {  	_ =	shalt  }
0x75: {  	_ =	shalt  }
0x76: {  	_ =	shalt  }
0x77: {  	_ =	shalt  }
0x78: {  	_ =	shalt  }
0x79: {  	_ =	shalt  }
0x7a: {  	_ =	shalt  }
0x7b: {  	_ =	shalt  }
0x7c: {  	_ =	shalt  }
0x7d: {  	_ =	shalt  }
0x7e: {  	_ =	shalt  }
0x7f: {  	_ =	shalt  }
0x80: {  	_ =	shalt  }
0x81: {  	_ =	shalt  }
0x82: {  	_ =	shalt  }
0x83: {  	_ =	shalt  }
0x84: {  	_ =	shalt  }
0x85: {  	_ =	shalt  }
0x86: {  	_ =	shalt  }
0x87: {  	_ =	shalt  }
.Lfunc_end0:
.L_simem_size_0:
called_computation_lowered:
.L_overlay_start_0:
0x88: {  	s2 =	sld [smem:$0x3FD9]  }
0x89: {  	s3 =	sld [smem:$0x3FFE];
	_ =	sdelay $0x1  }
0x8a: {  	s1 =	srdreg.scid  }
0x8b: {  	s0 =	sand.u32 $0x1, s1  }
0x8c: {  	s14 =	sshll.u32 s0, $0xA;
	s2 =	sadd.s32 s3, s2  }
0x8d: {  	s2 =	sadd.s32 s2, s14  }
0x8e: {  	[smem:$0x3FB4] =	sst s2  }
0x8f: {  	_ = 	snop  }
0x90: {  	s2 =	sld [smem:$0x3FD0];
	_ =	sdelay $0x2  }
0x91: {  	s4 =	simm.s32 $0xA;
	s5 =	simm.s32 $0x10;
	s15 =	sld [smem:$0x3FC9]  }
0x92: {  	[smem:s5], [sflag:s4] =	dma.local [hbm:s2], $0x1  }
0x93: {  	_ =	swait.eq [sflag:s4], $0x1  }
0x94: {  	[sflag:s4] =	ssyncset.done $0x0  }
0x95: {  	[sflag:s4] =	ssyncadd.s32 $0xFFFFFFFF  }
0x96: {  	s16 =	sld [smem:$0x11];
	(tm) =	ssettm $0x1  }
0x97: {  	s17 =	sld [smem:$0x3FFB];
	_ =	sdelay $0x3  }
0x98: {  	_ =	strace s17  }
0x99: {  	s4 =	sld [smem:$0x3FFC];
	_ =	sdelay $0x3  }
0x9a: {  	_ =	strace s4  }
0x9b: {  	s4 =	sld [smem:$0x3FFD];
	_ =	sdelay $0x3  }
0x9c: {  	_ =	strace s4  }
0x9d: {  	_ =	strace $0x8FFFFFFF  }
0x9e: {  	s18 =	sld [smem:$0x3FDB];
	_ =	sdelay $0x1  }
0x9f: {  	s19 =	simm.s32 $_scs_section_size  }
0xa0: {  	s6 =	simm.s32 $_size__tile_overlayer_lowered;
	s7 =	simm.s32 $_tile_overlayer_lowered  }
0xa1: {  	s22 =	simm.s32 $0x1BFF;
	s21 =	sshll.u32 s7, $0x1;
	s4 =	sadd.s32 s19, s18  }
0xa2: {  	s8 =	simm.s32 $0x0;
	s20 =	sshll.u32 s6, $0x1;
	s6 =	sadd.s32 s21, s4  }
0xa3: {  	[timem:s8], [sflag:s22] =	dma.local [hbm:s6], s20  }
0xa4: {  	_ =	swait.ge [sflag:s22], s20  }
0xa5: {  	s5 =	ssub.s32 $0x0, s20;
	[sflag:s22] =	ssyncset.done $0x0  }
0xa6: {  	[sflag:s22] =	ssyncadd.s32 s5;
	_ =	sdelay $0x1  }
0xa7: {  	s23 =	simm.s32 $0x1B8B  }
0xa8: {  	_ =	swait.ge [sflag:s23], $0x1  }
0xa9: {  	[sflag:s23] =	ssyncset.done $0x0  }
0xaa: {  	s25 =	simm.s32 $0x1B8E;
	s24 =	sld [smem:$0x3FFE];
	[sflag:s23] =	ssyncadd.s32 $0xFFFFFFFF  }
0xab: {  	s26 =	simm.s32 $execute0_lowered;
	[smem:$0x3FD2] =	sst s25  }
0xac: {  	s6 =	sshll.u32 s26, $0x1;
	_ =	strace $0x80000046;
	[dreg:$0x1] =	wrdreg $0xFFFFFFFF  }
0xad: {  	s28 =	simm.s32 $_size_execute0_lowered;
	s4 =	sadd.s32 s4, s6;
	[dreg:$0x0] =	wrdreg $0x0  }
0xae: {  	s6 =	sshll.u32 s28, $0x1;
	[dreg:$0x2] =	wrdreg s4  }
0xaf: {  	[dreg:$0x3] =	wrdreg s6  }
0xb0: {  	[dreg:$0x4] =	wrdreg $0xC0  }
0xb1: {  	_ =	task [dreg:s8], $0x5FFFF  }
0xb2: {  	[dreg:$0x1] =	wrdreg $0xFFFFFFFF  }
0xb3: {  	[dreg:$0x0] =	wrdreg $0x60  }
0xb4: {  	[dreg:$0x2] =	wrdreg s15  }
0xb5: {  	[dreg:$0x3] =	wrdreg s24  }
0xb6: {  	[dreg:$0x4] =	wrdreg s16  }
0xb7: {  	[dreg:$0x5] =	wrdreg $0x9  }
0xb8: {  	_ =	task.clear_ibuf [dreg:s8], $0x6FFFF;
	_ =	strace $0x90000046  }
0xb9: {  	s29 =	simm.s32 $0x9;
	_ =	strace $0x80000048  }
0xba: {  	_ =	swait.ge [sflag:s29], $0x1  }
0xbb: {  	[sflag:s29] =	ssyncadd.s32 $0xFFFFFFFF  }
0xbc: {  	_ =	strace $0x90000048  }
0xbd: {  	_ =	sfence  }
0xbe: {  	s30 =	sld [smem:$0x0];
	_ =	sdelay $0x2  }
0xbf: {  	s31 =	sshll.u32 s1, $0xD;
	s1 =	sshrl.u32 s1, $0x2  }
0xc0: {  	s3 =	sand.u32 $0x4000, s31;
	s1 =	sadd.s32 s1, s30  }
0xc1: {  	s0 =	sor.u32 s3, s0;
	s1 =	sshll.u32 s1, $0x11  }
0xc2: {  	s0 =	sor.u32 s1, s0  }
0xc3: {  	s0 =	sadd.s32 $0x8F2B, s0  }
0xc4: {  	[sflag:s0] =	ssyncadd.remote.s32 $0x1  }
0xc5: {  	_ =	sfence.sel $0xFFFF  }
0xc6: {  	[dreg:$0x0] =	wrdreg $0xFFFFFFFF;
	(pc) =	sbr.abs _section_cstart, $3  }
0xc7: {  	[dreg:$0x1] =	wrdreg $0xFFFFFFFF  }
0xc8: {  	_ =	task.clear_ibuf [dreg:s8], $0x2FFFF;
	_ =	strace $0x9FFFFFFF  }
0xc9: {  	(tm) =	ssettm $0x7FFFFFFF  }
tec
execute0_lowered:
.L_overlay_start_1:
0x0: {  	(tag) =	ssettag $0x1  }
0x1: {  	s1 =	rddreg [dreg:$0x0];
	s12 =	stileid.u32  }
0x2: {  	s0 =	rddreg [dreg:$0x1];
	s7 =	smul.u32 $0x2800, s12  }
0x3: {  	s2 =	srdreg.scid;
	s24 =	smul.u32 $0x5000, s12  }
0x4: {  	s3 =	rddreg [dreg:$0x2];
	s2 =	sand.u32 $0x1, s2;
	s28 =	smul.u32 $0x14000, s12  }
0x5: {  	s4 =	simm.s32 $0x0;
	s5 =	sshll.u32 s12, $0x1;
	s8 =	smul.u32 $0x1400, s2  }
0x6: {  	[smem:$0x7FF] =	sst s4;
	s9 =	sadd.s32 $0x1B0A00, s0;
	s26 =	smul.u32 $0x2800, s2  }
0x7: {  	s11 =	sadd.s32 $0x70A00, s0;
	s5 =	sor.u32 s2, s5;
	s13 =	smul.u32 $0xA000, s2  }
0x8: {  	_ =	strace $0x80000047;
	s10 =	ssub.s32 $0x2, s2;
	s30 =	smul.u32 $0x14000, s2  }
0x9: {  	[dreg:$0x4] =	wrdreg s11;
	s2 =	simm.s32 $0x2;
	s6 =	smul.u32 $0x1400, s5  }
0xa: {  	s5 =	sadd.s32 $0x3000, s0;
	s16 =	sshrl.u32 s10, $0x1;
	s7 =	sadd.s32 s8, s7  }
0xb: {  	s17 =	ssub.s32 s10, s16;
	s10 =	simm.s32 $0xE800;
	s6 =	sshrl.u32 s6, $0x3  }
0xc: {  	s8 =	sor.u32 $0x180, s7;
	s23 =	sor.u32 $0x100, s7;
	s7 =	sor.u32 $0x80, s7  }
0xd: {  	s6 =	sadd.s32 s6, s0;
	s0 =	sadd.s32 $0x20A00, s0;
	s19 =	sshrl.u32 s8, $0x7  }
0xe: {  	s25 =	sshrl.u32 s23, $0x8;
	s7 =	sshrl.u32 s7, $0x7;
	s23 =	simm.s32 $0x6  }
0xf: {  	[dreg:$0x5] =	wrdreg s0;
	s18 =	sadd.s32 $0x1BA00, s6;
	s6 =	sadd.s32 $0x16A00, s6  }
0x10: {  	s0 =	smax.u32 s17, $0x1;
	s20 =	sshll.u32 s19, $0x8;
	[dreg:$0x6] =	wrdreg s18  }
0x11: {  	s21 =	sshll.u32 s19, $0xA;
	s22 =	sshll.u32 s19, $0xB;
	[dreg:$0x7] =	wrdreg s6  }
0x12: {  	s14 =	sshll.u32 s25, $0x9;
	s15 =	sshll.u32 s25, $0xB;
	[dreg:$0x8] =	wrdreg s0  }
0x13: {  	s16 =	sshll.u32 s7, $0xB;
	s17 =	smul.u32 $0x28000, s12;
	[dreg:$0x9] =	wrdreg s20  }
0x14: {  	s19 =	sshll.u32 s7, $0xA;
	[dreg:$0xa] =	wrdreg s21;
	s0 =	sadd.s32 s22, s9  }
0x15: {  	s29 =	sadd.s32 s16, s9;
	s18 =	sshll.u32 s7, $0x8;
	s20 =	sadd.s32 s26, s24  }
0x16: {  	s21 =	sadd.s32 s13, s28;
	s13 =	simm.s32 $0x18800;
	s16 =	simm.s32 $0x1C000  }
.Ltmp0:
0x17: {  	s24 =	simm.s32 $0x3;
	s22 =	simm.s32 $0x4;
	(pc) =	sbr.rel .LBB2_1-.Ltmp0, $4  }
0x18: {  	s6 =	simm.s32 $0x0;
	[dreg:$0xb] =	wrdreg s0;
	s0 =	sshll.u32 s25, $0xC  }
0x19: {  	[dreg:$0xd] =	wrdreg s29;
	s31 =	sadd.s32 s17, s9;
	s0 =	sadd.s32 s0, s9  }
0x1a: {  	s25 =	simm.s32 $0x80;
	[dreg:$0xc] =	wrdreg s0;
	s0 =	sadd.s32 s30, s31  }
0x1b: {  	s17 =	simm.s32 $0x1;
	s9 =	simm.s32 $0x5;
	[dreg:$0xe] =	wrdreg s0  }
.LBB2_4:
0x1c: {  	s6 =	rddreg [dreg:$0xf]  }
0x1d: {  	s0 =	rddreg [dreg:$0x8];
	s6 =	sadd.s32 $0x1, s6  }
0x1e: {  	p0 =	sne.s32 s6, s0  }
.Ltmp1:
0x1f: {  	_ = 	snop;
	(pc) =	sbr.rel @!p0 .LBB2_5-.Ltmp1, $1  }
0x20: {  	_ =	sdelay $0x3  }
.LBB2_1:
0x21: {  	[dreg:$0xf] =	wrdreg s6  }
0x22: {  	s0 =	rddreg [dreg:$0x6];
	s26 =	simm.s32 $0x7  }
0x23: {  	[tilespmem:s4], [sflag:$0x7] =	stream.linear.gather [hbm4b:s0+s4], $0x1400, $0x38;
	[tilespmem:$0x1C800] =	vst v63  }
0x24: {  	_ =	swait.ge [sflag:s26], $0x1400  }
0x25: {  	[sflag:s26] =	ssyncset.done $0x0  }
0x26: {  	s7 =	simm.s32 $0x1400;
	s8 =	rddreg [dreg:$0x7];
	[sflag:s26] =	ssyncadd.s32 $0xFFFFEC00  }
0x27: {  	[tilespmem:s7], [sflag:$0x7] =	stream.linear.gather [hbm4b:s8+s4], $0x1400, $0x38;
	[tilespmem:$0x1C800] =	vst v63  }
0x28: {  	_ =	swait.ge [sflag:s26], $0x1400  }
0x29: {  	[sflag:s26] =	ssyncset.done $0x0  }
0x2a: {  	s11 =	simm.s32 $0x2800;
	[sflag:s26] =	ssyncadd.s32 $0xFFFFEC00  }
0x2b: {  	[tilespmem:s11], [sflag:$0x1] =	stream.indirect.gather [hbm4b:s1+s25], $0x80, s4, s25, $0xb8;
	[tilespmem:$0x1C800] =	vst v63  }
0x2c: {  	s12 =	simm.s32 $0x12800  }
0x2d: {  	[tilespmem:s12], [sflag:$0x1] =	stream.indirect.gather [hbm4b:s5+s25], $0x40, s4, s25, $0xb8;
	[tilespmem:$0x1C800] =	vst v63  }
0x2e: {  	s26 =	simm.s32 $0x1A800  }
0x2f: {  	[tilespmem:s26], [sflag:$0x1] =	stream.indirect.gather [hbm4b:s3+s25], $0x10, s7, s25, $0xb8;
	[tilespmem:$0x1C800] =	vst v63  }
0x30: {  	s6 =	simm.s32 $0x6800  }
0x31: {  	[tilespmem:s6], [sflag:$0x2] =	stream.indirect.gather [hbm4b:s1+s25], $0x80, s25, s25, $0xb8;
	[tilespmem:$0x1C800] =	vst v63  }
0x32: {  	s7 =	simm.s32 $0x14800  }
0x33: {  	[tilespmem:s7], [sflag:$0x2] =	stream.indirect.gather [hbm4b:s5+s25], $0x40, s25, s25, $0xb8;
	[tilespmem:$0x1C800] =	vst v63  }
0x34: {  	s8 =	simm.s32 $0x1480;
	s11 =	simm.s32 $0x1B000  }
0x35: {  	[tilespmem:s11], [sflag:$0x2] =	stream.indirect.gather [hbm4b:s3+s25], $0x10, s8, s25, $0xb8;
	[tilespmem:$0x1C800] =	vst v63  }
0x36: {  	s12 =	simm.s32 $0x100;
	s26 =	simm.s32 $0xA800  }
0x37: {  	[tilespmem:s26], [sflag:$0x5] =	stream.indirect.gather [hbm4b:s1+s25], $0x80, s12, s25, $0xb8;
	[tilespmem:$0x1C800] =	vst v63  }
0x38: {  	s28 =	rddreg [dreg:$0xd];
	s7 =	simm.s32 $0x16800  }
0x39: {  	[tilespmem:s7], [sflag:$0x5] =	stream.indirect.gather [hbm4b:s5+s25], $0x40, s12, s25, $0xb8;
	[tilespmem:$0x1C800] =	vst v63  }
0x3a: {  	s29 =	rddreg [dreg:$0xc];
	s8 =	simm.s32 $0x1500;
	s11 =	simm.s32 $0x1B800  }
0x3b: {  	[tilespmem:s11], [sflag:$0x5] =	stream.indirect.gather [hbm4b:s3+s25], $0x10, s8, s25, $0xb8;
	[tilespmem:$0x1C800] =	vst v63  }
0x3c: {  	s30 =	rddreg [dreg:$0xb];
	s12 =	simm.s32 $0x180  }
0x3d: {  	[tilespmem:s10], [sflag:$0x6] =	stream.indirect.gather [hbm4b:s1+s25], $0x80, s12, s25, $0xb8;
	[tilespmem:$0x1C800] =	vst v63  }
0x3e: {  	s31 =	rddreg [dreg:$0x4]  }
0x3f: {  	[tilespmem:s13], [sflag:$0x6] =	stream.indirect.gather [hbm4b:s5+s25], $0x40, s12, s25, $0xb8;
	[tilespmem:$0x1C800] =	vst v63  }
0x40: {  	s0 =	rddreg [dreg:$0x5];
	s26 =	simm.s32 $0x1580  }
0x41: {  	[tilespmem:s16], [sflag:$0x6] =	stream.indirect.gather [hbm4b:s3+s25], $0x10, s26, s25, $0xb8;
	[tilespmem:$0x1C800] =	vst v63  }
0x42: {  	s6 =	simm.s32 $0x0;
	s26 =	rddreg [dreg:$0xe]  }
.LBB2_2:
0x43: {  	_ =	swait.ge [sflag:s17], $0x4000  }
0x44: {  	[sflag:s17] =	ssyncset.done $0x0  }
0x45: {  	[sflag:s17] =	ssyncadd.s32 $0xFFFFC000  }
0x46: {  	_ =	swait.ge [sflag:s17], $0x2000  }
0x47: {  	[sflag:s17] =	ssyncset.done $0x0  }
0x48: {  	[sflag:s17] =	ssyncadd.s32 $0xFFFFE000  }
0x49: {  	_ =	swait.ge [sflag:s17], $0x800  }
0x4a: {  	[sflag:s17] =	ssyncset.done $0x0  }
0x4b: {  	s7 =	simm.s32 $0x2800;
	[sflag:s17] =	ssyncadd.s32 $0xFFFFF800  }
0x4c: {  	[hbm4b:s26+s4] =	stream.linear.scatter [tilespmem:s7], [sflag:$0x3], $0x4000, $0x38;
	[tilespmem:$0x1C800] =	vst v63  }
0x4d: {  	s12 =	sadd.s32 s31, s21;
	s8 =	simm.s32 $0x12800  }
0x4e: {  	[hbm4b:s12+s4] =	stream.linear.scatter [tilespmem:s8], [sflag:$0x3], $0x2000, $0x38;
	[tilespmem:$0x1C800] =	vst v63  }
0x4f: {  	s11 =	simm.s32 $0x1A800;
	s8 =	sadd.s32 s0, s20  }
0x50: {  	[hbm4b:s8+s4] =	stream.linear.scatter [tilespmem:s11], [sflag:$0x4], $0x800, $0x38;
	[tilespmem:$0x1C800] =	vst v63  }
0x51: {  	_ =	swait.ge [sflag:s24], $0x4000  }
0x52: {  	[sflag:s24] =	ssyncset.done $0x0  }
0x53: {  	[sflag:s24] =	ssyncadd.s32 $0xFFFFC000  }
0x54: {  	_ =	swait.ge [sflag:s24], $0x2000  }
0x55: {  	[sflag:s24] =	ssyncset.done $0x0  }
0x56: {  	[sflag:s24] =	ssyncadd.s32 $0xFFFFE000  }
0x57: {  	p0 =	seq.s32 s6, $0x4800;
	_ =	swait.ge [sflag:s22], $0x800  }
0x58: {  	s7 =	sshra.s32 @!p0 s6, $0x2;
	s12 =	simm.s32 @!p0 $0x2800;
	[sflag:s22] =	ssyncset.done $0x0  }
0x59: {  	s11 =	sadd.s32 @!p0 $0x200, s7;
	s8 =	simm.s32 @!p0 $0x80;
	[sflag:s22] =	ssyncadd.s32 $0xFFFFF800  }
0x5a: {  	[tilespmem:s12], [sflag:$0x1] =	stream.indirect.gather @!p0 [hbm4b:s1+s8], $0x80, s11, s8, $0xb8;
	[tilespmem:$0x1C800] =	vst v63  }
0x5b: {  	s12 =	simm.s32 @!p0 $0x12800  }
0x5c: {  	[tilespmem:s12], [sflag:$0x1] =	stream.indirect.gather @!p0 [hbm4b:s5+s8], $0x40, s11, s8, $0xb8;
	[tilespmem:$0x1C800] =	vst v63  }
0x5d: {  	s11 =	sadd.s32 @!p0 $0x1600, s7;
	s12 =	simm.s32 @!p0 $0x1A800  }
0x5e: {  	[tilespmem:s12], [sflag:$0x1] =	stream.indirect.gather @!p0 [hbm4b:s3+s8], $0x10, s11, s8, $0xb8;
	[tilespmem:$0x1C800] =	vst v63  }
0x5f: {  	_ =	swait.ge [sflag:s2], $0x4000  }
0x60: {  	[sflag:s2] =	ssyncset.done $0x0  }
0x61: {  	[sflag:s2] =	ssyncadd.s32 $0xFFFFC000  }
0x62: {  	_ =	swait.ge [sflag:s2], $0x2000  }
0x63: {  	[sflag:s2] =	ssyncset.done $0x0  }
0x64: {  	[sflag:s2] =	ssyncadd.s32 $0xFFFFE000  }
0x65: {  	_ =	swait.ge [sflag:s2], $0x800  }
0x66: {  	[sflag:s2] =	ssyncset.done $0x0  }
0x67: {  	s12 =	simm.s32 $0x6800;
	[sflag:s2] =	ssyncadd.s32 $0xFFFFF800  }
0x68: {  	[hbm4b:s28+s4] =	stream.linear.scatter [tilespmem:s12], [sflag:$0x3], $0x4000, $0x38;
	[tilespmem:$0x1C800] =	vst v63  }
0x69: {  	s11 =	sadd.s32 s31, s19;
	s12 =	simm.s32 $0x14800  }
0x6a: {  	[hbm4b:s11+s4] =	stream.linear.scatter [tilespmem:s12], [sflag:$0x3], $0x2000, $0x38;
	[tilespmem:$0x1C800] =	vst v63  }
0x6b: {  	s11 =	sadd.s32 s0, s18;
	s12 =	simm.s32 $0x1B000  }
0x6c: {  	[hbm4b:s11+s4] =	stream.linear.scatter [tilespmem:s12], [sflag:$0x4], $0x800, $0x38;
	[tilespmem:$0x1C800] =	vst v63  }
0x6d: {  	_ =	swait.ge [sflag:s24], $0x4000  }
0x6e: {  	[sflag:s24] =	ssyncset.done $0x0  }
0x6f: {  	[sflag:s24] =	ssyncadd.s32 $0xFFFFC000  }
0x70: {  	_ =	swait.ge [sflag:s24], $0x2000  }
0x71: {  	[sflag:s24] =	ssyncset.done $0x0  }
0x72: {  	[sflag:s24] =	ssyncadd.s32 $0xFFFFE000  }
0x73: {  	_ =	swait.ge [sflag:s22], $0x800  }
0x74: {  	[sflag:s22] =	ssyncset.done $0x0  }
0x75: {  	s11 =	sadd.s32 @!p0 $0x280, s7;
	s12 =	simm.s32 @!p0 $0x6800;
	[sflag:s22] =	ssyncadd.s32 $0xFFFFF800  }
0x76: {  	[tilespmem:s12], [sflag:$0x2] =	stream.indirect.gather @!p0 [hbm4b:s1+s8], $0x80, s11, s8, $0xb8;
	[tilespmem:$0x1C800] =	vst v63  }
0x77: {  	s12 =	simm.s32 @!p0 $0x14800  }
0x78: {  	[tilespmem:s12], [sflag:$0x2] =	stream.indirect.gather @!p0 [hbm4b:s5+s8], $0x40, s11, s8, $0xb8;
	[tilespmem:$0x1C800] =	vst v63  }
0x79: {  	s11 =	sadd.s32 @!p0 $0x1680, s7;
	s12 =	simm.s32 @!p0 $0x1B000  }
0x7a: {  	[tilespmem:s12], [sflag:$0x2] =	stream.indirect.gather @!p0 [hbm4b:s3+s8], $0x10, s11, s8, $0xb8;
	[tilespmem:$0x1C800] =	vst v63  }
0x7b: {  	_ =	swait.ge [sflag:s9], $0x4000  }
0x7c: {  	[sflag:s9] =	ssyncset.done $0x0  }
0x7d: {  	[sflag:s9] =	ssyncadd.s32 $0xFFFFC000  }
0x7e: {  	_ =	swait.ge [sflag:s9], $0x2000  }
0x7f: {  	[sflag:s9] =	ssyncset.done $0x0  }
0x80: {  	[sflag:s9] =	ssyncadd.s32 $0xFFFFE000  }
0x81: {  	_ =	swait.ge [sflag:s9], $0x800  }
0x82: {  	[sflag:s9] =	ssyncset.done $0x0  }
0x83: {  	s12 =	simm.s32 $0xA800;
	[sflag:s9] =	ssyncadd.s32 $0xFFFFF800  }
0x84: {  	[hbm4b:s29+s4] =	stream.linear.scatter [tilespmem:s12], [sflag:$0x3], $0x4000, $0x38;
	[tilespmem:$0x1C800] =	vst v63  }
0x85: {  	s11 =	sadd.s32 s31, s15;
	s12 =	simm.s32 $0x16800  }
0x86: {  	[hbm4b:s11+s4] =	stream.linear.scatter [tilespmem:s12], [sflag:$0x3], $0x2000, $0x38;
	[tilespmem:$0x1C800] =	vst v63  }
0x87: {  	s11 =	sadd.s32 s0, s14;
	s12 =	simm.s32 $0x1B800  }
0x88: {  	[hbm4b:s11+s4] =	stream.linear.scatter [tilespmem:s12], [sflag:$0x4], $0x800, $0x38;
	[tilespmem:$0x1C800] =	vst v63  }
0x89: {  	_ =	swait.ge [sflag:s24], $0x4000  }
0x8a: {  	[sflag:s24] =	ssyncset.done $0x0  }
0x8b: {  	[sflag:s24] =	ssyncadd.s32 $0xFFFFC000  }
0x8c: {  	_ =	swait.ge [sflag:s24], $0x2000  }
0x8d: {  	[sflag:s24] =	ssyncset.done $0x0  }
0x8e: {  	[sflag:s24] =	ssyncadd.s32 $0xFFFFE000  }
0x8f: {  	_ =	swait.ge [sflag:s22], $0x800  }
0x90: {  	[sflag:s22] =	ssyncset.done $0x0  }
0x91: {  	s11 =	sadd.s32 @!p0 $0x300, s7;
	s12 =	simm.s32 @!p0 $0xA800;
	[sflag:s22] =	ssyncadd.s32 $0xFFFFF800  }
0x92: {  	[tilespmem:s12], [sflag:$0x5] =	stream.indirect.gather @!p0 [hbm4b:s1+s8], $0x80, s11, s8, $0xb8;
	[tilespmem:$0x1C800] =	vst v63  }
0x93: {  	s12 =	simm.s32 @!p0 $0x16800  }
0x94: {  	[tilespmem:s12], [sflag:$0x5] =	stream.indirect.gather @!p0 [hbm4b:s5+s8], $0x40, s11, s8, $0xb8;
	[tilespmem:$0x1C800] =	vst v63  }
0x95: {  	s7 =	sadd.s32 @!p0 $0x1700, s7;
	s11 =	simm.s32 @!p0 $0x1B800  }
0x96: {  	[tilespmem:s11], [sflag:$0x5] =	stream.indirect.gather @!p0 [hbm4b:s3+s8], $0x10, s7, s8, $0xb8;
	[tilespmem:$0x1C800] =	vst v63  }
0x97: {  	_ =	swait.ge [sflag:s23], $0x4000  }
0x98: {  	[sflag:s23] =	ssyncset.done $0x0  }
0x99: {  	[sflag:s23] =	ssyncadd.s32 $0xFFFFC000  }
0x9a: {  	_ =	swait.ge [sflag:s23], $0x2000  }
0x9b: {  	[sflag:s23] =	ssyncset.done $0x0  }
0x9c: {  	[sflag:s23] =	ssyncadd.s32 $0xFFFFE000  }
0x9d: {  	_ =	swait.ge [sflag:s23], $0x800  }
0x9e: {  	[sflag:s23] =	ssyncset.done $0x0  }
0x9f: {  	s11 =	rddreg [dreg:$0xa];
	[sflag:s23] =	ssyncadd.s32 $0xFFFFF800  }
0xa0: {  	[hbm4b:s30+s4] =	stream.linear.scatter [tilespmem:s10], [sflag:$0x3], $0x4000, $0x38;
	[tilespmem:$0x1C800] =	vst v63  }
0xa1: {  	s12 =	rddreg [dreg:$0x9];
	s7 =	sadd.s32 s31, s11  }
0xa2: {  	[hbm4b:s7+s4] =	stream.linear.scatter [tilespmem:s13], [sflag:$0x3], $0x2000, $0x38;
	[tilespmem:$0x1C800] =	vst v63  }
0xa3: {  	s7 =	sadd.s32 s0, s12  }
0xa4: {  	[hbm4b:s7+s4] =	stream.linear.scatter [tilespmem:s16], [sflag:$0x4], $0x800, $0x38;
	[tilespmem:$0x1C800] =	vst v63  }
0xa5: {  	_ =	swait.ge [sflag:s24], $0x4000  }
0xa6: {  	[sflag:s24] =	ssyncset.done $0x0  }
0xa7: {  	[sflag:s24] =	ssyncadd.s32 $0xFFFFC000  }
0xa8: {  	_ =	swait.ge [sflag:s24], $0x2000  }
.Ltmp2:
0xa9: {  	[sflag:s24] =	ssyncset.done $0x0;
	(pc) =	sbr.rel @p0 .LBB2_4-.Ltmp2, $4  }
0xaa: {  	[sflag:s24] =	ssyncadd.s32 $0xFFFFE000  }
0xab: {  	_ =	swait.ge [sflag:s22], $0x800  }
0xac: {  	[sflag:s22] =	ssyncset.done $0x0  }
0xad: {  	[sflag:s22] =	ssyncadd.s32 $0xFFFFF800  }
0xae: {  	s7 =	sshra.s32 s6, $0x2  }
0xaf: {  	s8 =	sadd.s32 $0x380, s7  }
0xb0: {  	[tilespmem:s10], [sflag:$0x6] =	stream.indirect.gather [hbm4b:s1+s25], $0x80, s8, s25, $0xb8;
	[tilespmem:$0x1C800] =	vst v63  }
.Ltmp3:
0xb1: {  	s6 =	sadd.s32 $0x800, s6;
	s0 =	sadd.s32 $0x400, s0;
	(pc) =	sbr.rel .LBB2_2-.Ltmp3, $4  }
0xb2: {  	s31 =	sadd.s32 $0x1000, s31;
	s30 =	sadd.s32 $0x2000, s30;
	s29 =	sadd.s32 $0x2000, s29  }
0xb3: {  	[tilespmem:s13], [sflag:$0x6] =	stream.indirect.gather [hbm4b:s5+s25], $0x40, s8, s25, $0xb8;
	[tilespmem:$0x1C800] =	vst v63  }
0xb4: {  	s28 =	sadd.s32 $0x2000, s28;
	s26 =	sadd.s32 $0x2000, s26;
	s7 =	sadd.s32 $0x1780, s7  }
0xb5: {  	[tilespmem:s16], [sflag:$0x6] =	stream.indirect.gather [hbm4b:s3+s25], $0x10, s7, s25, $0xb8;
	[tilespmem:$0x1C800] =	vst v63  }
.LBB2_5:
0xb6: {  	_ =	sfence.sel $0x180000  }
0xb7: {  	[bflag:$0x0] =	sbarrier.arrive $0xFFFF  }
0xb8: {  	_ =	strace $0x90000047  }
0xb9: {  	s0 =	stileid.u32;
	[bflag:$0x2] =	sbarrier.arrive $0xFFFF  }
0xba: {  	p0 =	sne.s32 s0, $0x0;
	s0 =	rddreg [dreg:$0x3]  }
0xbb: {  	s0 =	sadd.s32 @!p0 $0x100000, s0  }
0xbc: {  	[sflag:s0] =	ssyncadd.tile.s32 @!p0 $0x1;
	_ =	shalt  }
.Lfunc_end2:
_tile_overlayer_lowered:
.L_overlay_start_2:
0xbd: {  	(tag) =	ssettag $0x2  }
0xbe: {  	s0 =	rddreg [dreg:$0x0];
	s2 =	stileid.u32  }
0xbf: {  	s1 =	rddreg [dreg:$0x1];
	p0 =	sne.s32 s2, $0x0  }
0xc0: {  	s3 =	rddreg [dreg:$0x2];
	[bflag:$0x3] =	sbarrier.arrive $0xFFFF;
	s2 =	simm.s32 @!p0 $0x1C07  }
0xc1: {  	[timem:s3], [sflag:s2] =	dma.local @!p0 [hbm:s0], s1  }
0xc2: {  	s0 =	simm.s32 @!p0 $0x7  }
0xc3: {  	_ =	swait.ge @!p0 [sflag:s0], s1  }
0xc4: {  	s1 =	ssub.s32 @!p0 $0x0, s1;
	[sflag:s0] =	ssyncset.done @!p0 $0x0  }
0xc5: {  	[sflag:s0] =	ssyncadd.s32 @!p0 s1  }
0xc6: {  	[bflag:$0x3] =	sbarrier.arrive $0xFFFF  }
0xc7: {  	_ =	shalt  }

// kernel: kernel.9.cloned.1.call-start
scs
__scs_entry_jumppad:
0x0: {  	(pc) =	sbr.rel $0x88, $3  }
0x1: {  	(tag) =	ssettag $0x0;
	lr =	simm.s32 $0x1  }
0x2: {  	[smem:$0x3F8D] =	sst lr;
	_ =	strace $0xD0000000  }
0x3: {  	_ = 	snop  }
0x4: {  	_ = 	snop  }
0x5: {  	_ = 	snop  }
0x6: {  	_ = 	snop  }
0x7: {  	_ = 	snop  }
__scs_overlays_trampoline_lowered:
0x8: {  	[smem:$0x3F9C] =	sst s0  }
0x9: {  	[smem:$0x3F9D] =	sst s1  }
0xa: {  	[smem:$0x3F9E] =	sst s2  }
0xb: {  	[smem:$0x3F9F] =	sst s3  }
0xc: {  	[smem:$0x3FA0] =	sst s4  }
0xd: {  	[smem:$0x3FA1] =	sst s5  }
0xe: {  	[smem:$0x3FA2] =	sst s6  }
0xf: {  	[smem:$0x3FA3] =	sst s7  }
0x10: {  	[smem:$0x3FA4] =	sst s8  }
0x11: {  	[smem:$0x3FA5] =	sst s9;
	s0 =	simm.s32 @!p0 $0x0  }
0x12: {  	s1 =	sld [smem:$0x3F8B];
	s0 =	simm.s32 @p0 $0x1  }
0x13: {  	[smem:$0x3FA6] =	sst s0;
	s0 =	simm.s32 @!p1 $0x0  }
0x14: {  	s2 =	sld [smem:$0x3F8A];
	s0 =	simm.s32 @p1 $0x1  }
0x15: {  	[smem:$0x3FA7] =	sst s0;
	s0 =	simm.s32 @!p2 $0x0  }
0x16: {  	s3 =	sld [smem:$0x3FDB];
	s0 =	simm.s32 @p2 $0x1  }
0x17: {  	s4 =	simm.s32 $0x1BF5;
	[smem:$0x3FA9] =	sst s0  }
0x18: {  	s0 =	sld [smem:$0x3F8C];
	_ =	swait.ge [sflag:s4], $0x0  }
0x19: {  	s7 =	sld [smem:$0x3F8D]  }
0x1a: {  	s8 =	sadd.s32 $0xFFFFE003, lr  }
0x1b: {  	s9 =	sadd.s32 $0xFFFFFEF7, lr;
	s5 =	simm.s32 $0xFFFFFFFF;
	p2 =	slt.u32 s8, $0xFFFFF086  }
0x1c: {  	p1 =	slt.u32 s9, $0xF7A;
	s5 =	simm.s32 @!p2 $0x0  }
0x1d: {  	s5 =	simm.s32 @p1 $0x1;
	p0 =	seq.s32 s7, s2  }
0x1e: {  	s7 =	smul.u32 @!p0 $0xF7A, s2;
	p2 =	seq.s32 @!p0 s5, $0x0  }
0x1f: {  	s9 =	smul.u32 $0xF7A, s1;
	s8 =	simm.s32 @!p0 $0x1BF5;
	p2 =	por !p2, p0  }
0x20: {  	[sflag:s8] =	ssyncset.s32 @!p0 $0xFFFFF086;
	s6 =	sadd.s32 @!p0 s3, s7;
	s7 =	simm.s32 @!p0 $0x108  }
0x21: {  	s3 =	sadd.s32 s3, s9;
	s6 =	sadd.s32 @!p0 $0x88, s6;
	s7 =	simm.s32 @p2 $0x1082  }
0x22: {  	[simem:s7], [sflag:s8] =	dma.local @!p0 [hbm:s6], $0xF7A  }
0x23: {  	s9 =	sor.u32 $0xD0000000, s2;
	s6 =	simm.s32 $0x108;
	_ =	swait.ge @!p0 [sflag:s8], $0x0  }
0x24: {  	s3 =	sadd.s32 $0x88, s3;
	s6 =	simm.s32 @!p1 $0x1082;
	[sflag:s4] =	ssyncset.s32 $0xFFFFF086  }
0x25: {  	[simem:s6], [sflag:s4] =	dma.local [hbm:s3], $0xF7A  }
0x26: {  	[smem:$0x3F8D] =	sst s1;
	(tag) =	ssettag s2;
	_ =	strace s9  }
0x27: {  	s1 =	sld [smem:$0x3F9D]  }
0x28: {  	s2 =	sld [smem:$0x3F9E]  }
0x29: {  	s4 =	sld [smem:$0x3FA0]  }
0x2a: {  	p0 =	seq.s32 s5, $0x0;
	s5 =	sld [smem:$0x3FA1]  }
0x2b: {  	s6 =	sld [smem:$0x3FA2]  }
0x2c: {  	s7 =	sld [smem:$0x3FA3]  }
0x2d: {  	s3 =	simm.s32 $0x108;
	s8 =	sld [smem:$0x3FA4]  }
0x2e: {  	s3 =	simm.s32 @!p0 $0x1082;
	s9 =	sld [smem:$0x3FA5]  }
0x2f: {  	lr =	sadd.s32 s0, s3;
	s0 =	sld [smem:$0x3F9C]  }
0x30: {  	s3 =	sld [smem:$0x3F9F]  }
0x31: {  	[smem:$0x3FA8] =	sst s10  }
0x32: {  	s10 =	sld [smem:$0x3FA6];
	_ =	sdelay $0x3  }
0x33: {  	p0 =	seq.s32 s10, $0x1;
	s10 =	sld [smem:$0x3FA8];
	_ =	sdelay $0x3  }
0x34: {  	[smem:$0x3FA8] =	sst s10  }
0x35: {  	s10 =	sld [smem:$0x3FA7];
	_ =	sdelay $0x3  }
0x36: {  	p1 =	seq.s32 s10, $0x1;
	s10 =	sld [smem:$0x3FA8];
	_ =	sdelay $0x3  }
0x37: {  	[smem:$0x3FA8] =	sst s10  }
0x38: {  	s10 =	sld [smem:$0x3FA9]  }
0x39: {  	_ = 	snop;
	(pc) =	sbr.ind lr, $3  }
0x3a: {  	_ = 	snop  }
0x3b: {  	_ = 	snop  }
0x3c: {  	p2 =	seq.s32 s10, $0x1;
	s10 =	sld [smem:$0x3FA8]  }
0x3d: {  	_ =	shalt  }
0x3e: {  	_ =	shalt  }
0x3f: {  	_ =	shalt  }
0x40: {  	_ =	shalt  }
0x41: {  	_ =	shalt  }
0x42: {  	_ =	shalt  }
0x43: {  	_ =	shalt  }
0x44: {  	_ =	shalt  }
0x45: {  	_ =	shalt  }
0x46: {  	_ =	shalt  }
0x47: {  	_ =	shalt  }
0x48: {  	_ =	shalt  }
0x49: {  	_ =	shalt  }
0x4a: {  	_ =	shalt  }
0x4b: {  	_ =	shalt  }
0x4c: {  	_ =	shalt  }
0x4d: {  	_ =	shalt  }
0x4e: {  	_ =	shalt  }
0x4f: {  	_ =	shalt  }
0x50: {  	_ =	shalt  }
0x51: {  	_ =	shalt  }
0x52: {  	_ =	shalt  }
0x53: {  	_ =	shalt  }
0x54: {  	_ =	shalt  }
0x55: {  	_ =	shalt  }
0x56: {  	_ =	shalt  }
0x57: {  	_ =	shalt  }
0x58: {  	_ =	shalt  }
0x59: {  	_ =	shalt  }
0x5a: {  	_ =	shalt  }
0x5b: {  	_ =	shalt  }
0x5c: {  	_ =	shalt  }
0x5d: {  	_ =	shalt  }
0x5e: {  	_ =	shalt  }
0x5f: {  	_ =	shalt  }
0x60: {  	_ =	shalt  }
0x61: {  	_ =	shalt  }
0x62: {  	_ =	shalt  }
0x63: {  	_ =	shalt  }
0x64: {  	_ =	shalt  }
0x65: {  	_ =	shalt  }
0x66: {  	_ =	shalt  }
0x67: {  	_ =	shalt  }
0x68: {  	_ =	shalt  }
0x69: {  	_ =	shalt  }
0x6a: {  	_ =	shalt  }
0x6b: {  	_ =	shalt  }
0x6c: {  	_ =	shalt  }
0x6d: {  	_ =	shalt  }
0x6e: {  	_ =	shalt  }
0x6f: {  	_ =	shalt  }
0x70: {  	_ =	shalt  }
0x71: {  	_ =	shalt  }
0x72: {  	_ =	shalt  }
0x73: {  	_ =	shalt  }
0x74: {  	_ =	shalt  }
0x75: {  	_ =	shalt  }
0x76: {  	_ =	shalt  }
0x77: {  	_ =	shalt  }
0x78: {  	_ =	shalt  }
0x79: {  	_ =	shalt  }
0x7a: {  	_ =	shalt  }
0x7b: {  	_ =	shalt  }
0x7c: {  	_ =	shalt  }
0x7d: {  	_ =	shalt  }
0x7e: {  	_ =	shalt  }
0x7f: {  	_ =	shalt  }
0x80: {  	_ =	shalt  }
0x81: {  	_ =	shalt  }
0x82: {  	_ =	shalt  }
0x83: {  	_ =	shalt  }
0x84: {  	_ =	shalt  }
0x85: {  	_ =	shalt  }
0x86: {  	_ =	shalt  }
0x87: {  	_ =	shalt  }
.Lfunc_end0:
.L_simem_size_0:
called_computation.1_lowered:
.L_overlay_start_0:
0x88: {  	s2 =	sld [smem:$0x3FD9]  }
0x89: {  	s3 =	sld [smem:$0x3FFE];
	_ =	sdelay $0x1  }
0x8a: {  	s1 =	srdreg.scid  }
0x8b: {  	s0 =	sand.u32 $0x1, s1  }
0x8c: {  	s16 =	sshll.u32 s0, $0xA;
	s2 =	sadd.s32 s3, s2  }
0x8d: {  	s2 =	sadd.s32 s2, s16  }
0x8e: {  	[smem:$0x3FB4] =	sst s2  }
0x8f: {  	_ = 	snop  }
0x90: {  	(tm) =	ssettm $0x1  }
0x91: {  	s17 =	sld [smem:$0x3FFB];
	_ =	sdelay $0x3  }
0x92: {  	_ =	strace s17  }
0x93: {  	s2 =	sld [smem:$0x3FFC];
	_ =	sdelay $0x3  }
0x94: {  	_ =	strace s2  }
0x95: {  	s2 =	sld [smem:$0x3FFD];
	_ =	sdelay $0x3  }
0x96: {  	_ =	strace s2  }
0x97: {  	_ =	strace $0x8FFFFFFF  }
0x98: {  	s18 =	sld [smem:$0x3FDB];
	_ =	sdelay $0x1  }
0x99: {  	s19 =	simm.s32 $_scs_section_size  }
0x9a: {  	s4 =	simm.s32 $_size__tile_overlayer_lowered;
	s5 =	simm.s32 $_tile_overlayer_lowered  }
0x9b: {  	s22 =	simm.s32 $0x1BFF;
	s21 =	sshll.u32 s5, $0x1;
	s2 =	sadd.s32 s19, s18  }
0x9c: {  	s6 =	simm.s32 $0x0;
	s20 =	sshll.u32 s4, $0x1;
	s4 =	sadd.s32 s21, s2  }
0x9d: {  	[timem:s6], [sflag:s22] =	dma.local [hbm:s4], s20  }
0x9e: {  	_ =	swait.ge [sflag:s22], s20  }
0x9f: {  	s3 =	ssub.s32 $0x0, s20;
	[sflag:s22] =	ssyncset.done $0x0  }
0xa0: {  	[sflag:s22] =	ssyncadd.s32 s3;
	_ =	sdelay $0x1  }
0xa1: {  	s23 =	simm.s32 $0x1B8B  }
0xa2: {  	_ =	swait.ge [sflag:s23], $0x1  }
0xa3: {  	[sflag:s23] =	ssyncset.done $0x0  }
0xa4: {  	s25 =	simm.s32 $0x1B8E;
	s24 =	sld [smem:$0x3FFE];
	[sflag:s23] =	ssyncadd.s32 $0xFFFFFFFF  }
0xa5: {  	s26 =	simm.s32 $execute0_lowered;
	[smem:$0x3FD2] =	sst s25  }
0xa6: {  	s4 =	sshll.u32 s26, $0x1;
	_ =	strace $0x80000049;
	[dreg:$0x1] =	wrdreg $0xFFFFFFFF  }
0xa7: {  	s28 =	simm.s32 $_size_execute0_lowered;
	s2 =	sadd.s32 s2, s4;
	[dreg:$0x0] =	wrdreg $0x0  }
0xa8: {  	s4 =	sshll.u32 s28, $0x1;
	[dreg:$0x2] =	wrdreg s2  }
0xa9: {  	[dreg:$0x3] =	wrdreg s4  }
0xaa: {  	[dreg:$0x4] =	wrdreg $0xC0  }
0xab: {  	_ =	task [dreg:s6], $0x5FFFF  }
0xac: {  	[dreg:$0x1] =	wrdreg $0xFFFFFFFF  }
0xad: {  	[dreg:$0x0] =	wrdreg $0x60  }
0xae: {  	[dreg:$0x2] =	wrdreg s24  }
0xaf: {  	[dreg:$0x3] =	wrdreg $0xA8000  }
0xb0: {  	[dreg:$0x4] =	wrdreg $0x9  }
0xb1: {  	_ =	task.clear_ibuf [dreg:s6], $0x5FFFF;
	_ =	strace $0x90000049  }
0xb2: {  	s29 =	simm.s32 $0x9;
	_ =	strace $0x8000004B  }
0xb3: {  	_ =	swait.ge [sflag:s29], $0x1  }
0xb4: {  	[sflag:s29] =	ssyncadd.s32 $0xFFFFFFFF  }
0xb5: {  	_ =	strace $0x9000004B  }
0xb6: {  	_ =	sfence  }
0xb7: {  	s30 =	sld [smem:$0x0];
	_ =	sdelay $0x2  }
0xb8: {  	s31 =	sshll.u32 s1, $0xD;
	s1 =	sshrl.u32 s1, $0x2  }
0xb9: {  	s3 =	sand.u32 $0x4000, s31;
	s1 =	sadd.s32 s1, s30  }
0xba: {  	s0 =	sor.u32 s3, s0;
	s1 =	sshll.u32 s1, $0x11  }
0xbb: {  	s0 =	sor.u32 s1, s0  }
0xbc: {  	s0 =	sadd.s32 $0x8F2B, s0  }
0xbd: {  	[sflag:s0] =	ssyncadd.remote.s32 $0x1  }
0xbe: {  	_ =	sfence.sel $0xFFFF  }
0xbf: {  	[dreg:$0x0] =	wrdreg $0xFFFFFFFF;
	(pc) =	sbr.abs _section_cstart, $3  }
0xc0: {  	[dreg:$0x1] =	wrdreg $0xFFFFFFFF  }
0xc1: {  	_ =	task.clear_ibuf [dreg:s6], $0x2FFFF;
	_ =	strace $0x9FFFFFFF  }
0xc2: {  	(tm) =	ssettm $0x7FFFFFFF  }
0xc3: {  	_ =	shalt  }
tec
execute0_lowered:
.L_overlay_start_1:
0x0: {  	(tag) =	ssettag $0x1  }
0x1: {  	s4 =	rddreg [dreg:$0x0]  }
0x2: {  	s0 =	srdreg.scid;
	s1 =	stileid.u32  }
0x3: {  	s2 =	rddreg [dreg:$0x1];
	s7 =	smul.u32 $0x500, s1  }
0x4: {  	s3 =	simm.s32 $0x0;
	s14 =	simm.s32 $0x1;
	s20 =	smul.u32 $0x2800, s1  }
0x5: {  	s15 =	simm.s32 $0x80;
	s16 =	simm.s32 $0x2;
	s29 =	smul.u32 $0x50000, s1  }
0x6: {  	s5 =	sand.u32 $0x1, s0;
	s0 =	rddreg [dreg:$0x2];
	s31 =	smul.u32 $0x28000, s1  }
0x7: {  	s19 =	simm.s32 $0x2780;
	[smem:$0x7FF] =	sst s3;
	s6 =	smul.u32 $0x280000, s5  }
0x8: {  	s30 =	sshll.u32 s1, $0x6;
	_ =	strace $0x8000004A;
	s9 =	smul.u32 $0x28000, s5  }
0x9: {  	s5 =	ssub.s32 $0x2, s5;
	s7 =	sadd.s32 s7, s4;
	s10 =	sadd.s32 s20, s4  }
0xa: {  	s11 =	sshrl.u32 s5, $0x1;
	s18 =	sadd.s32 $0x27800, s31;
	s13 =	sor.u32 $0x1000, s31  }
0xb: {  	s8 =	sadd.s32 s6, s4;
	s6 =	sshrl.u32 s29, $0x2;
	s9 =	sadd.s32 s9, s4  }
0xc: {  	s11 =	ssub.s32 s5, s11;
	s4 =	sadd.s32 $0x1BA00, s10;
	s5 =	sor.u32 $0x1C03, s30  }
0xd: {  	s12 =	sadd.s32 s6, s2;
	s6 =	sadd.s32 $0x16A00, s7;
	s17 =	sadd.s32 $0x930A00, s8  }
0xe: {  	s21 =	sadd.s32 $0x43A00, s9;
	s7 =	smax.u32 s11, $0x1;
	s9 =	simm.s32 $0x3  }
0xf: {  	s11 =	simm.s32 $0x2800;
	s8 =	sshrl.u32 s12, $0x3;
	s10 =	sadd.s32 s31, s17  }
0x10: {  	s12 =	sadd.s32 s17, s13;
	s13 =	simm.s32 $0x6800;
	s17 =	sadd.s32 s17, s18  }
0x11: {  	s18 =	simm.s32 $0x2700;
	s20 =	sadd.s32 s20, s21;
	s21 =	simm.s32 $0x0  }
.LBB2_1:
0x12: {  	[spmem:s8], [sflag:s5] =	dma.local [hbm:s4], $0x2800  }
0x13: {  	_ =	swait.ge [sflag:s9], $0x2800  }
0x14: {  	[sflag:s9] =	ssyncset.done $0x0  }
0x15: {  	[sflag:s9] =	ssyncadd.s32 $0xFFFFD800  }
0x16: {  	[bflag:$0x0] =	sbarrier.arrive $0xFFFF  }
0x17: {  	[tilespmem:s3], [sflag:$0x3] =	stream.linear.gather [hbm4b:s6+s3], $0x2800, $0x38;
	[tilespmem:$0x1E800] =	vst v63  }
0x18: {  	_ =	swait.ge [sflag:s9], $0x2800  }
0x19: {  	[sflag:s9] =	ssyncset.done $0x0  }
0x1a: {  	[sflag:s9] =	ssyncadd.s32 $0xFFFFD800  }
0x1b: {  	[tilespmem:s11], [sflag:$0x1] =	stream.linear.gather [hbm4b:s10+s3], $0x4000, $0x38;
	[tilespmem:$0x1E800] =	vst v63  }
0x1c: {  	s22 =	sadd.s32 $0xFFFFF800, s12  }
0x1d: {  	[tilespmem:s13], [sflag:$0x2] =	stream.linear.gather [hbm4b:s22+s3], $0x4000, $0x38;
	[tilespmem:$0x1E800] =	vst v63  }
0x1e: {  	_ =	swait.ge [sflag:s14], $0x4000  }
0x1f: {  	[sflag:s14] =	ssyncset.done $0x0  }
0x20: {  	s30 =	simm.s32 $0x0;
	[sflag:s14] =	ssyncadd.s32 $0xFFFFC000  }
0x21: {  	[spmem:s2] =	stream.indirect.scatter.add.f32 [tilespmem:s11], [sflag:$0x3], $0x80, s30, s15, $0xb8;
	[tilespmem:$0x1E800] =	vst v63  }
0x22: {  	_ =	swait.ge [sflag:s9], $0x4000  }
0x23: {  	[sflag:s9] =	ssyncset.done $0x0  }
0x24: {  	[sflag:s9] =	ssyncadd.s32 $0xFFFFC000  }
0x25: {  	[tilespmem:s11], [sflag:$0x1] =	stream.linear.gather [hbm4b:s12+s3], $0x4000, $0x38;
	[tilespmem:$0x1E800] =	vst v63  }
0x26: {  	_ =	swait.ge [sflag:s16], $0x4000  }
0x27: {  	[sflag:s16] =	ssyncset.done $0x0  }
0x28: {  	s31 =	simm.s32 $0x80;
	[sflag:s16] =	ssyncadd.s32 $0xFFFFC000  }
0x29: {  	[spmem:s2] =	stream.indirect.scatter.add.f32 [tilespmem:s13], [sflag:$0x3], $0x80, s31, s15, $0xb8;
	[tilespmem:$0x1E800] =	vst v63  }
0x2a: {  	s23 =	simm.s32 $0x400;
	_ =	swait.ge [sflag:s9], $0x4000  }
0x2b: {  	s24 =	simm.s32 $0x800;
	s22 =	sadd.s32 $0x1000, s12;
	[sflag:s9] =	ssyncset.done $0x0  }
.LBB2_2:
0x2c: {  	p0 =	sne.s32 s24, $0x9800;
	s25 =	sadd.s32 $0xFFFFF800, s22;
	[sflag:s9] =	ssyncadd.s32 $0xFFFFC000  }
0x2d: {  	[tilespmem:s13], [sflag:$0x2] =	stream.linear.gather [hbm4b:s25+s3], $0x4000, $0x38;
	[tilespmem:$0x1E800] =	vst v63  }
0x2e: {  	s25 =	smov.u32 s24;
	s24 =	sadd.s32 $0x400, s24;
	_ =	swait.ge [sflag:s14], $0x4000  }
0x2f: {  	[sflag:s14] =	ssyncset.done $0x0  }
0x30: {  	s26 =	sshra.s32 s23, $0x2;
	s23 =	smov.u32 s25;
	[sflag:s14] =	ssyncadd.s32 $0xFFFFC000  }
0x31: {  	[spmem:s2] =	stream.indirect.scatter.add.f32 [tilespmem:s11], [sflag:$0x3], $0x80, s26, s15, $0xb8;
	[tilespmem:$0x1E800] =	vst v63  }
0x32: {  	_ =	swait.ge [sflag:s9], $0x4000  }
0x33: {  	[sflag:s9] =	ssyncset.done $0x0  }
0x34: {  	[sflag:s9] =	ssyncadd.s32 $0xFFFFC000  }
0x35: {  	[tilespmem:s11], [sflag:$0x1] =	stream.linear.gather [hbm4b:s22+s3], $0x4000, $0x38;
	[tilespmem:$0x1E800] =	vst v63  }
0x36: {  	_ =	swait.ge [sflag:s16], $0x4000  }
.Ltmp0:
0x37: {  	[sflag:s16] =	ssyncset.done $0x0;
	(pc) =	sbr.rel @p0 .LBB2_2-.Ltmp0, $4  }
0x38: {  	s25 =	sadd.s32 $0x80, s26;
	[sflag:s16] =	ssyncadd.s32 $0xFFFFC000  }
0x39: {  	[spmem:s2] =	stream.indirect.scatter.add.f32 [tilespmem:s13], [sflag:$0x3], $0x80, s25, s15, $0xb8;
	[tilespmem:$0x1E800] =	vst v63  }
0x3a: {  	_ =	swait.ge [sflag:s9], $0x4000  }
0x3b: {  	s22 =	sadd.s32 $0x1000, s22;
	[sflag:s9] =	ssyncset.done $0x0  }
0x3c: {  	s24 =	sadd.s32 $0xFFFFF800, s22;
	[sflag:s9] =	ssyncadd.s32 $0xFFFFC000  }
0x3d: {  	[tilespmem:s13], [sflag:$0x2] =	stream.linear.gather [hbm4b:s24+s3], $0x4000, $0x38;
	[tilespmem:$0x1E800] =	vst v63  }
0x3e: {  	_ =	swait.ge [sflag:s14], $0x4000  }
0x3f: {  	[sflag:s14] =	ssyncset.done $0x0  }
0x40: {  	s23 =	sshra.s32 s23, $0x2;
	[sflag:s14] =	ssyncadd.s32 $0xFFFFC000  }
0x41: {  	[spmem:s2] =	stream.indirect.scatter.add.f32 [tilespmem:s11], [sflag:$0x3], $0x80, s23, s15, $0xb8;
	[tilespmem:$0x1E800] =	vst v63  }
0x42: {  	_ =	swait.ge [sflag:s9], $0x4000  }
0x43: {  	[sflag:s9] =	ssyncset.done $0x0  }
0x44: {  	[sflag:s9] =	ssyncadd.s32 $0xFFFFC000  }
0x45: {  	[tilespmem:s11], [sflag:$0x1] =	stream.linear.gather [hbm4b:s22+s3], $0x4000, $0x38;
	[tilespmem:$0x1E800] =	vst v63  }
0x46: {  	_ =	swait.ge [sflag:s16], $0x4000  }
0x47: {  	[sflag:s16] =	ssyncset.done $0x0  }
0x48: {  	s31 =	sadd.s32 $0x80, s23;
	[sflag:s16] =	ssyncadd.s32 $0xFFFFC000  }
0x49: {  	[spmem:s2] =	stream.indirect.scatter.add.f32 [tilespmem:s13], [sflag:$0x3], $0x80, s31, s15, $0xb8;
	[tilespmem:$0x1E800] =	vst v63  }
0x4a: {  	_ =	swait.ge [sflag:s9], $0x4000  }
0x4b: {  	[sflag:s9] =	ssyncset.done $0x0  }
0x4c: {  	[sflag:s9] =	ssyncadd.s32 $0xFFFFC000  }
0x4d: {  	[tilespmem:s13], [sflag:$0x2] =	stream.linear.gather [hbm4b:s17+s3], $0x4000, $0x38;
	[tilespmem:$0x1E800] =	vst v63  }
0x4e: {  	_ =	swait.ge [sflag:s14], $0x4000  }
0x4f: {  	[sflag:s14] =	ssyncset.done $0x0  }
0x50: {  	[sflag:s14] =	ssyncadd.s32 $0xFFFFC000  }
0x51: {  	[spmem:s2] =	stream.indirect.scatter.add.f32 [tilespmem:s11], [sflag:$0x3], $0x80, s18, s15, $0xb8;
	[tilespmem:$0x1E800] =	vst v63  }
0x52: {  	_ =	swait.ge [sflag:s9], $0x4000  }
0x53: {  	[sflag:s9] =	ssyncset.done $0x0  }
0x54: {  	[sflag:s9] =	ssyncadd.s32 $0xFFFFC000  }
0x55: {  	_ =	swait.ge [sflag:s16], $0x4000  }
0x56: {  	[sflag:s16] =	ssyncset.done $0x0  }
0x57: {  	[sflag:s16] =	ssyncadd.s32 $0xFFFFC000  }
0x58: {  	[spmem:s2] =	stream.indirect.scatter.add.f32 [tilespmem:s13], [sflag:$0x3], $0x80, s19, s15, $0xb8;
	[tilespmem:$0x1E800] =	vst v63  }
0x59: {  	_ =	swait.ge [sflag:s9], $0x4000  }
0x5a: {  	s21 =	sadd.s32 $0x1, s21;
	[sflag:s9] =	ssyncset.done $0x0  }
0x5b: {  	p0 =	sne.s32 s21, s7;
	[sflag:s9] =	ssyncadd.s32 $0xFFFFC000  }
.Ltmp1:
0x5c: {  	[bflag:$0x0] =	sbarrier.arrive $0xFFFF;
	(pc) =	sbr.rel @p0 .LBB2_1-.Ltmp1, $4  }
0x5d: {  	[hbm:s20], [sflag:s5] =	dma.local [spmem:s8], $0x2800  }
0x5e: {  	_ =	swait.ge [sflag:s9], $0x2800  }
0x5f: {  	[sflag:s9] =	ssyncset.done $0x0  }
0x60: {  	[sflag:s9] =	ssyncadd.s32 $0xFFFFD800  }
0x61: {  	_ =	sfence.sel $0x180000  }
0x62: {  	[bflag:$0x0] =	sbarrier.arrive $0xFFFF  }
0x63: {  	p0 =	sne.s32 s1, $0x0;
	_ =	strace $0x9000004A  }
0x64: {  	s0 =	sadd.s32 @!p0 $0x100000, s0;
	[bflag:$0x2] =	sbarrier.arrive $0xFFFF  }
0x65: {  	[sflag:s0] =	ssyncadd.tile.s32 @!p0 $0x1;
	_ =	shalt  }
.Lfunc_end2:
_tile_overlayer_lowered:
.L_overlay_start_2:
0x66: {  	(tag) =	ssettag $0x2  }
0x67: {  	s0 =	rddreg [dreg:$0x0];
	s2 =	stileid.u32  }
0x68: {  	s1 =	rddreg [dreg:$0x1];
	p0 =	sne.s32 s2, $0x0  }
0x69: {  	s3 =	rddreg [dreg:$0x2];
	[bflag:$0x3] =	sbarrier.arrive $0xFFFF;
	s2 =	simm.s32 @!p0 $0x1C03  }
0x6a: {  	[timem:s3], [sflag:s2] =	dma.local @!p0 [hbm:s0], s1  }
0x6b: {  	s0 =	simm.s32 @!p0 $0x3  }
0x6c: {  	_ =	swait.ge @!p0 [sflag:s0], s1  }
0x6d: {  	s1 =	ssub.s32 @!p0 $0x0, s1;
	[sflag:s0] =	ssyncset.done @!p0 $0x0  }
0x6e: {  	[sflag:s0] =	ssyncadd.s32 @!p0 s1  }
0x6f: {  	[bflag:$0x3] =	sbarrier.arrive $0xFFFF  }
0x70: {  	_ =	shalt  }

</sc_bundles>
